<compile_context>
chip_gen: v7x
topology: tpu7x:2x2x1
jax: 0.10.2.dev20260603
libtpu: 0.0.44.dev20260713+nightly
codegen_flags: <defaults>
</compile_context>

<pallas_src>
import functools
import jax
import jax.numpy as jnp
from jax import lax
from jax.experimental import pallas as pl
from jax.experimental.pallas import tpu as pltpu
from jax.experimental.pallas import tpu_sc as plsc

F32 = jnp.float32
I32 = jnp.int32

NW = 32
CS = 3200
KB = 32


def _pro_body(x_ref, ws_ref, ws2_ref, wd_ref, wd2_ref, al_ref, ar_ref,
              fc_ref, fd_ref, el_ref, er_ref, elmx_ref, ermx_ref):
    xa = x_ref[...]
    f1 = jnp.dot(xa, ws_ref[...], preferred_element_type=F32)
    f2 = jnp.dot(xa, ws2_ref[...], preferred_element_type=F32)
    fd = jnp.dot(xa, wd_ref[...], preferred_element_type=F32)
    fc_ref[...] = jnp.concatenate([f1, f2], axis=1)
    fd_ref[...] = fd
    elb = jnp.dot(f2, al_ref[...], preferred_element_type=F32)
    ver = jnp.dot(wd2_ref[...], ar_ref[...], preferred_element_type=F32)
    erb = jnp.dot(xa, ver, preferred_element_type=F32)
    el_ref[...] = elb
    er_ref[...] = erb

    @pl.when(pl.program_id(0) == 0)
    def _():
        elmx_ref[...] = jnp.full((1, 1), -jnp.inf, F32)
        ermx_ref[...] = jnp.full((1, 1), -jnp.inf, F32)

    elmx_ref[...] = jnp.maximum(elmx_ref[...], jnp.full((1, 1), jnp.max(elb)))
    ermx_ref[...] = jnp.maximum(ermx_ref[...], jnp.full((1, 1), jnp.max(erb)))


def _epi_body(fd_ref, am_ref, aa_ref, dn_ref, wa_ref, b_ref, out_ref):
    dn = dn_ref[...]
    neigh = jnp.where(dn > 0.0, am_ref[...], 0.0)
    inv = 1.0 / jnp.maximum(dn, 1e-12)
    rst = fd_ref[...] + neigh + aa_ref[...] * inv
    out_ref[...] = (jnp.dot(rst, wa_ref[...], preferred_element_type=F32)
                    + b_ref[...])


def _make_sc_edge(N, E, D, NP, NOWN):
    nchunks = E // CS
    mesh = plsc.VectorSubcoreMesh(core_axis_name="c", subcore_axis_name="s")
    acc_words = (NOWN + 1) * D
    UNROLL = 4

    @functools.partial(
        pl.kernel,
        out_type=[
            jax.ShapeDtypeStruct((NP * D,), F32),
            jax.ShapeDtypeStruct((NP * D,), F32),
            jax.ShapeDtypeStruct((NP,), F32),
        ],
        mesh=mesh,
        compiler_params=pltpu.CompilerParams(needs_layout_passes=False),
        scratch_types=[
            pltpu.VMEM((NP,), F32),
            pltpu.VMEM((NOWN,), F32),
            pltpu.VMEM((16,), F32),
            pltpu.VMEM((acc_words,), F32),
            pltpu.VMEM((acc_words,), F32),
            pltpu.VMEM((NOWN,), F32),
            pltpu.VMEM((2, CS), I32),
            pltpu.VMEM((2, CS), I32),
            pltpu.VMEM((CS + 16,), I32),
            pltpu.VMEM((CS + 16,), I32),
            pltpu.VMEM((KB,), F32),
            pltpu.VMEM((2 * KB, 2 * D), F32),
            pltpu.SemaphoreType.DMA,
            pltpu.SemaphoreType.DMA,
            pltpu.SemaphoreType.DMA,
        ],
    )
    def sc_edge(src_hbm, dst_hbm, el_hbm, er_hbm, fc_hbm, mx_hbm,
                omax_hbm, oadd_hbm, oden_hbm,
                el_v, er_v, mx_v, amax_v, aadd_v, den_v,
                srcc_v, dstc_v, wls_v, wld_v, pb_v, rowc_v,
                sem1, semcs, semcd):
        wid = lax.axis_index("s") * 2 + lax.axis_index("c")
        base = wid * NOWN

        pltpu.sync_copy(el_hbm, el_v)
        pltpu.sync_copy(er_hbm.at[pl.ds(base, NOWN)], er_v)
        pltpu.sync_copy(mx_hbm, mx_v)

        neg = jnp.full((16,), -3.4e38, F32)
        zf = jnp.zeros((16,), F32)
        zi = jnp.zeros((16,), I32)
        lanes = lax.iota(I32, 16)
        gdn = lax.GatherDimensionNumbers(
            offset_dims=(), collapsed_slice_dims=(0,), start_index_map=(0,))

        def init_acc(i, _):
            amax_v[pl.ds(i * 16, 16)] = neg
            aadd_v[pl.ds(i * 16, 16)] = zf
            return 0
        lax.fori_loop(0, acc_words // 16, init_acc, 0)

        def init_den(i, _):
            den_v[pl.ds(i * 16, 16)] = zf
            return 0
        lax.fori_loop(0, NOWN // 16, init_den, 0)

        def init_wl(i, _):
            wls_v[pl.ds(i * 16, 16)] = zi
            wld_v[pl.ds(i * 16, 16)] = zi
            return 0
        lax.fori_loop(0, (CS + 16) // 16, init_wl, 0)

        pltpu.async_copy(src_hbm.at[pl.ds(0, CS)], srcc_v.at[0], semcs)
        pltpu.async_copy(dst_hbm.at[pl.ds(0, CS)], dstc_v.at[0], semcd)

        def chunk_body(c, _):
            sel = lax.rem(c, 2)
            eoff = c * CS
            pltpu.make_async_copy(src_hbm.at[pl.ds(eoff, CS)],
                                  srcc_v.at[sel], semcs).wait()
            pltpu.make_async_copy(dst_hbm.at[pl.ds(eoff, CS)],
                                  dstc_v.at[sel], semcd).wait()

            @pl.when(c + 1 < nchunks)
            def _():
                nxt = lax.rem(c + 1, 2)
                noff = (c + 1) * CS
                pltpu.async_copy(src_hbm.at[pl.ds(noff, CS)],
                                 srcc_v.at[nxt], semcs)
                pltpu.async_copy(dst_hbm.at[pl.ds(noff, CS)],
                                 dstc_v.at[nxt], semcd)

            def comp_body(g, off_vec):
                for gg in range(UNROLL):
                    sl = pl.ds((g * UNROLL + gg) * 16, 16)
                    dv = dstc_v[sel, sl]
                    sv = srcc_v[sel, sl]
                    dl = dv - base
                    m = dl.astype(jnp.uint32) < jnp.uint32(NOWN)
                    cum = plsc.cumsum(m.astype(I32))
                    pos = off_vec + cum - 1
                    plsc.store_scatter(wls_v, [pos], sv, mask=m)
                    plsc.store_scatter(wld_v, [pos], dl, mask=m)
                    off_vec = off_vec + plsc.all_reduce_population_count(m)
                return off_vec
            off_vec = lax.fori_loop(0, CS // (16 * UNROLL), comp_body, zi)
            nw = jnp.max(off_vec)

            nb = (nw + KB - 1) // KB

            @pl.when(nb > 0)
            def _():
                pltpu.async_copy(fc_hbm.at[wls_v.at[pl.ds(0, KB)]],
                                 rowc_v.at[pl.ds(0, KB)], sem1)

            def flush_body(b, _):
                boff = b * KB
                rsel = lax.rem(b, 2) * KB
                lim = jnp.minimum(nw - boff, KB)
                mxv = mx_v[...]
                for g in range(KB // 16):
                    sl = pl.ds(boff + g * 16, 16)
                    sv = wls_v[sl]
                    dlv = wld_v[sl]
                    elg = plsc.load_gather(el_v, [sv])
                    erg = plsc.load_gather(er_v, [dlv])
                    t = elg + erg
                    lr = jnp.where(t > 0.0, t, 0.2 * t)
                    pv = jnp.exp(lr - mxv)
                    valid = (lanes + g * 16) < lim
                    plsc.addupdate_scatter(den_v, [dlv], pv, mask=valid)
                    pb_v[pl.ds(g * 16, 16)] = pv
                pltpu.make_async_copy(
                    fc_hbm.at[wls_v.at[pl.ds(boff, KB)]],
                    rowc_v.at[pl.ds(rsel, KB)], sem1).wait()

                @pl.when(b + 1 < nb)
                def _():
                    nboff = boff + KB
                    nrsel = lax.rem(b + 1, 2) * KB
                    pltpu.async_copy(fc_hbm.at[wls_v.at[pl.ds(nboff, KB)]],
                                     rowc_v.at[pl.ds(nrsel, KB)], sem1)

                def edge_body(it, _):
                    for k in range(2):
                        i = it * 2 + k
                        lane = lax.rem(i, 16)
                        grp = lax.div(i, 16)
                        lane_splat = jnp.full((16,), lane, I32)
                        r_vec = wld_v[pl.ds(boff + grp * 16, 16)]
                        p_vec = pb_v[pl.ds(grp * 16, 16)]
                        r_splat = lax.gather(
                            r_vec, lane_splat[:, None], gdn, (1,),
                            mode=lax.GatherScatterMode.PROMISE_IN_BOUNDS)
                        r_splat = jnp.where(i < lim, r_splat, NOWN)
                        p_splat = lax.gather(
                            p_vec, lane_splat[:, None], gdn, (1,),
                            mode=lax.GatherScatterMode.PROMISE_IN_BOUNDS)
                        addr0 = r_splat * D + lanes
                        ri = rsel + i
                        addrs = [addr0 + j * 16 for j in range(D // 16)]
                        v1s = [rowc_v[ri, pl.ds(j * 16, 16)]
                               for j in range(D // 16)]
                        curs = [plsc.load_gather(amax_v, [a])
                                for a in addrs]
                        for j in range(D // 16):
                            plsc.store_scatter(amax_v, [addrs[j]],
                                               jnp.maximum(curs[j], v1s[j]))
                        for j in range(D // 16):
                            v2 = rowc_v[ri, pl.ds(D + j * 16, 16)]
                            plsc.addupdate_scatter(aadd_v, [addrs[j]],
                                                   p_splat * v2)
                    return 0
                lax.fori_loop(0, (lim + 1) // 2, edge_body, 0)
                return 0
            lax.fori_loop(0, nb, flush_body, 0)
            return 0
        lax.fori_loop(0, nchunks, chunk_body, 0)

        pltpu.sync_copy(amax_v.at[pl.ds(0, NOWN * D)],
                        omax_hbm.at[pl.ds(base * D, NOWN * D)])
        pltpu.sync_copy(aadd_v.at[pl.ds(0, NOWN * D)],
                        oadd_hbm.at[pl.ds(base * D, NOWN * D)])
        pltpu.sync_copy(den_v, oden_hbm.at[pl.ds(base, NOWN)])

    return sc_edge


def kernel(x, edge_index, W_src, W_dst, W_src2, W_dst2, attn_l, attn_r,
           W_apply, b_apply):
    N, D = x.shape
    E = edge_index.shape[1]
    NOWN = ((N + NW - 1) // NW + 7) // 8 * 8
    NP = NW * NOWN

    src = edge_index[0]
    dst = edge_index[1]
    Ep = ((E + CS - 1) // CS) * CS
    if Ep != E:
        src = jnp.concatenate([src, jnp.zeros((Ep - E,), I32)])
        dst = jnp.concatenate([dst, jnp.full((Ep - E,), NP, I32)])

    nblk = 10
    B = N // nblk if N % nblk == 0 else N
    grid = N // B

    fc, fd, el, er, elmx, ermx = pl.pallas_call(
        _pro_body,
        grid=(grid,),
        in_specs=[
            pl.BlockSpec((B, D), lambda i: (i, 0)),
            pl.BlockSpec((D, D), lambda i: (0, 0)),
            pl.BlockSpec((D, D), lambda i: (0, 0)),
            pl.BlockSpec((D, D), lambda i: (0, 0)),
            pl.BlockSpec((D, D), lambda i: (0, 0)),
            pl.BlockSpec((D, 1), lambda i: (0, 0)),
            pl.BlockSpec((D, 1), lambda i: (0, 0)),
        ],
        out_specs=[
            pl.BlockSpec((B, 2 * D), lambda i: (i, 0)),
            pl.BlockSpec((B, D), lambda i: (i, 0)),
            pl.BlockSpec((B, 1), lambda i: (i, 0)),
            pl.BlockSpec((B, 1), lambda i: (i, 0)),
            pl.BlockSpec((1, 1), lambda i: (0, 0)),
            pl.BlockSpec((1, 1), lambda i: (0, 0)),
        ],
        out_shape=[
            jax.ShapeDtypeStruct((N, 2 * D), F32),
            jax.ShapeDtypeStruct((N, D), F32),
            jax.ShapeDtypeStruct((N, 1), F32),
            jax.ShapeDtypeStruct((N, 1), F32),
            jax.ShapeDtypeStruct((1, 1), F32),
            jax.ShapeDtypeStruct((1, 1), F32),
        ],
    )(x, W_src, W_src2, W_dst, W_dst2,
      attn_l.reshape(D, 1), attn_r.reshape(D, 1))

    mx = jnp.maximum(elmx[0, 0] + ermx[0, 0], 0.0)
    mx16 = jnp.full((16,), mx, F32)
    el_p = jnp.pad(el.reshape(N), (0, NP - N))
    er_p = jnp.pad(er.reshape(N), (0, NP - N))

    sc_edge = _make_sc_edge(N, Ep, D, NP, NOWN)
    omax, oadd, oden = sc_edge(src, dst, el_p, er_p, fc, mx16)

    am = omax.reshape(NP, D)[:N]
    aa = oadd.reshape(NP, D)[:N]
    dn = oden.reshape(NP, 1)[:N]

    out = pl.pallas_call(
        _epi_body,
        grid=(grid,),
        in_specs=[
            pl.BlockSpec((B, D), lambda i: (i, 0)),
            pl.BlockSpec((B, D), lambda i: (i, 0)),
            pl.BlockSpec((B, D), lambda i: (i, 0)),
            pl.BlockSpec((B, 1), lambda i: (i, 0)),
            pl.BlockSpec((D, D), lambda i: (0, 0)),
            pl.BlockSpec((1, D), lambda i: (0, 0)),
        ],
        out_specs=pl.BlockSpec((B, D), lambda i: (i, 0)),
        out_shape=jax.ShapeDtypeStruct((N, D), F32),
    )(fd, am, aa, dn, W_apply, b_apply.reshape(1, D))

    return out

# --- scband reference (transcript-rebuilt; emitter-appended) ---
"""Pipeline reference for scband-model-71863392796757 (READ-ONLY COPY).

The authoritative reference and input builder live on the scoring server;
editing this copy changes nothing except your own understanding.
"""

import jax, jax.numpy as jnp
import numpy as np

N_NODES = 10000
N_EDGES = 320000
D = 128


def setup_inputs(seed: int = 0) -> dict:
    key = jax.random.key(seed)
    ks = jax.random.split(key, 12)
    x = jax.random.normal(ks[0], (N_NODES, D), dtype=jnp.float32)
    edge_index = jax.random.randint(ks[1], (2, N_EDGES), 0, N_NODES, dtype=jnp.int64 if jax.config.jax_enable_x64 else jnp.int32).astype(jnp.int32)
    s = 1.0 / np.sqrt(D)
    W_src = jax.random.normal(ks[2], (D, D), dtype=jnp.float32) * s
    W_dst = jax.random.normal(ks[3], (D, D), dtype=jnp.float32) * s
    W_src2 = jax.random.normal(ks[4], (D, D), dtype=jnp.float32) * s
    W_dst2 = jax.random.normal(ks[5], (D, D), dtype=jnp.float32) * s
    attn_l = jax.random.normal(ks[6], (D,), dtype=jnp.float32) * s
    attn_r = jax.random.normal(ks[7], (D,), dtype=jnp.float32) * s
    W_apply = jax.random.normal(ks[8], (D, D), dtype=jnp.float32) * s
    b_apply = jnp.zeros((D,), dtype=jnp.float32)
    return {"x": x, "edge_index": edge_index, "W_src": W_src, "W_dst": W_dst,
            "W_src2": W_src2, "W_dst2": W_dst2, "attn_l": attn_l, "attn_r": attn_r,
            "W_apply": W_apply, "b_apply": b_apply}


def reference(x, edge_index, W_src, W_dst, W_src2, W_dst2, attn_l, attn_r, W_apply, b_apply):
    # Faithful JAX port of custom_GINConv(apply_func=Linear(128,128), aggregator_type='max')
    # on a homogeneous graph (feat_src == feat_dst == x).
    N = x.shape[0]
    src = edge_index[0]
    dst = edge_index[1]
    eps = 0.0  # init_eps=0, learn_eps=False (registered buffer)

    feat_src1 = x @ W_src
    feat_dst1 = x @ W_dst
    feat_src2 = x @ W_src2
    feat_dst2 = x @ W_dst2

    el = jnp.sum(feat_src2 * attn_l[None, :], axis=-1)  # [N]
    er = jnp.sum(feat_dst2 * attn_r[None, :], axis=-1)  # [N]

    # apply_edges(u_add_v) + leaky_relu
    e = jax.nn.leaky_relu(el[src] + er[dst], negative_slope=0.2)  # [E]

    # edge_softmax over incoming edges of each dst node
    m = jax.ops.segment_max(e, dst, num_segments=N)
    m_safe = jnp.where(jnp.isfinite(m), m, 0.0)
    e_exp = jnp.exp(e - m_safe[dst])
    denom = jax.ops.segment_sum(e_exp, dst, num_segments=N)
    a = e_exp / jnp.maximum(denom[dst], 1e-12)  # [E]

    # max-reduce of copied source features (reducer = 'max'); DGL zero-fills empty dsts
    neigh = jax.ops.segment_max(feat_src1[src], dst, num_segments=N)
    neigh = jnp.where(jnp.isfinite(neigh), neigh, 0.0)

    # attention-weighted sum aggregation
    add_ft = jax.ops.segment_sum(feat_src2[src] * a[:, None], dst, num_segments=N)

    rst = (1.0 + eps) * feat_dst1 + neigh + add_ft
    # apply_func = nn.Linear(128, 128)
    out = rst @ W_apply + b_apply
    return out

if __name__ == "__main__":
    import jax
    _d = setup_inputs()
    print(jax.jit(kernel)(*tuple(_d.values())))

</pallas_src>

<mosaic_0001>
#map = affine_map<(d0, d1) -> (0)>
#map1 = affine_map<(d0, d1) -> (0, 0)>
module attributes {stable_mosaic.version = 14 : i64} {
  func.func @sc_edge(%arg0: i32, %arg1: i32, %arg2: memref<320000xi32, #tpu.memory_space<hbm>>, %arg3: memref<320000xi32, #tpu.memory_space<hbm>>, %arg4: memref<10240xf32, #tpu.memory_space<hbm>>, %arg5: memref<10240xf32, #tpu.memory_space<hbm>>, %arg6: memref<10000x256xf32, #tpu.memory_space<hbm>>, %arg7: memref<16xf32, #tpu.memory_space<hbm>>, %arg8: memref<1310720xf32, #tpu.memory_space<hbm>>, %arg9: memref<1310720xf32, #tpu.memory_space<hbm>>, %arg10: memref<10240xf32, #tpu.memory_space<hbm>>, %arg11: memref<10240xf32, #tpu.memory_space<vmem>>, %arg12: memref<320xf32, #tpu.memory_space<vmem>>, %arg13: memref<16xf32, #tpu.memory_space<vmem>>, %arg14: memref<41088xf32, #tpu.memory_space<vmem>>, %arg15: memref<41088xf32, #tpu.memory_space<vmem>>, %arg16: memref<320xf32, #tpu.memory_space<vmem>>, %arg17: memref<2x3200xi32, #tpu.memory_space<vmem>>, %arg18: memref<2x3200xi32, #tpu.memory_space<vmem>>, %arg19: memref<3216xi32, #tpu.memory_space<vmem>>, %arg20: memref<3216xi32, #tpu.memory_space<vmem>>, %arg21: memref<32xf32, #tpu.memory_space<vmem>>, %arg22: memref<64x256xf32, #tpu.memory_space<vmem>>, %arg23: memref<!tpu.dma_semaphore, #tpu.memory_space<semaphore_mem>>, %arg24: memref<!tpu.dma_semaphore, #tpu.memory_space<semaphore_mem>>, %arg25: memref<!tpu.dma_semaphore, #tpu.memory_space<semaphore_mem>>) attributes {dimension_semantics = [#tpu.dimension_semantics<core_parallel>, #tpu.dimension_semantics<subcore_parallel>], iteration_bounds = array<i64: 2, 16>, scalar_prefetch = 0 : i64, scratch_operands = 15 : i64, tpu.core_type = #tpu.core_type<sc_vector_subcore>, window_params = [{transform_indices = #map}, {transform_indices = #map}, {transform_indices = #map}, {transform_indices = #map}, {transform_indices = #map1}, {transform_indices = #map}, {transform_indices = #map}, {transform_indices = #map}, {transform_indices = #map}]} {
    %mul3A = arith.constant 2 : i32
    %mul3A_0 = arith.muli %arg1, %mul3A : i32
    %add3A = arith.addi %mul3A_0, %arg0 : i32
    %mul3A_1 = arith.constant 320 : i32
    %mul3A_2 = arith.muli %add3A, %mul3A_1 : i32
    "tpu.region"() ({
      %run_scoped3A = tpu.sem_alloc : memref<!tpu.dma_semaphore, #tpu.memory_space<semaphore_mem>>
      tpu.enqueue_dma source(%arg4 : memref<10240xf32, #tpu.memory_space<hbm>>) target(%arg11 : memref<10240xf32, #tpu.memory_space<vmem>>) target_semaphore(%run_scoped3A : memref<!tpu.dma_semaphore, #tpu.memory_space<semaphore_mem>>)
      tpu.wait_dma2 semaphore(%run_scoped3A : memref<!tpu.dma_semaphore, #tpu.memory_space<semaphore_mem>>) src(%arg4 : memref<10240xf32, #tpu.memory_space<hbm>>) dst(%arg11 : memref<10240xf32, #tpu.memory_space<vmem>>)
      tpu.yield
    }) : () -> ()
    "tpu.region"() ({
      %run_scoped3A = tpu.sem_alloc : memref<!tpu.dma_semaphore, #tpu.memory_space<semaphore_mem>>
      %dma_start3A_60 = tpu.memref_slice %arg5[%mul3A_2] : memref<10240xf32, #tpu.memory_space<hbm>> -> memref<320xf32, #tpu.memory_space<hbm>>
      %dma_start3A_61 = tpu.memref_slice %arg5[%mul3A_2] : memref<10240xf32, #tpu.memory_space<hbm>> -> memref<320xf32, #tpu.memory_space<hbm>>
      tpu.enqueue_dma source(%dma_start3A_61 : memref<320xf32, #tpu.memory_space<hbm>>) target(%arg12 : memref<320xf32, #tpu.memory_space<vmem>>) target_semaphore(%run_scoped3A : memref<!tpu.dma_semaphore, #tpu.memory_space<semaphore_mem>>)
      %dma_wait3A = tpu.memref_slice %arg5[%mul3A_2] : memref<10240xf32, #tpu.memory_space<hbm>> -> memref<320xf32, #tpu.memory_space<hbm>>
      %dma_wait3A_62 = tpu.memref_slice %arg5[%mul3A_2] : memref<10240xf32, #tpu.memory_space<hbm>> -> memref<320xf32, #tpu.memory_space<hbm>>
      tpu.wait_dma2 semaphore(%run_scoped3A : memref<!tpu.dma_semaphore, #tpu.memory_space<semaphore_mem>>) src(%dma_wait3A_62 : memref<320xf32, #tpu.memory_space<hbm>>) dst(%arg12 : memref<320xf32, #tpu.memory_space<vmem>>)
      tpu.yield
    }) : () -> ()
    "tpu.region"() ({
      %run_scoped3A = tpu.sem_alloc : memref<!tpu.dma_semaphore, #tpu.memory_space<semaphore_mem>>
      tpu.enqueue_dma source(%arg7 : memref<16xf32, #tpu.memory_space<hbm>>) target(%arg13 : memref<16xf32, #tpu.memory_space<vmem>>) target_semaphore(%run_scoped3A : memref<!tpu.dma_semaphore, #tpu.memory_space<semaphore_mem>>)
      tpu.wait_dma2 semaphore(%run_scoped3A : memref<!tpu.dma_semaphore, #tpu.memory_space<semaphore_mem>>) src(%arg7 : memref<16xf32, #tpu.memory_space<hbm>>) dst(%arg13 : memref<16xf32, #tpu.memory_space<vmem>>)
      tpu.yield
    }) : () -> ()
    %broadcast_in_dim3A = arith.constant -3.400000e+38 : f32
    %broadcast_in_dim3A_3 = vector.broadcast %broadcast_in_dim3A : f32 to vector<16xf32>
    %broadcast_in_dim3A_4 = arith.constant 0.000000e+00 : f32
    %broadcast_in_dim3A_5 = vector.broadcast %broadcast_in_dim3A_4 : f32 to vector<16xf32>
    %broadcast_in_dim3A_6 = arith.constant 0 : i32
    %broadcast_in_dim3A_7 = vector.broadcast %broadcast_in_dim3A_6 : i32 to vector<16xi32>
    %iota3A = tpu.iota {dimensions = array<i32: 0>} : vector<16xi32>
    %scan3A = arith.constant 0 : i32
    %scan3A_8 = arith.constant 0 : i32
    %scan3A_9 = arith.constant 2568 : i32
    %scan3A_10 = arith.addi %scan3A_8, %scan3A_9 : i32
    %scan3A_11 = arith.constant 1 : i32
    %scan3A_12 = scf.for %scan3A_60 = %scan3A_8 to %scan3A_10 step %scan3A_11 iter_args(%scan3A_61 = %scan3A) -> (i32)  : i32 {
      %mul3A_62 = arith.constant 16 : i32
      %mul3A_63 = arith.muli %scan3A_60, %mul3A_62 : i32
      %swap3A = arith.index_cast %mul3A_63 : i32 to index
      %swap3A_64 = tpu.vector_load %arg14[%swap3A] {strides = array<i32>} : memref<41088xf32, #tpu.memory_space<vmem>>, vector<16xf32>,
      tpu.vector_store %arg14[%swap3A], %broadcast_in_dim3A_3 {strides = array<i32>} : memref<41088xf32, #tpu.memory_space<vmem>>, vector<16xf32>,
      %mul3A_65 = arith.constant 16 : i32
      %mul3A_66 = arith.muli %scan3A_60, %mul3A_65 : i32
      %swap3A_67 = arith.index_cast %mul3A_66 : i32 to index
      %swap3A_68 = tpu.vector_load %arg15[%swap3A_67] {strides = array<i32>} : memref<41088xf32, #tpu.memory_space<vmem>>, vector<16xf32>,
      tpu.vector_store %arg15[%swap3A_67], %broadcast_in_dim3A_5 {strides = array<i32>} : memref<41088xf32, #tpu.memory_space<vmem>>, vector<16xf32>,
      %scan3A_69 = arith.constant 0 : i32
      scf.yield %scan3A_69 : i32
    }
    %scan3A_13 = arith.constant 2568 : i32
    %scan3A_14 = arith.constant 0 : i32
    %scan3A_15 = arith.constant 0 : i32
    %scan3A_16 = arith.constant 20 : i32
    %scan3A_17 = arith.addi %scan3A_15, %scan3A_16 : i32
    %scan3A_18 = arith.constant 1 : i32
    %scan3A_19 = scf.for %scan3A_60 = %scan3A_15 to %scan3A_17 step %scan3A_18 iter_args(%scan3A_61 = %scan3A_14) -> (i32)  : i32 {
      %mul3A_62 = arith.constant 16 : i32
      %mul3A_63 = arith.muli %scan3A_60, %mul3A_62 : i32
      %swap3A = arith.index_cast %mul3A_63 : i32 to index
      %swap3A_64 = tpu.vector_load %arg16[%swap3A] {strides = array<i32>} : memref<320xf32, #tpu.memory_space<vmem>>, vector<16xf32>,
      tpu.vector_store %arg16[%swap3A], %broadcast_in_dim3A_5 {strides = array<i32>} : memref<320xf32, #tpu.memory_space<vmem>>, vector<16xf32>,
      %scan3A_65 = arith.constant 0 : i32
      scf.yield %scan3A_65 : i32
    }
    %scan3A_20 = arith.constant 20 : i32
    %scan3A_21 = arith.constant 0 : i32
    %scan3A_22 = arith.constant 0 : i32
    %scan3A_23 = arith.constant 201 : i32
    %scan3A_24 = arith.addi %scan3A_22, %scan3A_23 : i32
    %scan3A_25 = arith.constant 1 : i32
    %scan3A_26 = scf.for %scan3A_60 = %scan3A_22 to %scan3A_24 step %scan3A_25 iter_args(%scan3A_61 = %scan3A_21) -> (i32)  : i32 {
      %mul3A_62 = arith.constant 16 : i32
      %mul3A_63 = arith.muli %scan3A_60, %mul3A_62 : i32
      %swap3A = arith.index_cast %mul3A_63 : i32 to index
      %swap3A_64 = tpu.vector_load %arg19[%swap3A] {strides = array<i32>} : memref<3216xi32, #tpu.memory_space<vmem>>, vector<16xi32>,
      tpu.vector_store %arg19[%swap3A], %broadcast_in_dim3A_7 {strides = array<i32>} : memref<3216xi32, #tpu.memory_space<vmem>>, vector<16xi32>,
      %mul3A_65 = arith.constant 16 : i32
      %mul3A_66 = arith.muli %scan3A_60, %mul3A_65 : i32
      %swap3A_67 = arith.index_cast %mul3A_66 : i32 to index
      %swap3A_68 = tpu.vector_load %arg20[%swap3A_67] {strides = array<i32>} : memref<3216xi32, #tpu.memory_space<vmem>>, vector<16xi32>,
      tpu.vector_store %arg20[%swap3A_67], %broadcast_in_dim3A_7 {strides = array<i32>} : memref<3216xi32, #tpu.memory_space<vmem>>, vector<16xi32>,
      %scan3A_69 = arith.constant 0 : i32
      scf.yield %scan3A_69 : i32
    }
    %scan3A_27 = arith.constant 201 : i32
    %dma_start3A = arith.constant 0 : i32
    %dma_start3A_28 = arith.constant 0 : i32
    %dma_start3A_29 = tpu.memref_slice %arg17[%dma_start3A, %dma_start3A_28] : memref<2x3200xi32, #tpu.memory_space<vmem>> -> memref<1x3200xi32, #tpu.memory_space<vmem>>
    %dma_start3A_30 = tpu.memref_squeeze %dma_start3A_29 : memref<1x3200xi32, #tpu.memory_space<vmem>> -> memref<3200xi32, #tpu.memory_space<vmem>>
    %dma_start3A_31 = arith.constant 0 : i32
    %dma_start3A_32 = tpu.memref_slice %arg2[%dma_start3A_31] : memref<320000xi32, #tpu.memory_space<hbm>> -> memref<3200xi32, #tpu.memory_space<hbm>>
    %dma_start3A_33 = arith.constant 0 : i32
    %dma_start3A_34 = tpu.memref_slice %arg17[%dma_start3A, %dma_start3A_33] : memref<2x3200xi32, #tpu.memory_space<vmem>> -> memref<1x3200xi32, #tpu.memory_space<vmem>>
    %dma_start3A_35 = tpu.memref_squeeze %dma_start3A_34 : memref<1x3200xi32, #tpu.memory_space<vmem>> -> memref<3200xi32, #tpu.memory_space<vmem>>
    %dma_start3A_36 = arith.constant 0 : i32
    %dma_start3A_37 = tpu.memref_slice %arg2[%dma_start3A_36] : memref<320000xi32, #tpu.memory_space<hbm>> -> memref<3200xi32, #tpu.memory_space<hbm>>
    tpu.enqueue_dma source(%dma_start3A_37 : memref<3200xi32, #tpu.memory_space<hbm>>) target(%dma_start3A_35 : memref<3200xi32, #tpu.memory_space<vmem>>) target_semaphore(%arg24 : memref<!tpu.dma_semaphore, #tpu.memory_space<semaphore_mem>>)
    %dma_start3A_38 = arith.constant 0 : i32
    %dma_start3A_39 = arith.constant 0 : i32
    %dma_start3A_40 = tpu.memref_slice %arg18[%dma_start3A_38, %dma_start3A_39] : memref<2x3200xi32, #tpu.memory_space<vmem>> -> memref<1x3200xi32, #tpu.memory_space<vmem>>
    %dma_start3A_41 = tpu.memref_squeeze %dma_start3A_40 : memref<1x3200xi32, #tpu.memory_space<vmem>> -> memref<3200xi32, #tpu.memory_space<vmem>>
    %dma_start3A_42 = arith.constant 0 : i32
    %dma_start3A_43 = tpu.memref_slice %arg3[%dma_start3A_42] : memref<320000xi32, #tpu.memory_space<hbm>> -> memref<3200xi32, #tpu.memory_space<hbm>>
    %dma_start3A_44 = arith.constant 0 : i32
    %dma_start3A_45 = tpu.memref_slice %arg18[%dma_start3A_38, %dma_start3A_44] : memref<2x3200xi32, #tpu.memory_space<vmem>> -> memref<1x3200xi32, #tpu.memory_space<vmem>>
    %dma_start3A_46 = tpu.memref_squeeze %dma_start3A_45 : memref<1x3200xi32, #tpu.memory_space<vmem>> -> memref<3200xi32, #tpu.memory_space<vmem>>
    %dma_start3A_47 = arith.constant 0 : i32
    %dma_start3A_48 = tpu.memref_slice %arg3[%dma_start3A_47] : memref<320000xi32, #tpu.memory_space<hbm>> -> memref<3200xi32, #tpu.memory_space<hbm>>
    tpu.enqueue_dma source(%dma_start3A_48 : memref<3200xi32, #tpu.memory_space<hbm>>) target(%dma_start3A_46 : memref<3200xi32, #tpu.memory_space<vmem>>) target_semaphore(%arg25 : memref<!tpu.dma_semaphore, #tpu.memory_space<semaphore_mem>>)
    %scan3A_49 = arith.constant 0 : i32
    %scan3A_50 = arith.constant 0 : i32
    %scan3A_51 = arith.constant 100 : i32
    %scan3A_52 = arith.addi %scan3A_50, %scan3A_51 : i32
    %scan3A_53 = arith.constant 1 : i32
    %scan3A_54 = scf.for %scan3A_60 = %scan3A_50 to %scan3A_52 step %scan3A_53 iter_args(%scan3A_61 = %scan3A_49) -> (i32)  : i32 {
      %rem3A = arith.constant 2 : i32
      %rem3A_62 = arith.remsi %scan3A_60, %rem3A : i32
      %mul3A_63 = arith.constant 3200 : i32
      %mul3A_64 = arith.muli %scan3A_60, %mul3A_63 : i32
      %dma_wait3A = arith.constant 0 : i32
      %dma_wait3A_65 = tpu.memref_slice %arg17[%rem3A_62, %dma_wait3A] : memref<2x3200xi32, #tpu.memory_space<vmem>> -> memref<1x3200xi32, #tpu.memory_space<vmem>>
      %dma_wait3A_66 = tpu.memref_squeeze %dma_wait3A_65 : memref<1x3200xi32, #tpu.memory_space<vmem>> -> memref<3200xi32, #tpu.memory_space<vmem>>
      %dma_wait3A_67 = tpu.memref_slice %arg2[%mul3A_64] : memref<320000xi32, #tpu.memory_space<hbm>> -> memref<3200xi32, #tpu.memory_space<hbm>>
      %dma_wait3A_68 = arith.constant 0 : i32
      %dma_wait3A_69 = tpu.memref_slice %arg17[%rem3A_62, %dma_wait3A_68] : memref<2x3200xi32, #tpu.memory_space<vmem>> -> memref<1x3200xi32, #tpu.memory_space<vmem>>
      %dma_wait3A_70 = tpu.memref_squeeze %dma_wait3A_69 : memref<1x3200xi32, #tpu.memory_space<vmem>> -> memref<3200xi32, #tpu.memory_space<vmem>>
      %dma_wait3A_71 = tpu.memref_slice %arg2[%mul3A_64] : memref<320000xi32, #tpu.memory_space<hbm>> -> memref<3200xi32, #tpu.memory_space<hbm>>
      tpu.wait_dma2 semaphore(%arg24 : memref<!tpu.dma_semaphore, #tpu.memory_space<semaphore_mem>>) src(%dma_wait3A_71 : memref<3200xi32, #tpu.memory_space<hbm>>) dst(%dma_wait3A_70 : memref<3200xi32, #tpu.memory_space<vmem>>)
      %dma_wait3A_72 = arith.constant 0 : i32
      %dma_wait3A_73 = tpu.memref_slice %arg18[%rem3A_62, %dma_wait3A_72] : memref<2x3200xi32, #tpu.memory_space<vmem>> -> memref<1x3200xi32, #tpu.memory_space<vmem>>
      %dma_wait3A_74 = tpu.memref_squeeze %dma_wait3A_73 : memref<1x3200xi32, #tpu.memory_space<vmem>> -> memref<3200xi32, #tpu.memory_space<vmem>>
      %dma_wait3A_75 = tpu.memref_slice %arg3[%mul3A_64] : memref<320000xi32, #tpu.memory_space<hbm>> -> memref<3200xi32, #tpu.memory_space<hbm>>
      %dma_wait3A_76 = arith.constant 0 : i32
      %dma_wait3A_77 = tpu.memref_slice %arg18[%rem3A_62, %dma_wait3A_76] : memref<2x3200xi32, #tpu.memory_space<vmem>> -> memref<1x3200xi32, #tpu.memory_space<vmem>>
      %dma_wait3A_78 = tpu.memref_squeeze %dma_wait3A_77 : memref<1x3200xi32, #tpu.memory_space<vmem>> -> memref<3200xi32, #tpu.memory_space<vmem>>
      %dma_wait3A_79 = tpu.memref_slice %arg3[%mul3A_64] : memref<320000xi32, #tpu.memory_space<hbm>> -> memref<3200xi32, #tpu.memory_space<hbm>>
      tpu.wait_dma2 semaphore(%arg25 : memref<!tpu.dma_semaphore, #tpu.memory_space<semaphore_mem>>) src(%dma_wait3A_79 : memref<3200xi32, #tpu.memory_space<hbm>>) dst(%dma_wait3A_78 : memref<3200xi32, #tpu.memory_space<vmem>>)
      %add3A_80 = arith.constant 1 : i32
      %add3A_81 = arith.addi %scan3A_60, %add3A_80 : i32
      %lt3A = arith.constant 100 : i32
      %lt3A_82 = arith.cmpi slt, %add3A_81, %lt3A : i32
      %convert_element_type3A = arith.extui %lt3A_82 : i1 to i32
      %cond3A = arith.constant 0 : i32
      %cond3A_83 = arith.cmpi ne, %convert_element_type3A, %cond3A : i32
      scf.if %cond3A_83 {
        %add3A_134 = arith.constant 1 : i32
        %add3A_135 = arith.addi %scan3A_60, %add3A_134 : i32
        %rem3A_136 = arith.constant 2 : i32
        %rem3A_137 = arith.remsi %add3A_135, %rem3A_136 : i32
        %add3A_138 = arith.constant 1 : i32
        %add3A_139 = arith.addi %scan3A_60, %add3A_138 : i32
        %mul3A_140 = arith.constant 3200 : i32
        %mul3A_141 = arith.muli %add3A_139, %mul3A_140 : i32
        %dma_start3A_142 = arith.constant 0 : i32
        %dma_start3A_143 = tpu.memref_slice %arg17[%rem3A_137, %dma_start3A_142] : memref<2x3200xi32, #tpu.memory_space<vmem>> -> memref<1x3200xi32, #tpu.memory_space<vmem>>
        %dma_start3A_144 = tpu.memref_squeeze %dma_start3A_143 : memref<1x3200xi32, #tpu.memory_space<vmem>> -> memref<3200xi32, #tpu.memory_space<vmem>>
        %dma_start3A_145 = tpu.memref_slice %arg2[%mul3A_141] : memref<320000xi32, #tpu.memory_space<hbm>> -> memref<3200xi32, #tpu.memory_space<hbm>>
        %dma_start3A_146 = arith.constant 0 : i32
        %dma_start3A_147 = tpu.memref_slice %arg17[%rem3A_137, %dma_start3A_146] : memref<2x3200xi32, #tpu.memory_space<vmem>> -> memref<1x3200xi32, #tpu.memory_space<vmem>>
        %dma_start3A_148 = tpu.memref_squeeze %dma_start3A_147 : memref<1x3200xi32, #tpu.memory_space<vmem>> -> memref<3200xi32, #tpu.memory_space<vmem>>
        %dma_start3A_149 = tpu.memref_slice %arg2[%mul3A_141] : memref<320000xi32, #tpu.memory_space<hbm>> -> memref<3200xi32, #tpu.memory_space<hbm>>
        tpu.enqueue_dma source(%dma_start3A_149 : memref<3200xi32, #tpu.memory_space<hbm>>) target(%dma_start3A_148 : memref<3200xi32, #tpu.memory_space<vmem>>) target_semaphore(%arg24 : memref<!tpu.dma_semaphore, #tpu.memory_space<semaphore_mem>>)
        %dma_start3A_150 = arith.constant 0 : i32
        %dma_start3A_151 = tpu.memref_slice %arg18[%rem3A_137, %dma_start3A_150] : memref<2x3200xi32, #tpu.memory_space<vmem>> -> memref<1x3200xi32, #tpu.memory_space<vmem>>
        %dma_start3A_152 = tpu.memref_squeeze %dma_start3A_151 : memref<1x3200xi32, #tpu.memory_space<vmem>> -> memref<3200xi32, #tpu.memory_space<vmem>>
        %dma_start3A_153 = tpu.memref_slice %arg3[%mul3A_141] : memref<320000xi32, #tpu.memory_space<hbm>> -> memref<3200xi32, #tpu.memory_space<hbm>>
        %dma_start3A_154 = arith.constant 0 : i32
        %dma_start3A_155 = tpu.memref_slice %arg18[%rem3A_137, %dma_start3A_154] : memref<2x3200xi32, #tpu.memory_space<vmem>> -> memref<1x3200xi32, #tpu.memory_space<vmem>>
        %dma_start3A_156 = tpu.memref_squeeze %dma_start3A_155 : memref<1x3200xi32, #tpu.memory_space<vmem>> -> memref<3200xi32, #tpu.memory_space<vmem>>
        %dma_start3A_157 = tpu.memref_slice %arg3[%mul3A_141] : memref<320000xi32, #tpu.memory_space<hbm>> -> memref<3200xi32, #tpu.memory_space<hbm>>
        tpu.enqueue_dma source(%dma_start3A_157 : memref<3200xi32, #tpu.memory_space<hbm>>) target(%dma_start3A_156 : memref<3200xi32, #tpu.memory_space<vmem>>) target_semaphore(%arg25 : memref<!tpu.dma_semaphore, #tpu.memory_space<semaphore_mem>>)
      } else {
      }
      %scan3A_84 = arith.constant 0 : i32
      %scan3A_85 = arith.constant 50 : i32
      %scan3A_86 = arith.addi %scan3A_84, %scan3A_85 : i32
      %scan3A_87 = arith.constant 1 : i32
      %scan3A_88 = scf.for %scan3A_134 = %scan3A_84 to %scan3A_86 step %scan3A_87 iter_args(%scan3A_135 = %broadcast_in_dim3A_7) -> (vector<16xi32>)  : i32 {
        %mul3A_136 = arith.constant 4 : i32
        %mul3A_137 = arith.muli %scan3A_134, %mul3A_136 : i32
        %add3A_138 = arith.constant 0 : i32
        %add3A_139 = arith.addi %mul3A_137, %add3A_138 : i32
        %mul3A_140 = arith.constant 16 : i32
        %mul3A_141 = arith.muli %add3A_139, %mul3A_140 : i32
        %get3A = arith.index_cast %rem3A_62 : i32 to index
        %get3A_142 = arith.index_cast %mul3A_141 : i32 to index
        %get3A_143 = tpu.vector_load %arg18[%get3A, %get3A_142] {strides = array<i32>} : memref<2x3200xi32, #tpu.memory_space<vmem>>, vector<16xi32>,
        %get3A_144 = arith.index_cast %rem3A_62 : i32 to index
        %get3A_145 = arith.index_cast %mul3A_141 : i32 to index
        %get3A_146 = tpu.vector_load %arg17[%get3A_144, %get3A_145] {strides = array<i32>} : memref<2x3200xi32, #tpu.memory_space<vmem>>, vector<16xi32>,
        %sub3A_147 = vector.broadcast %mul3A_2 : i32 to vector<16xi32>
        %sub3A_148 = arith.subi %get3A_143, %sub3A_147 : vector<16xi32>
        %lt3A_149 = arith.constant 320 : i32
        %lt3A_150 = vector.broadcast %lt3A_149 : i32 to vector<16xi32>
        %lt3A_151 = arith.cmpi ult, %sub3A_148, %lt3A_150 : vector<16xi32>
        %convert_element_type3A_152 = arith.extui %lt3A_151 : vector<16xi1> to vector<16xi32>
        %broadcast_in_dim3A_153 = arith.constant true
        %broadcast_in_dim3A_154 = vector.broadcast %broadcast_in_dim3A_153 : i1 to vector<16xi1>
        %masked_cumsum3A = tpu.scan <sum>, %convert_element_type3A_152 masked %broadcast_in_dim3A_154 : vector<16xi32>, vector<16xi1> -> vector<16xi32>
        %add3A_155 = arith.addi %scan3A_135, %masked_cumsum3A : vector<16xi32>
        %sub3A_156 = arith.constant 1 : i32
        %sub3A_157 = vector.broadcast %sub3A_156 : i32 to vector<16xi32>
        %sub3A_158 = arith.subi %add3A_155, %sub3A_157 : vector<16xi32>
        tpu.vector_store_idx %arg19[%sub3A_158], %get3A_146 masked %lt3A_151 : memref<3216xi32, #tpu.memory_space<vmem>>[vector<16xi32>], vector<16xi32>, vector<16xi1>
        tpu.vector_store_idx %arg20[%sub3A_158], %sub3A_148 masked %lt3A_151 : memref<3216xi32, #tpu.memory_space<vmem>>[vector<16xi32>], vector<16xi32>, vector<16xi1>
        %all_reduce_population_count3A = tpu.all_reduce %lt3A_151 {dim = 0 : i64, kind = #tpu.reduction_kind<sum>} : vector<16xi1> -> vector<16xi32>
        %add3A_159 = arith.addi %scan3A_135, %all_reduce_population_count3A : vector<16xi32>
        %mul3A_160 = arith.constant 4 : i32
        %mul3A_161 = arith.muli %scan3A_134, %mul3A_160 : i32
        %add3A_162 = arith.constant 1 : i32
        %add3A_163 = arith.addi %mul3A_161, %add3A_162 : i32
        %mul3A_164 = arith.constant 16 : i32
        %mul3A_165 = arith.muli %add3A_163, %mul3A_164 : i32
        %get3A_166 = arith.index_cast %rem3A_62 : i32 to index
        %get3A_167 = arith.index_cast %mul3A_165 : i32 to index
        %get3A_168 = tpu.vector_load %arg18[%get3A_166, %get3A_167] {strides = array<i32>} : memref<2x3200xi32, #tpu.memory_space<vmem>>, vector<16xi32>,
        %get3A_169 = arith.index_cast %rem3A_62 : i32 to index
        %get3A_170 = arith.index_cast %mul3A_165 : i32 to index
        %get3A_171 = tpu.vector_load %arg17[%get3A_169, %get3A_170] {strides = array<i32>} : memref<2x3200xi32, #tpu.memory_space<vmem>>, vector<16xi32>,
        %sub3A_172 = vector.broadcast %mul3A_2 : i32 to vector<16xi32>
        %sub3A_173 = arith.subi %get3A_168, %sub3A_172 : vector<16xi32>
        %lt3A_174 = arith.constant 320 : i32
        %lt3A_175 = vector.broadcast %lt3A_174 : i32 to vector<16xi32>
        %lt3A_176 = arith.cmpi ult, %sub3A_173, %lt3A_175 : vector<16xi32>
        %convert_element_type3A_177 = arith.extui %lt3A_176 : vector<16xi1> to vector<16xi32>
        %broadcast_in_dim3A_178 = arith.constant true
        %broadcast_in_dim3A_179 = vector.broadcast %broadcast_in_dim3A_178 : i1 to vector<16xi1>
        %masked_cumsum3A_180 = tpu.scan <sum>, %convert_element_type3A_177 masked %broadcast_in_dim3A_179 : vector<16xi32>, vector<16xi1> -> vector<16xi32>
        %add3A_181 = arith.addi %add3A_159, %masked_cumsum3A_180 : vector<16xi32>
        %sub3A_182 = arith.constant 1 : i32
        %sub3A_183 = vector.broadcast %sub3A_182 : i32 to vector<16xi32>
        %sub3A_184 = arith.subi %add3A_181, %sub3A_183 : vector<16xi32>
        tpu.vector_store_idx %arg19[%sub3A_184], %get3A_171 masked %lt3A_176 : memref<3216xi32, #tpu.memory_space<vmem>>[vector<16xi32>], vector<16xi32>, vector<16xi1>
        tpu.vector_store_idx %arg20[%sub3A_184], %sub3A_173 masked %lt3A_176 : memref<3216xi32, #tpu.memory_space<vmem>>[vector<16xi32>], vector<16xi32>, vector<16xi1>
        %all_reduce_population_count3A_185 = tpu.all_reduce %lt3A_176 {dim = 0 : i64, kind = #tpu.reduction_kind<sum>} : vector<16xi1> -> vector<16xi32>
        %add3A_186 = arith.addi %add3A_159, %all_reduce_population_count3A_185 : vector<16xi32>
        %mul3A_187 = arith.constant 4 : i32
        %mul3A_188 = arith.muli %scan3A_134, %mul3A_187 : i32
        %add3A_189 = arith.constant 2 : i32
        %add3A_190 = arith.addi %mul3A_188, %add3A_189 : i32
        %mul3A_191 = arith.constant 16 : i32
        %mul3A_192 = arith.muli %add3A_190, %mul3A_191 : i32
        %get3A_193 = arith.index_cast %rem3A_62 : i32 to index
        %get3A_194 = arith.index_cast %mul3A_192 : i32 to index
        %get3A_195 = tpu.vector_load %arg18[%get3A_193, %get3A_194] {strides = array<i32>} : memref<2x3200xi32, #tpu.memory_space<vmem>>, vector<16xi32>,
        %get3A_196 = arith.index_cast %rem3A_62 : i32 to index
        %get3A_197 = arith.index_cast %mul3A_192 : i32 to index
        %get3A_198 = tpu.vector_load %arg17[%get3A_196, %get3A_197] {strides = array<i32>} : memref<2x3200xi32, #tpu.memory_space<vmem>>, vector<16xi32>,
        %sub3A_199 = vector.broadcast %mul3A_2 : i32 to vector<16xi32>
        %sub3A_200 = arith.subi %get3A_195, %sub3A_199 : vector<16xi32>
        %lt3A_201 = arith.constant 320 : i32
        %lt3A_202 = vector.broadcast %lt3A_201 : i32 to vector<16xi32>
        %lt3A_203 = arith.cmpi ult, %sub3A_200, %lt3A_202 : vector<16xi32>
        %convert_element_type3A_204 = arith.extui %lt3A_203 : vector<16xi1> to vector<16xi32>
        %broadcast_in_dim3A_205 = arith.constant true
        %broadcast_in_dim3A_206 = vector.broadcast %broadcast_in_dim3A_205 : i1 to vector<16xi1>
        %masked_cumsum3A_207 = tpu.scan <sum>, %convert_element_type3A_204 masked %broadcast_in_dim3A_206 : vector<16xi32>, vector<16xi1> -> vector<16xi32>
        %add3A_208 = arith.addi %add3A_186, %masked_cumsum3A_207 : vector<16xi32>
        %sub3A_209 = arith.constant 1 : i32
        %sub3A_210 = vector.broadcast %sub3A_209 : i32 to vector<16xi32>
        %sub3A_211 = arith.subi %add3A_208, %sub3A_210 : vector<16xi32>
        tpu.vector_store_idx %arg19[%sub3A_211], %get3A_198 masked %lt3A_203 : memref<3216xi32, #tpu.memory_space<vmem>>[vector<16xi32>], vector<16xi32>, vector<16xi1>
        tpu.vector_store_idx %arg20[%sub3A_211], %sub3A_200 masked %lt3A_203 : memref<3216xi32, #tpu.memory_space<vmem>>[vector<16xi32>], vector<16xi32>, vector<16xi1>
        %all_reduce_population_count3A_212 = tpu.all_reduce %lt3A_203 {dim = 0 : i64, kind = #tpu.reduction_kind<sum>} : vector<16xi1> -> vector<16xi32>
        %add3A_213 = arith.addi %add3A_186, %all_reduce_population_count3A_212 : vector<16xi32>
        %mul3A_214 = arith.constant 4 : i32
        %mul3A_215 = arith.muli %scan3A_134, %mul3A_214 : i32
        %add3A_216 = arith.constant 3 : i32
        %add3A_217 = arith.addi %mul3A_215, %add3A_216 : i32
        %mul3A_218 = arith.constant 16 : i32
        %mul3A_219 = arith.muli %add3A_217, %mul3A_218 : i32
        %get3A_220 = arith.index_cast %rem3A_62 : i32 to index
        %get3A_221 = arith.index_cast %mul3A_219 : i32 to index
        %get3A_222 = tpu.vector_load %arg18[%get3A_220, %get3A_221] {strides = array<i32>} : memref<2x3200xi32, #tpu.memory_space<vmem>>, vector<16xi32>,
        %get3A_223 = arith.index_cast %rem3A_62 : i32 to index
        %get3A_224 = arith.index_cast %mul3A_219 : i32 to index
        %get3A_225 = tpu.vector_load %arg17[%get3A_223, %get3A_224] {strides = array<i32>} : memref<2x3200xi32, #tpu.memory_space<vmem>>, vector<16xi32>,
        %sub3A_226 = vector.broadcast %mul3A_2 : i32 to vector<16xi32>
        %sub3A_227 = arith.subi %get3A_222, %sub3A_226 : vector<16xi32>
        %lt3A_228 = arith.constant 320 : i32
        %lt3A_229 = vector.broadcast %lt3A_228 : i32 to vector<16xi32>
        %lt3A_230 = arith.cmpi ult, %sub3A_227, %lt3A_229 : vector<16xi32>
        %convert_element_type3A_231 = arith.extui %lt3A_230 : vector<16xi1> to vector<16xi32>
        %broadcast_in_dim3A_232 = arith.constant true
        %broadcast_in_dim3A_233 = vector.broadcast %broadcast_in_dim3A_232 : i1 to vector<16xi1>
        %masked_cumsum3A_234 = tpu.scan <sum>, %convert_element_type3A_231 masked %broadcast_in_dim3A_233 : vector<16xi32>, vector<16xi1> -> vector<16xi32>
        %add3A_235 = arith.addi %add3A_213, %masked_cumsum3A_234 : vector<16xi32>
        %sub3A_236 = arith.constant 1 : i32
        %sub3A_237 = vector.broadcast %sub3A_236 : i32 to vector<16xi32>
        %sub3A_238 = arith.subi %add3A_235, %sub3A_237 : vector<16xi32>
        tpu.vector_store_idx %arg19[%sub3A_238], %get3A_225 masked %lt3A_230 : memref<3216xi32, #tpu.memory_space<vmem>>[vector<16xi32>], vector<16xi32>, vector<16xi1>
        tpu.vector_store_idx %arg20[%sub3A_238], %sub3A_227 masked %lt3A_230 : memref<3216xi32, #tpu.memory_space<vmem>>[vector<16xi32>], vector<16xi32>, vector<16xi1>
        %all_reduce_population_count3A_239 = tpu.all_reduce %lt3A_230 {dim = 0 : i64, kind = #tpu.reduction_kind<sum>} : vector<16xi1> -> vector<16xi32>
        %add3A_240 = arith.addi %add3A_213, %all_reduce_population_count3A_239 : vector<16xi32>
        scf.yield %add3A_240 : vector<16xi32>
      }
      %scan3A_89 = arith.constant 50 : i32
      %reduce_max3A = arith.constant true
      %reduce_max3A_90 = vector.broadcast %reduce_max3A : i1 to vector<16xi1>
      %reduce_max3A_91 = arith.constant -2147483648 : i32
      %reduce_max3A_92 = vector.broadcast %reduce_max3A_91 : i32 to vector<16xi32>
      %reduce_max3A_93 = arith.xori %scan3A_88, %reduce_max3A_92 : vector<16xi32>
      %reduce_max3A_94 = tpu.scan <max>, %reduce_max3A_93 masked %reduce_max3A_90 : vector<16xi32>, vector<16xi1> -> vector<16xi32>
      %reduce_max3A_95 = arith.xori %reduce_max3A_94, %reduce_max3A_92 : vector<16xi32>
      %reduce_max3A_96 = vector.extract %reduce_max3A_95[15] : i32 from vector<16xi32>
      %add3A_97 = arith.constant 32 : i32
      %add3A_98 = arith.addi %reduce_max3A_96, %add3A_97 : i32
      %sub3A = arith.constant 1 : i32
      %sub3A_99 = arith.subi %add3A_98, %sub3A : i32
      %jit3A = arith.constant 32 : i32
      %div3A = arith.divsi %sub3A_99, %jit3A : i32
      %sign3A = arith.constant 0 : i32
      %sign3A_100 = arith.cmpi sgt, %sub3A_99, %sign3A : i32
      %sign3A_101 = arith.extui %sign3A_100 : i1 to i32
      %sign3A_102 = arith.constant 0 : i32
      %sign3A_103 = arith.cmpi slt, %sub3A_99, %sign3A_102 : i32
      %sign3A_104 = arith.extui %sign3A_103 : i1 to i32
      %sign3A_105 = arith.subi %sign3A_101, %sign3A_104 : i32
      %sign3A_106 = arith.constant 0 : i32
      %sign3A_107 = arith.cmpi sgt, %jit3A, %sign3A_106 : i32
      %sign3A_108 = arith.extui %sign3A_107 : i1 to i32
      %sign3A_109 = arith.constant 0 : i32
      %sign3A_110 = arith.cmpi slt, %jit3A, %sign3A_109 : i32
      %sign3A_111 = arith.extui %sign3A_110 : i1 to i32
      %sign3A_112 = arith.subi %sign3A_108, %sign3A_111 : i32
      %ne3A = arith.cmpi ne, %sign3A_105, %sign3A_112 : i32
      %rem3A_113 = arith.remsi %sub3A_99, %jit3A : i32
      %ne3A_114 = arith.constant 0 : i32
      %ne3A_115 = arith.cmpi ne, %rem3A_113, %ne3A_114 : i32
      %and3A = arith.andi %ne3A, %ne3A_115 : i1
      %sub3A_116 = arith.constant 1 : i32
      %sub3A_117 = arith.subi %div3A, %sub3A_116 : i32
      %select_n3A = arith.select %and3A, %sub3A_117, %div3A : i32
      %gt3A = arith.constant 0 : i32
      %gt3A_118 = arith.cmpi sgt, %select_n3A, %gt3A : i32
      %convert_element_type3A_119 = arith.extui %gt3A_118 : i1 to i32
      %cond3A_120 = arith.constant 0 : i32
      %cond3A_121 = arith.cmpi ne, %convert_element_type3A_119, %cond3A_120 : i32
      scf.if %cond3A_121 {
        %dma_start3A_134 = arith.constant 0 : i32
        %dma_start3A_135 = arith.constant 0 : i32
        %dma_start3A_136 = tpu.memref_slice %arg22[%dma_start3A_134, %dma_start3A_135] : memref<64x256xf32, #tpu.memory_space<vmem>> -> memref<32x256xf32, #tpu.memory_space<vmem>>
        %dma_start3A_137 = arith.constant 0 : i32
        %dma_start3A_138 = tpu.memref_slice %arg19[%dma_start3A_137] : memref<3216xi32, #tpu.memory_space<vmem>> -> memref<32xi32, #tpu.memory_space<vmem>>
        %dma_start3A_139 = arith.constant 0 : i32
        %dma_start3A_140 = arith.constant 0 : i32
        %dma_start3A_141 = tpu.memref_slice %arg6[%dma_start3A_139, %dma_start3A_140] : memref<10000x256xf32, #tpu.memory_space<hbm>> -> memref<10000x256xf32, #tpu.memory_space<hbm>>
        tpu.enqueue_indirect_dma source(%dma_start3A_141 : memref<10000x256xf32, #tpu.memory_space<hbm>>) target(%dma_start3A_136 : memref<32x256xf32, #tpu.memory_space<vmem>>) offsets(%dma_start3A_138 : memref<32xi32, #tpu.memory_space<vmem>>) semaphore(%arg23 : memref<!tpu.dma_semaphore, #tpu.memory_space<semaphore_mem>>)
      } else {
      }
      %while3A = arith.constant 0 : i32
      %while3A_122 = arith.constant 0 : i32
      %while3A_123 = arith.subi %select_n3A, %while3A : i32
      %while3A_124 = arith.addi %while3A, %while3A_123 : i32
      %while3A_125 = arith.constant 1 : i32
      %while3A_126 = arith.divsi %while3A_123, %while3A_125 : i32
      %while3A_127 = arith.muli %while3A_126, %while3A_125 : i32
      %while3A_128 = arith.addi %while3A, %while3A_127 : i32
      %while3A_129 = arith.constant 1 : i32
      %while3A_130 = scf.for %while3A_134 = %while3A to %while3A_128 step %while3A_129 iter_args(%while3A_135 = %while3A_122) -> (i32)  : i32 {
        %mul3A_136 = arith.constant 32 : i32
        %mul3A_137 = arith.muli %while3A_134, %mul3A_136 : i32
        %rem3A_138 = arith.constant 2 : i32
        %rem3A_139 = arith.remsi %while3A_134, %rem3A_138 : i32
        %mul3A_140 = arith.constant 32 : i32
        %mul3A_141 = arith.muli %rem3A_139, %mul3A_140 : i32
        %sub3A_142 = arith.subi %reduce_max3A_96, %mul3A_137 : i32
        %min3A = arith.constant 32 : i32
        %min3A_143 = arith.minsi %sub3A_142, %min3A : i32
        %get3A = arith.constant 0 : index
        %get3A_144 = tpu.vector_load %arg13[%get3A] {strides = array<i32>} : memref<16xf32, #tpu.memory_space<vmem>>, vector<16xf32>,
        %add3A_145 = arith.constant 0 : i32
        %add3A_146 = arith.addi %mul3A_137, %add3A_145 : i32
        %get3A_147 = arith.index_cast %add3A_146 : i32 to index
        %get3A_148 = tpu.vector_load %arg19[%get3A_147] {strides = array<i32>} : memref<3216xi32, #tpu.memory_space<vmem>>, vector<16xi32>,
        %get3A_149 = arith.index_cast %add3A_146 : i32 to index
        %get3A_150 = tpu.vector_load %arg20[%get3A_149] {strides = array<i32>} : memref<3216xi32, #tpu.memory_space<vmem>>, vector<16xi32>,
        %gather3A = tpu.vector_load_idx %arg11[%get3A_148] : memref<10240xf32, #tpu.memory_space<vmem>>[vector<16xi32>], vector<16xf32>,
        %gather3A_151 = tpu.vector_load_idx %arg12[%get3A_150] : memref<320xf32, #tpu.memory_space<vmem>>[vector<16xi32>], vector<16xf32>,
        %add3A_152 = arith.addf %gather3A, %gather3A_151 : vector<16xf32>
        %gt3A_153 = arith.constant 0.000000e+00 : f32
        %gt3A_154 = vector.broadcast %gt3A_153 : f32 to vector<16xf32>
        %gt3A_155 = arith.cmpf ogt, %add3A_152, %gt3A_154 : vector<16xf32>
        %mul3A_156 = arith.constant 2.000000e-01 : f32
        %mul3A_157 = vector.broadcast %mul3A_156 : f32 to vector<16xf32>
        %mul3A_158 = arith.mulf %mul3A_157, %add3A_152 : vector<16xf32>
        %select_n3A_159 = arith.select %gt3A_155, %add3A_152, %mul3A_158 : vector<16xi1>, vector<16xf32>
        %sub3A_160 = arith.subf %select_n3A_159, %get3A_144 : vector<16xf32>
        %exp3A = math.exp %sub3A_160 : vector<16xf32>
        %add3A_161 = arith.constant 0 : i32
        %add3A_162 = vector.broadcast %add3A_161 : i32 to vector<16xi32>
        %add3A_163 = arith.addi %iota3A, %add3A_162 : vector<16xi32>
        %lt3A_164 = vector.broadcast %min3A_143 : i32 to vector<16xi32>
        %lt3A_165 = arith.cmpi slt, %add3A_163, %lt3A_164 : vector<16xi32>
        tpu.vector_store_idx %arg16[%get3A_150], %exp3A masked %lt3A_165 {add = true} : memref<320xf32, #tpu.memory_space<vmem>>[vector<16xi32>], vector<16xf32>, vector<16xi1>
        %swap3A = arith.constant 0 : index
        %swap3A_166 = tpu.vector_load %arg21[%swap3A] {strides = array<i32>} : memref<32xf32, #tpu.memory_space<vmem>>, vector<16xf32>,
        tpu.vector_store %arg21[%swap3A], %exp3A {strides = array<i32>} : memref<32xf32, #tpu.memory_space<vmem>>, vector<16xf32>,
        %add3A_167 = arith.constant 16 : i32
        %add3A_168 = arith.addi %mul3A_137, %add3A_167 : i32
        %get3A_169 = arith.index_cast %add3A_168 : i32 to index
        %get3A_170 = tpu.vector_load %arg19[%get3A_169] {strides = array<i32>} : memref<3216xi32, #tpu.memory_space<vmem>>, vector<16xi32>,
        %get3A_171 = arith.index_cast %add3A_168 : i32 to index
        %get3A_172 = tpu.vector_load %arg20[%get3A_171] {strides = array<i32>} : memref<3216xi32, #tpu.memory_space<vmem>>, vector<16xi32>,
        %gather3A_173 = tpu.vector_load_idx %arg11[%get3A_170] : memref<10240xf32, #tpu.memory_space<vmem>>[vector<16xi32>], vector<16xf32>,
        %gather3A_174 = tpu.vector_load_idx %arg12[%get3A_172] : memref<320xf32, #tpu.memory_space<vmem>>[vector<16xi32>], vector<16xf32>,
        %add3A_175 = arith.addf %gather3A_173, %gather3A_174 : vector<16xf32>
        %gt3A_176 = arith.constant 0.000000e+00 : f32
        %gt3A_177 = vector.broadcast %gt3A_176 : f32 to vector<16xf32>
        %gt3A_178 = arith.cmpf ogt, %add3A_175, %gt3A_177 : vector<16xf32>
        %mul3A_179 = arith.constant 2.000000e-01 : f32
        %mul3A_180 = vector.broadcast %mul3A_179 : f32 to vector<16xf32>
        %mul3A_181 = arith.mulf %mul3A_180, %add3A_175 : vector<16xf32>
        %select_n3A_182 = arith.select %gt3A_178, %add3A_175, %mul3A_181 : vector<16xi1>, vector<16xf32>
        %sub3A_183 = arith.subf %select_n3A_182, %get3A_144 : vector<16xf32>
        %exp3A_184 = math.exp %sub3A_183 : vector<16xf32>
        %add3A_185 = arith.constant 16 : i32
        %add3A_186 = vector.broadcast %add3A_185 : i32 to vector<16xi32>
        %add3A_187 = arith.addi %iota3A, %add3A_186 : vector<16xi32>
        %lt3A_188 = vector.broadcast %min3A_143 : i32 to vector<16xi32>
        %lt3A_189 = arith.cmpi slt, %add3A_187, %lt3A_188 : vector<16xi32>
        tpu.vector_store_idx %arg16[%get3A_172], %exp3A_184 masked %lt3A_189 {add = true} : memref<320xf32, #tpu.memory_space<vmem>>[vector<16xi32>], vector<16xf32>, vector<16xi1>
        %swap3A_190 = arith.constant 16 : index
        %swap3A_191 = tpu.vector_load %arg21[%swap3A_190] {strides = array<i32>} : memref<32xf32, #tpu.memory_space<vmem>>, vector<16xf32>,
        tpu.vector_store %arg21[%swap3A_190], %exp3A_184 {strides = array<i32>} : memref<32xf32, #tpu.memory_space<vmem>>, vector<16xf32>,
        %dma_wait3A_192 = arith.constant 0 : i32
        %dma_wait3A_193 = tpu.memref_slice %arg22[%mul3A_141, %dma_wait3A_192] : memref<64x256xf32, #tpu.memory_space<vmem>> -> memref<32x256xf32, #tpu.memory_space<vmem>>
        %dma_wait3A_194 = tpu.memref_slice %arg19[%mul3A_137] : memref<3216xi32, #tpu.memory_space<vmem>> -> memref<32xi32, #tpu.memory_space<vmem>>
        %dma_wait3A_195 = arith.constant 0 : i32
        %dma_wait3A_196 = arith.constant 0 : i32
        %dma_wait3A_197 = tpu.memref_slice %arg6[%dma_wait3A_195, %dma_wait3A_196] : memref<10000x256xf32, #tpu.memory_space<hbm>> -> memref<10000x256xf32, #tpu.memory_space<hbm>>
        tpu.wait_indirect_dma semaphore(%arg23 : memref<!tpu.dma_semaphore, #tpu.memory_space<semaphore_mem>>) src(%dma_wait3A_197 : memref<10000x256xf32, #tpu.memory_space<hbm>>) dst(%dma_wait3A_193 : memref<32x256xf32, #tpu.memory_space<vmem>>)
        %add3A_198 = arith.constant 1 : i32
        %add3A_199 = arith.addi %while3A_134, %add3A_198 : i32
        %lt3A_200 = arith.cmpi slt, %add3A_199, %select_n3A : i32
        %convert_element_type3A_201 = arith.extui %lt3A_200 : i1 to i32
        %cond3A_202 = arith.constant 0 : i32
        %cond3A_203 = arith.cmpi ne, %convert_element_type3A_201, %cond3A_202 : i32
        scf.if %cond3A_203 {
          %add3A_243 = arith.constant 32 : i32
          %add3A_244 = arith.addi %mul3A_137, %add3A_243 : i32
          %add3A_245 = arith.constant 1 : i32
          %add3A_246 = arith.addi %while3A_134, %add3A_245 : i32
          %rem3A_247 = arith.constant 2 : i32
          %rem3A_248 = arith.remsi %add3A_246, %rem3A_247 : i32
          %mul3A_249 = arith.constant 32 : i32
          %mul3A_250 = arith.muli %rem3A_248, %mul3A_249 : i32
          %dma_start3A_251 = arith.constant 0 : i32
          %dma_start3A_252 = tpu.memref_slice %arg22[%mul3A_250, %dma_start3A_251] : memref<64x256xf32, #tpu.memory_space<vmem>> -> memref<32x256xf32, #tpu.memory_space<vmem>>
          %dma_start3A_253 = tpu.memref_slice %arg19[%add3A_244] : memref<3216xi32, #tpu.memory_space<vmem>> -> memref<32xi32, #tpu.memory_space<vmem>>
          %dma_start3A_254 = arith.constant 0 : i32
          %dma_start3A_255 = arith.constant 0 : i32
          %dma_start3A_256 = tpu.memref_slice %arg6[%dma_start3A_254, %dma_start3A_255] : memref<10000x256xf32, #tpu.memory_space<hbm>> -> memref<10000x256xf32, #tpu.memory_space<hbm>>
          tpu.enqueue_indirect_dma source(%dma_start3A_256 : memref<10000x256xf32, #tpu.memory_space<hbm>>) target(%dma_start3A_252 : memref<32x256xf32, #tpu.memory_space<vmem>>) offsets(%dma_start3A_253 : memref<32xi32, #tpu.memory_space<vmem>>) semaphore(%arg23 : memref<!tpu.dma_semaphore, #tpu.memory_space<semaphore_mem>>)
        } else {
        }
        %add3A_204 = arith.constant 1 : i32
        %add3A_205 = arith.addi %min3A_143, %add3A_204 : i32
        %jit3A_206 = arith.constant 2 : i32
        %div3A_207 = arith.divsi %add3A_205, %jit3A_206 : i32
        %sign3A_208 = arith.constant 0 : i32
        %sign3A_209 = arith.cmpi sgt, %add3A_205, %sign3A_208 : i32
        %sign3A_210 = arith.extui %sign3A_209 : i1 to i32
        %sign3A_211 = arith.constant 0 : i32
        %sign3A_212 = arith.cmpi slt, %add3A_205, %sign3A_211 : i32
        %sign3A_213 = arith.extui %sign3A_212 : i1 to i32
        %sign3A_214 = arith.subi %sign3A_210, %sign3A_213 : i32
        %sign3A_215 = arith.constant 0 : i32
        %sign3A_216 = arith.cmpi sgt, %jit3A_206, %sign3A_215 : i32
        %sign3A_217 = arith.extui %sign3A_216 : i1 to i32
        %sign3A_218 = arith.constant 0 : i32
        %sign3A_219 = arith.cmpi slt, %jit3A_206, %sign3A_218 : i32
        %sign3A_220 = arith.extui %sign3A_219 : i1 to i32
        %sign3A_221 = arith.subi %sign3A_217, %sign3A_220 : i32
        %ne3A_222 = arith.cmpi ne, %sign3A_214, %sign3A_221 : i32
        %rem3A_223 = arith.remsi %add3A_205, %jit3A_206 : i32
        %ne3A_224 = arith.constant 0 : i32
        %ne3A_225 = arith.cmpi ne, %rem3A_223, %ne3A_224 : i32
        %and3A_226 = arith.andi %ne3A_222, %ne3A_225 : i1
        %sub3A_227 = arith.constant 1 : i32
        %sub3A_228 = arith.subi %div3A_207, %sub3A_227 : i32
        %select_n3A_229 = arith.select %and3A_226, %sub3A_228, %div3A_207 : i32
        %while3A_230 = arith.constant 0 : i32
        %while3A_231 = arith.constant 0 : i32
        %while3A_232 = arith.subi %select_n3A_229, %while3A_230 : i32
        %while3A_233 = arith.addi %while3A_230, %while3A_232 : i32
        %while3A_234 = arith.constant 1 : i32
        %while3A_235 = arith.divsi %while3A_232, %while3A_234 : i32
        %while3A_236 = arith.muli %while3A_235, %while3A_234 : i32
        %while3A_237 = arith.addi %while3A_230, %while3A_236 : i32
        %while3A_238 = arith.constant 1 : i32
        %while3A_239 = scf.for %while3A_243 = %while3A_230 to %while3A_237 step %while3A_238 iter_args(%while3A_244 = %while3A_231) -> (i32)  : i32 {
          %mul3A_245 = arith.constant 2 : i32
          %mul3A_246 = arith.muli %while3A_243, %mul3A_245 : i32
          %add3A_247 = arith.constant 0 : i32
          %add3A_248 = arith.addi %mul3A_246, %add3A_247 : i32
          %rem3A_249 = arith.constant 16 : i32
          %rem3A_250 = arith.remsi %add3A_248, %rem3A_249 : i32
          %div3A_251 = arith.constant 16 : i32
          %div3A_252 = arith.divsi %add3A_248, %div3A_251 : i32
          %broadcast_in_dim3A_253 = vector.broadcast %rem3A_250 : i32 to vector<16xi32>
          %mul3A_254 = arith.constant 16 : i32
          %mul3A_255 = arith.muli %div3A_252, %mul3A_254 : i32
          %add3A_256 = arith.addi %mul3A_137, %mul3A_255 : i32
          %get3A_257 = arith.index_cast %add3A_256 : i32 to index
          %get3A_258 = tpu.vector_load %arg20[%get3A_257] {strides = array<i32>} : memref<3216xi32, #tpu.memory_space<vmem>>, vector<16xi32>,
          %mul3A_259 = arith.constant 16 : i32
          %mul3A_260 = arith.muli %div3A_252, %mul3A_259 : i32
          %get3A_261 = arith.index_cast %mul3A_260 : i32 to index
          %get3A_262 = tpu.vector_load %arg21[%get3A_261] {strides = array<i32>} : memref<32xf32, #tpu.memory_space<vmem>>, vector<16xf32>,
          %broadcast_in_dim3A_263 = vector.shape_cast %broadcast_in_dim3A_253 : vector<16xi32> to vector<16x1xi32>
          %gather3A_264 = vector.shape_cast %broadcast_in_dim3A_263 : vector<16x1xi32> to vector<16xi32>
          %gather3A_265 = tpu.dynamic_gather %get3A_258[%gather3A_264] in [0] : vector<16xi32>, vector<16xi32> -> vector<16xi32>
          %lt3A_266 = arith.cmpi slt, %add3A_248, %min3A_143 : i32
          %jit3A_267 = arith.constant 320 : i32
          %broadcast_in_dim3A_268 = vector.broadcast %jit3A_267 : i32 to vector<16xi32>
          %select_n3A_269 = arith.select %lt3A_266, %gather3A_265, %broadcast_in_dim3A_268 : vector<16xi32>
          %broadcast_in_dim3A_270 = vector.shape_cast %broadcast_in_dim3A_253 : vector<16xi32> to vector<16x1xi32>
          %gather3A_271 = vector.shape_cast %broadcast_in_dim3A_270 : vector<16x1xi32> to vector<16xi32>
          %gather3A_272 = tpu.dynamic_gather %get3A_262[%gather3A_271] in [0] : vector<16xf32>, vector<16xi32> -> vector<16xf32>
          %mul3A_273 = arith.constant 128 : i32
          %mul3A_274 = vector.broadcast %mul3A_273 : i32 to vector<16xi32>
          %mul3A_275 = arith.muli %select_n3A_269, %mul3A_274 : vector<16xi32>
          %add3A_276 = arith.addi %mul3A_275, %iota3A : vector<16xi32>
          %add3A_277 = arith.addi %mul3A_141, %add3A_248 : i32
          %add3A_278 = arith.constant 0 : i32
          %add3A_279 = vector.broadcast %add3A_278 : i32 to vector<16xi32>
          %add3A_280 = arith.addi %add3A_276, %add3A_279 : vector<16xi32>
          %add3A_281 = arith.constant 16 : i32
          %add3A_282 = vector.broadcast %add3A_281 : i32 to vector<16xi32>
          %add3A_283 = arith.addi %add3A_276, %add3A_282 : vector<16xi32>
          %add3A_284 = arith.constant 32 : i32
          %add3A_285 = vector.broadcast %add3A_284 : i32 to vector<16xi32>
          %add3A_286 = arith.addi %add3A_276, %add3A_285 : vector<16xi32>
          %add3A_287 = arith.constant 48 : i32
          %add3A_288 = vector.broadcast %add3A_287 : i32 to vector<16xi32>
          %add3A_289 = arith.addi %add3A_276, %add3A_288 : vector<16xi32>
          %add3A_290 = arith.constant 64 : i32
          %add3A_291 = vector.broadcast %add3A_290 : i32 to vector<16xi32>
          %add3A_292 = arith.addi %add3A_276, %add3A_291 : vector<16xi32>
          %add3A_293 = arith.constant 80 : i32
          %add3A_294 = vector.broadcast %add3A_293 : i32 to vector<16xi32>
          %add3A_295 = arith.addi %add3A_276, %add3A_294 : vector<16xi32>
          %add3A_296 = arith.constant 96 : i32
          %add3A_297 = vector.broadcast %add3A_296 : i32 to vector<16xi32>
          %add3A_298 = arith.addi %add3A_276, %add3A_297 : vector<16xi32>
          %add3A_299 = arith.constant 112 : i32
          %add3A_300 = vector.broadcast %add3A_299 : i32 to vector<16xi32>
          %add3A_301 = arith.addi %add3A_276, %add3A_300 : vector<16xi32>
          %get3A_302 = arith.index_cast %add3A_277 : i32 to index
          %get3A_303 = arith.constant 0 : index
          %get3A_304 = tpu.vector_load %arg22[%get3A_302, %get3A_303] {strides = array<i32>} : memref<64x256xf32, #tpu.memory_space<vmem>>, vector<16xf32>,
          %get3A_305 = arith.index_cast %add3A_277 : i32 to index
          %get3A_306 = arith.constant 16 : index
          %get3A_307 = tpu.vector_load %arg22[%get3A_305, %get3A_306] {strides = array<i32>} : memref<64x256xf32, #tpu.memory_space<vmem>>, vector<16xf32>,
          %get3A_308 = arith.index_cast %add3A_277 : i32 to index
          %get3A_309 = arith.constant 32 : index
          %get3A_310 = tpu.vector_load %arg22[%get3A_308, %get3A_309] {strides = array<i32>} : memref<64x256xf32, #tpu.memory_space<vmem>>, vector<16xf32>,
          %get3A_311 = arith.index_cast %add3A_277 : i32 to index
          %get3A_312 = arith.constant 48 : index
          %get3A_313 = tpu.vector_load %arg22[%get3A_311, %get3A_312] {strides = array<i32>} : memref<64x256xf32, #tpu.memory_space<vmem>>, vector<16xf32>,
          %get3A_314 = arith.index_cast %add3A_277 : i32 to index
          %get3A_315 = arith.constant 64 : index
          %get3A_316 = tpu.vector_load %arg22[%get3A_314, %get3A_315] {strides = array<i32>} : memref<64x256xf32, #tpu.memory_space<vmem>>, vector<16xf32>,
          %get3A_317 = arith.index_cast %add3A_277 : i32 to index
          %get3A_318 = arith.constant 80 : index
          %get3A_319 = tpu.vector_load %arg22[%get3A_317, %get3A_318] {strides = array<i32>} : memref<64x256xf32, #tpu.memory_space<vmem>>, vector<16xf32>,
          %get3A_320 = arith.index_cast %add3A_277 : i32 to index
          %get3A_321 = arith.constant 96 : index
          %get3A_322 = tpu.vector_load %arg22[%get3A_320, %get3A_321] {strides = array<i32>} : memref<64x256xf32, #tpu.memory_space<vmem>>, vector<16xf32>,
          %get3A_323 = arith.index_cast %add3A_277 : i32 to index
          %get3A_324 = arith.constant 112 : index
          %get3A_325 = tpu.vector_load %arg22[%get3A_323, %get3A_324] {strides = array<i32>} : memref<64x256xf32, #tpu.memory_space<vmem>>, vector<16xf32>,
          %gather3A_326 = tpu.vector_load_idx %arg14[%add3A_280] : memref<41088xf32, #tpu.memory_space<vmem>>[vector<16xi32>], vector<16xf32>,
          %gather3A_327 = tpu.vector_load_idx %arg14[%add3A_283] : memref<41088xf32, #tpu.memory_space<vmem>>[vector<16xi32>], vector<16xf32>,
          %gather3A_328 = tpu.vector_load_idx %arg14[%add3A_286] : memref<41088xf32, #tpu.memory_space<vmem>>[vector<16xi32>], vector<16xf32>,
          %gather3A_329 = tpu.vector_load_idx %arg14[%add3A_289] : memref<41088xf32, #tpu.memory_space<vmem>>[vector<16xi32>], vector<16xf32>,
          %gather3A_330 = tpu.vector_load_idx %arg14[%add3A_292] : memref<41088xf32, #tpu.memory_space<vmem>>[vector<16xi32>], vector<16xf32>,
          %gather3A_331 = tpu.vector_load_idx %arg14[%add3A_295] : memref<41088xf32, #tpu.memory_space<vmem>>[vector<16xi32>], vector<16xf32>,
          %gather3A_332 = tpu.vector_load_idx %arg14[%add3A_298] : memref<41088xf32, #tpu.memory_space<vmem>>[vector<16xi32>], vector<16xf32>,
          %gather3A_333 = tpu.vector_load_idx %arg14[%add3A_301] : memref<41088xf32, #tpu.memory_space<vmem>>[vector<16xi32>], vector<16xf32>,
          %max3A = arith.maximumf %gather3A_326, %get3A_304 : vector<16xf32>
          tpu.vector_store_idx %arg14[%add3A_280], %max3A : memref<41088xf32, #tpu.memory_space<vmem>>[vector<16xi32>], vector<16xf32>,
          %max3A_334 = arith.maximumf %gather3A_327, %get3A_307 : vector<16xf32>
          tpu.vector_store_idx %arg14[%add3A_283], %max3A_334 : memref<41088xf32, #tpu.memory_space<vmem>>[vector<16xi32>], vector<16xf32>,
          %max3A_335 = arith.maximumf %gather3A_328, %get3A_310 : vector<16xf32>
          tpu.vector_store_idx %arg14[%add3A_286], %max3A_335 : memref<41088xf32, #tpu.memory_space<vmem>>[vector<16xi32>], vector<16xf32>,
          %max3A_336 = arith.maximumf %gather3A_329, %get3A_313 : vector<16xf32>
          tpu.vector_store_idx %arg14[%add3A_289], %max3A_336 : memref<41088xf32, #tpu.memory_space<vmem>>[vector<16xi32>], vector<16xf32>,
          %max3A_337 = arith.maximumf %gather3A_330, %get3A_316 : vector<16xf32>
          tpu.vector_store_idx %arg14[%add3A_292], %max3A_337 : memref<41088xf32, #tpu.memory_space<vmem>>[vector<16xi32>], vector<16xf32>,
          %max3A_338 = arith.maximumf %gather3A_331, %get3A_319 : vector<16xf32>
          tpu.vector_store_idx %arg14[%add3A_295], %max3A_338 : memref<41088xf32, #tpu.memory_space<vmem>>[vector<16xi32>], vector<16xf32>,
          %max3A_339 = arith.maximumf %gather3A_332, %get3A_322 : vector<16xf32>
          tpu.vector_store_idx %arg14[%add3A_298], %max3A_339 : memref<41088xf32, #tpu.memory_space<vmem>>[vector<16xi32>], vector<16xf32>,
          %max3A_340 = arith.maximumf %gather3A_333, %get3A_325 : vector<16xf32>
          tpu.vector_store_idx %arg14[%add3A_301], %max3A_340 : memref<41088xf32, #tpu.memory_space<vmem>>[vector<16xi32>], vector<16xf32>,
          %get3A_341 = arith.index_cast %add3A_277 : i32 to index
          %get3A_342 = arith.constant 128 : index
          %get3A_343 = tpu.vector_load %arg22[%get3A_341, %get3A_342] {strides = array<i32>} : memref<64x256xf32, #tpu.memory_space<vmem>>, vector<16xf32>,
          %mul3A_344 = arith.mulf %gather3A_272, %get3A_343 : vector<16xf32>
          tpu.vector_store_idx %arg15[%add3A_280], %mul3A_344 {add = true} : memref<41088xf32, #tpu.memory_space<vmem>>[vector<16xi32>], vector<16xf32>,
          %get3A_345 = arith.index_cast %add3A_277 : i32 to index
          %get3A_346 = arith.constant 144 : index
          %get3A_347 = tpu.vector_load %arg22[%get3A_345, %get3A_346] {strides = array<i32>} : memref<64x256xf32, #tpu.memory_space<vmem>>, vector<16xf32>,
          %mul3A_348 = arith.mulf %gather3A_272, %get3A_347 : vector<16xf32>
          tpu.vector_store_idx %arg15[%add3A_283], %mul3A_348 {add = true} : memref<41088xf32, #tpu.memory_space<vmem>>[vector<16xi32>], vector<16xf32>,
          %get3A_349 = arith.index_cast %add3A_277 : i32 to index
          %get3A_350 = arith.constant 160 : index
          %get3A_351 = tpu.vector_load %arg22[%get3A_349, %get3A_350] {strides = array<i32>} : memref<64x256xf32, #tpu.memory_space<vmem>>, vector<16xf32>,
          %mul3A_352 = arith.mulf %gather3A_272, %get3A_351 : vector<16xf32>
          tpu.vector_store_idx %arg15[%add3A_286], %mul3A_352 {add = true} : memref<41088xf32, #tpu.memory_space<vmem>>[vector<16xi32>], vector<16xf32>,
          %get3A_353 = arith.index_cast %add3A_277 : i32 to index
          %get3A_354 = arith.constant 176 : index
          %get3A_355 = tpu.vector_load %arg22[%get3A_353, %get3A_354] {strides = array<i32>} : memref<64x256xf32, #tpu.memory_space<vmem>>, vector<16xf32>,
          %mul3A_356 = arith.mulf %gather3A_272, %get3A_355 : vector<16xf32>
          tpu.vector_store_idx %arg15[%add3A_289], %mul3A_356 {add = true} : memref<41088xf32, #tpu.memory_space<vmem>>[vector<16xi32>], vector<16xf32>,
          %get3A_357 = arith.index_cast %add3A_277 : i32 to index
          %get3A_358 = arith.constant 192 : index
          %get3A_359 = tpu.vector_load %arg22[%get3A_357, %get3A_358] {strides = array<i32>} : memref<64x256xf32, #tpu.memory_space<vmem>>, vector<16xf32>,
          %mul3A_360 = arith.mulf %gather3A_272, %get3A_359 : vector<16xf32>
          tpu.vector_store_idx %arg15[%add3A_292], %mul3A_360 {add = true} : memref<41088xf32, #tpu.memory_space<vmem>>[vector<16xi32>], vector<16xf32>,
          %get3A_361 = arith.index_cast %add3A_277 : i32 to index
          %get3A_362 = arith.constant 208 : index
          %get3A_363 = tpu.vector_load %arg22[%get3A_361, %get3A_362] {strides = array<i32>} : memref<64x256xf32, #tpu.memory_space<vmem>>, vector<16xf32>,
          %mul3A_364 = arith.mulf %gather3A_272, %get3A_363 : vector<16xf32>
          tpu.vector_store_idx %arg15[%add3A_295], %mul3A_364 {add = true} : memref<41088xf32, #tpu.memory_space<vmem>>[vector<16xi32>], vector<16xf32>,
          %get3A_365 = arith.index_cast %add3A_277 : i32 to index
          %get3A_366 = arith.constant 224 : index
          %get3A_367 = tpu.vector_load %arg22[%get3A_365, %get3A_366] {strides = array<i32>} : memref<64x256xf32, #tpu.memory_space<vmem>>, vector<16xf32>,
          %mul3A_368 = arith.mulf %gather3A_272, %get3A_367 : vector<16xf32>
          tpu.vector_store_idx %arg15[%add3A_298], %mul3A_368 {add = true} : memref<41088xf32, #tpu.memory_space<vmem>>[vector<16xi32>], vector<16xf32>,
          %get3A_369 = arith.index_cast %add3A_277 : i32 to index
          %get3A_370 = arith.constant 240 : index
          %get3A_371 = tpu.vector_load %arg22[%get3A_369, %get3A_370] {strides = array<i32>} : memref<64x256xf32, #tpu.memory_space<vmem>>, vector<16xf32>,
          %mul3A_372 = arith.mulf %gather3A_272, %get3A_371 : vector<16xf32>
          tpu.vector_store_idx %arg15[%add3A_301], %mul3A_372 {add = true} : memref<41088xf32, #tpu.memory_space<vmem>>[vector<16xi32>], vector<16xf32>,
          %mul3A_373 = arith.constant 2 : i32
          %mul3A_374 = arith.muli %while3A_243, %mul3A_373 : i32
          %add3A_375 = arith.constant 1 : i32
          %add3A_376 = arith.addi %mul3A_374, %add3A_375 : i32
          %rem3A_377 = arith.constant 16 : i32
          %rem3A_378 = arith.remsi %add3A_376, %rem3A_377 : i32
          %div3A_379 = arith.constant 16 : i32
          %div3A_380 = arith.divsi %add3A_376, %div3A_379 : i32
          %broadcast_in_dim3A_381 = vector.broadcast %rem3A_378 : i32 to vector<16xi32>
          %mul3A_382 = arith.constant 16 : i32
          %mul3A_383 = arith.muli %div3A_380, %mul3A_382 : i32
          %add3A_384 = arith.addi %mul3A_137, %mul3A_383 : i32
          %get3A_385 = arith.index_cast %add3A_384 : i32 to index
          %get3A_386 = tpu.vector_load %arg20[%get3A_385] {strides = array<i32>} : memref<3216xi32, #tpu.memory_space<vmem>>, vector<16xi32>,
          %mul3A_387 = arith.constant 16 : i32
          %mul3A_388 = arith.muli %div3A_380, %mul3A_387 : i32
          %get3A_389 = arith.index_cast %mul3A_388 : i32 to index
          %get3A_390 = tpu.vector_load %arg21[%get3A_389] {strides = array<i32>} : memref<32xf32, #tpu.memory_space<vmem>>, vector<16xf32>,
          %broadcast_in_dim3A_391 = vector.shape_cast %broadcast_in_dim3A_381 : vector<16xi32> to vector<16x1xi32>
          %gather3A_392 = vector.shape_cast %broadcast_in_dim3A_391 : vector<16x1xi32> to vector<16xi32>
          %gather3A_393 = tpu.dynamic_gather %get3A_386[%gather3A_392] in [0] : vector<16xi32>, vector<16xi32> -> vector<16xi32>
          %lt3A_394 = arith.cmpi slt, %add3A_376, %min3A_143 : i32
          %jit3A_395 = arith.constant 320 : i32
          %broadcast_in_dim3A_396 = vector.broadcast %jit3A_395 : i32 to vector<16xi32>
          %select_n3A_397 = arith.select %lt3A_394, %gather3A_393, %broadcast_in_dim3A_396 : vector<16xi32>
          %broadcast_in_dim3A_398 = vector.shape_cast %broadcast_in_dim3A_381 : vector<16xi32> to vector<16x1xi32>
          %gather3A_399 = vector.shape_cast %broadcast_in_dim3A_398 : vector<16x1xi32> to vector<16xi32>
          %gather3A_400 = tpu.dynamic_gather %get3A_390[%gather3A_399] in [0] : vector<16xf32>, vector<16xi32> -> vector<16xf32>
          %mul3A_401 = arith.constant 128 : i32
          %mul3A_402 = vector.broadcast %mul3A_401 : i32 to vector<16xi32>
          %mul3A_403 = arith.muli %select_n3A_397, %mul3A_402 : vector<16xi32>
          %add3A_404 = arith.addi %mul3A_403, %iota3A : vector<16xi32>
          %add3A_405 = arith.addi %mul3A_141, %add3A_376 : i32
          %add3A_406 = arith.constant 0 : i32
          %add3A_407 = vector.broadcast %add3A_406 : i32 to vector<16xi32>
          %add3A_408 = arith.addi %add3A_404, %add3A_407 : vector<16xi32>
          %add3A_409 = arith.constant 16 : i32
          %add3A_410 = vector.broadcast %add3A_409 : i32 to vector<16xi32>
          %add3A_411 = arith.addi %add3A_404, %add3A_410 : vector<16xi32>
          %add3A_412 = arith.constant 32 : i32
          %add3A_413 = vector.broadcast %add3A_412 : i32 to vector<16xi32>
          %add3A_414 = arith.addi %add3A_404, %add3A_413 : vector<16xi32>
          %add3A_415 = arith.constant 48 : i32
          %add3A_416 = vector.broadcast %add3A_415 : i32 to vector<16xi32>
          %add3A_417 = arith.addi %add3A_404, %add3A_416 : vector<16xi32>
          %add3A_418 = arith.constant 64 : i32
          %add3A_419 = vector.broadcast %add3A_418 : i32 to vector<16xi32>
          %add3A_420 = arith.addi %add3A_404, %add3A_419 : vector<16xi32>
          %add3A_421 = arith.constant 80 : i32
          %add3A_422 = vector.broadcast %add3A_421 : i32 to vector<16xi32>
          %add3A_423 = arith.addi %add3A_404, %add3A_422 : vector<16xi32>
          %add3A_424 = arith.constant 96 : i32
          %add3A_425 = vector.broadcast %add3A_424 : i32 to vector<16xi32>
          %add3A_426 = arith.addi %add3A_404, %add3A_425 : vector<16xi32>
          %add3A_427 = arith.constant 112 : i32
          %add3A_428 = vector.broadcast %add3A_427 : i32 to vector<16xi32>
          %add3A_429 = arith.addi %add3A_404, %add3A_428 : vector<16xi32>
          %get3A_430 = arith.index_cast %add3A_405 : i32 to index
          %get3A_431 = arith.constant 0 : index
          %get3A_432 = tpu.vector_load %arg22[%get3A_430, %get3A_431] {strides = array<i32>} : memref<64x256xf32, #tpu.memory_space<vmem>>, vector<16xf32>,
          %get3A_433 = arith.index_cast %add3A_405 : i32 to index
          %get3A_434 = arith.constant 16 : index
          %get3A_435 = tpu.vector_load %arg22[%get3A_433, %get3A_434] {strides = array<i32>} : memref<64x256xf32, #tpu.memory_space<vmem>>, vector<16xf32>,
          %get3A_436 = arith.index_cast %add3A_405 : i32 to index
          %get3A_437 = arith.constant 32 : index
          %get3A_438 = tpu.vector_load %arg22[%get3A_436, %get3A_437] {strides = array<i32>} : memref<64x256xf32, #tpu.memory_space<vmem>>, vector<16xf32>,
          %get3A_439 = arith.index_cast %add3A_405 : i32 to index
          %get3A_440 = arith.constant 48 : index
          %get3A_441 = tpu.vector_load %arg22[%get3A_439, %get3A_440] {strides = array<i32>} : memref<64x256xf32, #tpu.memory_space<vmem>>, vector<16xf32>,
          %get3A_442 = arith.index_cast %add3A_405 : i32 to index
          %get3A_443 = arith.constant 64 : index
          %get3A_444 = tpu.vector_load %arg22[%get3A_442, %get3A_443] {strides = array<i32>} : memref<64x256xf32, #tpu.memory_space<vmem>>, vector<16xf32>,
          %get3A_445 = arith.index_cast %add3A_405 : i32 to index
          %get3A_446 = arith.constant 80 : index
          %get3A_447 = tpu.vector_load %arg22[%get3A_445, %get3A_446] {strides = array<i32>} : memref<64x256xf32, #tpu.memory_space<vmem>>, vector<16xf32>,
          %get3A_448 = arith.index_cast %add3A_405 : i32 to index
          %get3A_449 = arith.constant 96 : index
          %get3A_450 = tpu.vector_load %arg22[%get3A_448, %get3A_449] {strides = array<i32>} : memref<64x256xf32, #tpu.memory_space<vmem>>, vector<16xf32>,
          %get3A_451 = arith.index_cast %add3A_405 : i32 to index
          %get3A_452 = arith.constant 112 : index
          %get3A_453 = tpu.vector_load %arg22[%get3A_451, %get3A_452] {strides = array<i32>} : memref<64x256xf32, #tpu.memory_space<vmem>>, vector<16xf32>,
          %gather3A_454 = tpu.vector_load_idx %arg14[%add3A_408] : memref<41088xf32, #tpu.memory_space<vmem>>[vector<16xi32>], vector<16xf32>,
          %gather3A_455 = tpu.vector_load_idx %arg14[%add3A_411] : memref<41088xf32, #tpu.memory_space<vmem>>[vector<16xi32>], vector<16xf32>,
          %gather3A_456 = tpu.vector_load_idx %arg14[%add3A_414] : memref<41088xf32, #tpu.memory_space<vmem>>[vector<16xi32>], vector<16xf32>,
          %gather3A_457 = tpu.vector_load_idx %arg14[%add3A_417] : memref<41088xf32, #tpu.memory_space<vmem>>[vector<16xi32>], vector<16xf32>,
          %gather3A_458 = tpu.vector_load_idx %arg14[%add3A_420] : memref<41088xf32, #tpu.memory_space<vmem>>[vector<16xi32>], vector<16xf32>,
          %gather3A_459 = tpu.vector_load_idx %arg14[%add3A_423] : memref<41088xf32, #tpu.memory_space<vmem>>[vector<16xi32>], vector<16xf32>,
          %gather3A_460 = tpu.vector_load_idx %arg14[%add3A_426] : memref<41088xf32, #tpu.memory_space<vmem>>[vector<16xi32>], vector<16xf32>,
          %gather3A_461 = tpu.vector_load_idx %arg14[%add3A_429] : memref<41088xf32, #tpu.memory_space<vmem>>[vector<16xi32>], vector<16xf32>,
          %max3A_462 = arith.maximumf %gather3A_454, %get3A_432 : vector<16xf32>
          tpu.vector_store_idx %arg14[%add3A_408], %max3A_462 : memref<41088xf32, #tpu.memory_space<vmem>>[vector<16xi32>], vector<16xf32>,
          %max3A_463 = arith.maximumf %gather3A_455, %get3A_435 : vector<16xf32>
          tpu.vector_store_idx %arg14[%add3A_411], %max3A_463 : memref<41088xf32, #tpu.memory_space<vmem>>[vector<16xi32>], vector<16xf32>,
          %max3A_464 = arith.maximumf %gather3A_456, %get3A_438 : vector<16xf32>
          tpu.vector_store_idx %arg14[%add3A_414], %max3A_464 : memref<41088xf32, #tpu.memory_space<vmem>>[vector<16xi32>], vector<16xf32>,
          %max3A_465 = arith.maximumf %gather3A_457, %get3A_441 : vector<16xf32>
          tpu.vector_store_idx %arg14[%add3A_417], %max3A_465 : memref<41088xf32, #tpu.memory_space<vmem>>[vector<16xi32>], vector<16xf32>,
          %max3A_466 = arith.maximumf %gather3A_458, %get3A_444 : vector<16xf32>
          tpu.vector_store_idx %arg14[%add3A_420], %max3A_466 : memref<41088xf32, #tpu.memory_space<vmem>>[vector<16xi32>], vector<16xf32>,
          %max3A_467 = arith.maximumf %gather3A_459, %get3A_447 : vector<16xf32>
          tpu.vector_store_idx %arg14[%add3A_423], %max3A_467 : memref<41088xf32, #tpu.memory_space<vmem>>[vector<16xi32>], vector<16xf32>,
          %max3A_468 = arith.maximumf %gather3A_460, %get3A_450 : vector<16xf32>
          tpu.vector_store_idx %arg14[%add3A_426], %max3A_468 : memref<41088xf32, #tpu.memory_space<vmem>>[vector<16xi32>], vector<16xf32>,
          %max3A_469 = arith.maximumf %gather3A_461, %get3A_453 : vector<16xf32>
          tpu.vector_store_idx %arg14[%add3A_429], %max3A_469 : memref<41088xf32, #tpu.memory_space<vmem>>[vector<16xi32>], vector<16xf32>,
          %get3A_470 = arith.index_cast %add3A_405 : i32 to index
          %get3A_471 = arith.constant 128 : index
          %get3A_472 = tpu.vector_load %arg22[%get3A_470, %get3A_471] {strides = array<i32>} : memref<64x256xf32, #tpu.memory_space<vmem>>, vector<16xf32>,
          %mul3A_473 = arith.mulf %gather3A_400, %get3A_472 : vector<16xf32>
          tpu.vector_store_idx %arg15[%add3A_408], %mul3A_473 {add = true} : memref<41088xf32, #tpu.memory_space<vmem>>[vector<16xi32>], vector<16xf32>,
          %get3A_474 = arith.index_cast %add3A_405 : i32 to index
          %get3A_475 = arith.constant 144 : index
          %get3A_476 = tpu.vector_load %arg22[%get3A_474, %get3A_475] {strides = array<i32>} : memref<64x256xf32, #tpu.memory_space<vmem>>, vector<16xf32>,
          %mul3A_477 = arith.mulf %gather3A_400, %get3A_476 : vector<16xf32>
          tpu.vector_store_idx %arg15[%add3A_411], %mul3A_477 {add = true} : memref<41088xf32, #tpu.memory_space<vmem>>[vector<16xi32>], vector<16xf32>,
          %get3A_478 = arith.index_cast %add3A_405 : i32 to index
          %get3A_479 = arith.constant 160 : index
          %get3A_480 = tpu.vector_load %arg22[%get3A_478, %get3A_479] {strides = array<i32>} : memref<64x256xf32, #tpu.memory_space<vmem>>, vector<16xf32>,
          %mul3A_481 = arith.mulf %gather3A_400, %get3A_480 : vector<16xf32>
          tpu.vector_store_idx %arg15[%add3A_414], %mul3A_481 {add = true} : memref<41088xf32, #tpu.memory_space<vmem>>[vector<16xi32>], vector<16xf32>,
          %get3A_482 = arith.index_cast %add3A_405 : i32 to index
          %get3A_483 = arith.constant 176 : index
          %get3A_484 = tpu.vector_load %arg22[%get3A_482, %get3A_483] {strides = array<i32>} : memref<64x256xf32, #tpu.memory_space<vmem>>, vector<16xf32>,
          %mul3A_485 = arith.mulf %gather3A_400, %get3A_484 : vector<16xf32>
          tpu.vector_store_idx %arg15[%add3A_417], %mul3A_485 {add = true} : memref<41088xf32, #tpu.memory_space<vmem>>[vector<16xi32>], vector<16xf32>,
          %get3A_486 = arith.index_cast %add3A_405 : i32 to index
          %get3A_487 = arith.constant 192 : index
          %get3A_488 = tpu.vector_load %arg22[%get3A_486, %get3A_487] {strides = array<i32>} : memref<64x256xf32, #tpu.memory_space<vmem>>, vector<16xf32>,
          %mul3A_489 = arith.mulf %gather3A_400, %get3A_488 : vector<16xf32>
          tpu.vector_store_idx %arg15[%add3A_420], %mul3A_489 {add = true} : memref<41088xf32, #tpu.memory_space<vmem>>[vector<16xi32>], vector<16xf32>,
          %get3A_490 = arith.index_cast %add3A_405 : i32 to index
          %get3A_491 = arith.constant 208 : index
          %get3A_492 = tpu.vector_load %arg22[%get3A_490, %get3A_491] {strides = array<i32>} : memref<64x256xf32, #tpu.memory_space<vmem>>, vector<16xf32>,
          %mul3A_493 = arith.mulf %gather3A_400, %get3A_492 : vector<16xf32>
          tpu.vector_store_idx %arg15[%add3A_423], %mul3A_493 {add = true} : memref<41088xf32, #tpu.memory_space<vmem>>[vector<16xi32>], vector<16xf32>,
          %get3A_494 = arith.index_cast %add3A_405 : i32 to index
          %get3A_495 = arith.constant 224 : index
          %get3A_496 = tpu.vector_load %arg22[%get3A_494, %get3A_495] {strides = array<i32>} : memref<64x256xf32, #tpu.memory_space<vmem>>, vector<16xf32>,
          %mul3A_497 = arith.mulf %gather3A_400, %get3A_496 : vector<16xf32>
          tpu.vector_store_idx %arg15[%add3A_426], %mul3A_497 {add = true} : memref<41088xf32, #tpu.memory_space<vmem>>[vector<16xi32>], vector<16xf32>,
          %get3A_498 = arith.index_cast %add3A_405 : i32 to index
          %get3A_499 = arith.constant 240 : index
          %get3A_500 = tpu.vector_load %arg22[%get3A_498, %get3A_499] {strides = array<i32>} : memref<64x256xf32, #tpu.memory_space<vmem>>, vector<16xf32>,
          %mul3A_501 = arith.mulf %gather3A_400, %get3A_500 : vector<16xf32>
          tpu.vector_store_idx %arg15[%add3A_429], %mul3A_501 {add = true} : memref<41088xf32, #tpu.memory_space<vmem>>[vector<16xi32>], vector<16xf32>,
          %while3A_502 = arith.constant 0 : i32
          scf.yield %while3A_502 : i32
        }
        %while3A_240 = arith.constant 1 : i32
        %while3A_241 = scf.for %while3A_243 = %while3A_237 to %while3A_233 step %while3A_240 iter_args(%while3A_244 = %while3A_239) -> (i32)  : i32 {
          %mul3A_245 = arith.constant 2 : i32
          %mul3A_246 = arith.muli %while3A_243, %mul3A_245 : i32
          %add3A_247 = arith.constant 0 : i32
          %add3A_248 = arith.addi %mul3A_246, %add3A_247 : i32
          %rem3A_249 = arith.constant 16 : i32
          %rem3A_250 = arith.remsi %add3A_248, %rem3A_249 : i32
          %div3A_251 = arith.constant 16 : i32
          %div3A_252 = arith.divsi %add3A_248, %div3A_251 : i32
          %broadcast_in_dim3A_253 = vector.broadcast %rem3A_250 : i32 to vector<16xi32>
          %mul3A_254 = arith.constant 16 : i32
          %mul3A_255 = arith.muli %div3A_252, %mul3A_254 : i32
          %add3A_256 = arith.addi %mul3A_137, %mul3A_255 : i32
          %get3A_257 = arith.index_cast %add3A_256 : i32 to index
          %get3A_258 = tpu.vector_load %arg20[%get3A_257] {strides = array<i32>} : memref<3216xi32, #tpu.memory_space<vmem>>, vector<16xi32>,
          %mul3A_259 = arith.constant 16 : i32
          %mul3A_260 = arith.muli %div3A_252, %mul3A_259 : i32
          %get3A_261 = arith.index_cast %mul3A_260 : i32 to index
          %get3A_262 = tpu.vector_load %arg21[%get3A_261] {strides = array<i32>} : memref<32xf32, #tpu.memory_space<vmem>>, vector<16xf32>,
          %broadcast_in_dim3A_263 = vector.shape_cast %broadcast_in_dim3A_253 : vector<16xi32> to vector<16x1xi32>
          %gather3A_264 = vector.shape_cast %broadcast_in_dim3A_263 : vector<16x1xi32> to vector<16xi32>
          %gather3A_265 = tpu.dynamic_gather %get3A_258[%gather3A_264] in [0] : vector<16xi32>, vector<16xi32> -> vector<16xi32>
          %lt3A_266 = arith.cmpi slt, %add3A_248, %min3A_143 : i32
          %jit3A_267 = arith.constant 320 : i32
          %broadcast_in_dim3A_268 = vector.broadcast %jit3A_267 : i32 to vector<16xi32>
          %select_n3A_269 = arith.select %lt3A_266, %gather3A_265, %broadcast_in_dim3A_268 : vector<16xi32>
          %broadcast_in_dim3A_270 = vector.shape_cast %broadcast_in_dim3A_253 : vector<16xi32> to vector<16x1xi32>
          %gather3A_271 = vector.shape_cast %broadcast_in_dim3A_270 : vector<16x1xi32> to vector<16xi32>
          %gather3A_272 = tpu.dynamic_gather %get3A_262[%gather3A_271] in [0] : vector<16xf32>, vector<16xi32> -> vector<16xf32>
          %mul3A_273 = arith.constant 128 : i32
          %mul3A_274 = vector.broadcast %mul3A_273 : i32 to vector<16xi32>
          %mul3A_275 = arith.muli %select_n3A_269, %mul3A_274 : vector<16xi32>
          %add3A_276 = arith.addi %mul3A_275, %iota3A : vector<16xi32>
          %add3A_277 = arith.addi %mul3A_141, %add3A_248 : i32
          %add3A_278 = arith.constant 0 : i32
          %add3A_279 = vector.broadcast %add3A_278 : i32 to vector<16xi32>
          %add3A_280 = arith.addi %add3A_276, %add3A_279 : vector<16xi32>
          %add3A_281 = arith.constant 16 : i32
          %add3A_282 = vector.broadcast %add3A_281 : i32 to vector<16xi32>
          %add3A_283 = arith.addi %add3A_276, %add3A_282 : vector<16xi32>
          %add3A_284 = arith.constant 32 : i32
          %add3A_285 = vector.broadcast %add3A_284 : i32 to vector<16xi32>
          %add3A_286 = arith.addi %add3A_276, %add3A_285 : vector<16xi32>
          %add3A_287 = arith.constant 48 : i32
          %add3A_288 = vector.broadcast %add3A_287 : i32 to vector<16xi32>
          %add3A_289 = arith.addi %add3A_276, %add3A_288 : vector<16xi32>
          %add3A_290 = arith.constant 64 : i32
          %add3A_291 = vector.broadcast %add3A_290 : i32 to vector<16xi32>
          %add3A_292 = arith.addi %add3A_276, %add3A_291 : vector<16xi32>
          %add3A_293 = arith.constant 80 : i32
          %add3A_294 = vector.broadcast %add3A_293 : i32 to vector<16xi32>
          %add3A_295 = arith.addi %add3A_276, %add3A_294 : vector<16xi32>
          %add3A_296 = arith.constant 96 : i32
          %add3A_297 = vector.broadcast %add3A_296 : i32 to vector<16xi32>
          %add3A_298 = arith.addi %add3A_276, %add3A_297 : vector<16xi32>
          %add3A_299 = arith.constant 112 : i32
          %add3A_300 = vector.broadcast %add3A_299 : i32 to vector<16xi32>
          %add3A_301 = arith.addi %add3A_276, %add3A_300 : vector<16xi32>
          %get3A_302 = arith.index_cast %add3A_277 : i32 to index
          %get3A_303 = arith.constant 0 : index
          %get3A_304 = tpu.vector_load %arg22[%get3A_302, %get3A_303] {strides = array<i32>} : memref<64x256xf32, #tpu.memory_space<vmem>>, vector<16xf32>,
          %get3A_305 = arith.index_cast %add3A_277 : i32 to index
          %get3A_306 = arith.constant 16 : index
          %get3A_307 = tpu.vector_load %arg22[%get3A_305, %get3A_306] {strides = array<i32>} : memref<64x256xf32, #tpu.memory_space<vmem>>, vector<16xf32>,
          %get3A_308 = arith.index_cast %add3A_277 : i32 to index
          %get3A_309 = arith.constant 32 : index
          %get3A_310 = tpu.vector_load %arg22[%get3A_308, %get3A_309] {strides = array<i32>} : memref<64x256xf32, #tpu.memory_space<vmem>>, vector<16xf32>,
          %get3A_311 = arith.index_cast %add3A_277 : i32 to index
          %get3A_312 = arith.constant 48 : index
          %get3A_313 = tpu.vector_load %arg22[%get3A_311, %get3A_312] {strides = array<i32>} : memref<64x256xf32, #tpu.memory_space<vmem>>, vector<16xf32>,
          %get3A_314 = arith.index_cast %add3A_277 : i32 to index
          %get3A_315 = arith.constant 64 : index
          %get3A_316 = tpu.vector_load %arg22[%get3A_314, %get3A_315] {strides = array<i32>} : memref<64x256xf32, #tpu.memory_space<vmem>>, vector<16xf32>,
          %get3A_317 = arith.index_cast %add3A_277 : i32 to index
          %get3A_318 = arith.constant 80 : index
          %get3A_319 = tpu.vector_load %arg22[%get3A_317, %get3A_318] {strides = array<i32>} : memref<64x256xf32, #tpu.memory_space<vmem>>, vector<16xf32>,
          %get3A_320 = arith.index_cast %add3A_277 : i32 to index
          %get3A_321 = arith.constant 96 : index
          %get3A_322 = tpu.vector_load %arg22[%get3A_320, %get3A_321] {strides = array<i32>} : memref<64x256xf32, #tpu.memory_space<vmem>>, vector<16xf32>,
          %get3A_323 = arith.index_cast %add3A_277 : i32 to index
          %get3A_324 = arith.constant 112 : index
          %get3A_325 = tpu.vector_load %arg22[%get3A_323, %get3A_324] {strides = array<i32>} : memref<64x256xf32, #tpu.memory_space<vmem>>, vector<16xf32>,
          %gather3A_326 = tpu.vector_load_idx %arg14[%add3A_280] : memref<41088xf32, #tpu.memory_space<vmem>>[vector<16xi32>], vector<16xf32>,
          %gather3A_327 = tpu.vector_load_idx %arg14[%add3A_283] : memref<41088xf32, #tpu.memory_space<vmem>>[vector<16xi32>], vector<16xf32>,
          %gather3A_328 = tpu.vector_load_idx %arg14[%add3A_286] : memref<41088xf32, #tpu.memory_space<vmem>>[vector<16xi32>], vector<16xf32>,
          %gather3A_329 = tpu.vector_load_idx %arg14[%add3A_289] : memref<41088xf32, #tpu.memory_space<vmem>>[vector<16xi32>], vector<16xf32>,
          %gather3A_330 = tpu.vector_load_idx %arg14[%add3A_292] : memref<41088xf32, #tpu.memory_space<vmem>>[vector<16xi32>], vector<16xf32>,
          %gather3A_331 = tpu.vector_load_idx %arg14[%add3A_295] : memref<41088xf32, #tpu.memory_space<vmem>>[vector<16xi32>], vector<16xf32>,
          %gather3A_332 = tpu.vector_load_idx %arg14[%add3A_298] : memref<41088xf32, #tpu.memory_space<vmem>>[vector<16xi32>], vector<16xf32>,
          %gather3A_333 = tpu.vector_load_idx %arg14[%add3A_301] : memref<41088xf32, #tpu.memory_space<vmem>>[vector<16xi32>], vector<16xf32>,
          %max3A = arith.maximumf %gather3A_326, %get3A_304 : vector<16xf32>
          tpu.vector_store_idx %arg14[%add3A_280], %max3A : memref<41088xf32, #tpu.memory_space<vmem>>[vector<16xi32>], vector<16xf32>,
          %max3A_334 = arith.maximumf %gather3A_327, %get3A_307 : vector<16xf32>
          tpu.vector_store_idx %arg14[%add3A_283], %max3A_334 : memref<41088xf32, #tpu.memory_space<vmem>>[vector<16xi32>], vector<16xf32>,
          %max3A_335 = arith.maximumf %gather3A_328, %get3A_310 : vector<16xf32>
          tpu.vector_store_idx %arg14[%add3A_286], %max3A_335 : memref<41088xf32, #tpu.memory_space<vmem>>[vector<16xi32>], vector<16xf32>,
          %max3A_336 = arith.maximumf %gather3A_329, %get3A_313 : vector<16xf32>
          tpu.vector_store_idx %arg14[%add3A_289], %max3A_336 : memref<41088xf32, #tpu.memory_space<vmem>>[vector<16xi32>], vector<16xf32>,
          %max3A_337 = arith.maximumf %gather3A_330, %get3A_316 : vector<16xf32>
          tpu.vector_store_idx %arg14[%add3A_292], %max3A_337 : memref<41088xf32, #tpu.memory_space<vmem>>[vector<16xi32>], vector<16xf32>,
          %max3A_338 = arith.maximumf %gather3A_331, %get3A_319 : vector<16xf32>
          tpu.vector_store_idx %arg14[%add3A_295], %max3A_338 : memref<41088xf32, #tpu.memory_space<vmem>>[vector<16xi32>], vector<16xf32>,
          %max3A_339 = arith.maximumf %gather3A_332, %get3A_322 : vector<16xf32>
          tpu.vector_store_idx %arg14[%add3A_298], %max3A_339 : memref<41088xf32, #tpu.memory_space<vmem>>[vector<16xi32>], vector<16xf32>,
          %max3A_340 = arith.maximumf %gather3A_333, %get3A_325 : vector<16xf32>
          tpu.vector_store_idx %arg14[%add3A_301], %max3A_340 : memref<41088xf32, #tpu.memory_space<vmem>>[vector<16xi32>], vector<16xf32>,
          %get3A_341 = arith.index_cast %add3A_277 : i32 to index
          %get3A_342 = arith.constant 128 : index
          %get3A_343 = tpu.vector_load %arg22[%get3A_341, %get3A_342] {strides = array<i32>} : memref<64x256xf32, #tpu.memory_space<vmem>>, vector<16xf32>,
          %mul3A_344 = arith.mulf %gather3A_272, %get3A_343 : vector<16xf32>
          tpu.vector_store_idx %arg15[%add3A_280], %mul3A_344 {add = true} : memref<41088xf32, #tpu.memory_space<vmem>>[vector<16xi32>], vector<16xf32>,
          %get3A_345 = arith.index_cast %add3A_277 : i32 to index
          %get3A_346 = arith.constant 144 : index
          %get3A_347 = tpu.vector_load %arg22[%get3A_345, %get3A_346] {strides = array<i32>} : memref<64x256xf32, #tpu.memory_space<vmem>>, vector<16xf32>,
          %mul3A_348 = arith.mulf %gather3A_272, %get3A_347 : vector<16xf32>
          tpu.vector_store_idx %arg15[%add3A_283], %mul3A_348 {add = true} : memref<41088xf32, #tpu.memory_space<vmem>>[vector<16xi32>], vector<16xf32>,
          %get3A_349 = arith.index_cast %add3A_277 : i32 to index
          %get3A_350 = arith.constant 160 : index
          %get3A_351 = tpu.vector_load %arg22[%get3A_349, %get3A_350] {strides = array<i32>} : memref<64x256xf32, #tpu.memory_space<vmem>>, vector<16xf32>,
          %mul3A_352 = arith.mulf %gather3A_272, %get3A_351 : vector<16xf32>
          tpu.vector_store_idx %arg15[%add3A_286], %mul3A_352 {add = true} : memref<41088xf32, #tpu.memory_space<vmem>>[vector<16xi32>], vector<16xf32>,
          %get3A_353 = arith.index_cast %add3A_277 : i32 to index
          %get3A_354 = arith.constant 176 : index
          %get3A_355 = tpu.vector_load %arg22[%get3A_353, %get3A_354] {strides = array<i32>} : memref<64x256xf32, #tpu.memory_space<vmem>>, vector<16xf32>,
          %mul3A_356 = arith.mulf %gather3A_272, %get3A_355 : vector<16xf32>
          tpu.vector_store_idx %arg15[%add3A_289], %mul3A_356 {add = true} : memref<41088xf32, #tpu.memory_space<vmem>>[vector<16xi32>], vector<16xf32>,
          %get3A_357 = arith.index_cast %add3A_277 : i32 to index
          %get3A_358 = arith.constant 192 : index
          %get3A_359 = tpu.vector_load %arg22[%get3A_357, %get3A_358] {strides = array<i32>} : memref<64x256xf32, #tpu.memory_space<vmem>>, vector<16xf32>,
          %mul3A_360 = arith.mulf %gather3A_272, %get3A_359 : vector<16xf32>
          tpu.vector_store_idx %arg15[%add3A_292], %mul3A_360 {add = true} : memref<41088xf32, #tpu.memory_space<vmem>>[vector<16xi32>], vector<16xf32>,
          %get3A_361 = arith.index_cast %add3A_277 : i32 to index
          %get3A_362 = arith.constant 208 : index
          %get3A_363 = tpu.vector_load %arg22[%get3A_361, %get3A_362] {strides = array<i32>} : memref<64x256xf32, #tpu.memory_space<vmem>>, vector<16xf32>,
          %mul3A_364 = arith.mulf %gather3A_272, %get3A_363 : vector<16xf32>
          tpu.vector_store_idx %arg15[%add3A_295], %mul3A_364 {add = true} : memref<41088xf32, #tpu.memory_space<vmem>>[vector<16xi32>], vector<16xf32>,
          %get3A_365 = arith.index_cast %add3A_277 : i32 to index
          %get3A_366 = arith.constant 224 : index
          %get3A_367 = tpu.vector_load %arg22[%get3A_365, %get3A_366] {strides = array<i32>} : memref<64x256xf32, #tpu.memory_space<vmem>>, vector<16xf32>,
          %mul3A_368 = arith.mulf %gather3A_272, %get3A_367 : vector<16xf32>
          tpu.vector_store_idx %arg15[%add3A_298], %mul3A_368 {add = true} : memref<41088xf32, #tpu.memory_space<vmem>>[vector<16xi32>], vector<16xf32>,
          %get3A_369 = arith.index_cast %add3A_277 : i32 to index
          %get3A_370 = arith.constant 240 : index
          %get3A_371 = tpu.vector_load %arg22[%get3A_369, %get3A_370] {strides = array<i32>} : memref<64x256xf32, #tpu.memory_space<vmem>>, vector<16xf32>,
          %mul3A_372 = arith.mulf %gather3A_272, %get3A_371 : vector<16xf32>
          tpu.vector_store_idx %arg15[%add3A_301], %mul3A_372 {add = true} : memref<41088xf32, #tpu.memory_space<vmem>>[vector<16xi32>], vector<16xf32>,
          %mul3A_373 = arith.constant 2 : i32
          %mul3A_374 = arith.muli %while3A_243, %mul3A_373 : i32
          %add3A_375 = arith.constant 1 : i32
          %add3A_376 = arith.addi %mul3A_374, %add3A_375 : i32
          %rem3A_377 = arith.constant 16 : i32
          %rem3A_378 = arith.remsi %add3A_376, %rem3A_377 : i32
          %div3A_379 = arith.constant 16 : i32
          %div3A_380 = arith.divsi %add3A_376, %div3A_379 : i32
          %broadcast_in_dim3A_381 = vector.broadcast %rem3A_378 : i32 to vector<16xi32>
          %mul3A_382 = arith.constant 16 : i32
          %mul3A_383 = arith.muli %div3A_380, %mul3A_382 : i32
          %add3A_384 = arith.addi %mul3A_137, %mul3A_383 : i32
          %get3A_385 = arith.index_cast %add3A_384 : i32 to index
          %get3A_386 = tpu.vector_load %arg20[%get3A_385] {strides = array<i32>} : memref<3216xi32, #tpu.memory_space<vmem>>, vector<16xi32>,
          %mul3A_387 = arith.constant 16 : i32
          %mul3A_388 = arith.muli %div3A_380, %mul3A_387 : i32
          %get3A_389 = arith.index_cast %mul3A_388 : i32 to index
          %get3A_390 = tpu.vector_load %arg21[%get3A_389] {strides = array<i32>} : memref<32xf32, #tpu.memory_space<vmem>>, vector<16xf32>,
          %broadcast_in_dim3A_391 = vector.shape_cast %broadcast_in_dim3A_381 : vector<16xi32> to vector<16x1xi32>
          %gather3A_392 = vector.shape_cast %broadcast_in_dim3A_391 : vector<16x1xi32> to vector<16xi32>
          %gather3A_393 = tpu.dynamic_gather %get3A_386[%gather3A_392] in [0] : vector<16xi32>, vector<16xi32> -> vector<16xi32>
          %lt3A_394 = arith.cmpi slt, %add3A_376, %min3A_143 : i32
          %jit3A_395 = arith.constant 320 : i32
          %broadcast_in_dim3A_396 = vector.broadcast %jit3A_395 : i32 to vector<16xi32>
          %select_n3A_397 = arith.select %lt3A_394, %gather3A_393, %broadcast_in_dim3A_396 : vector<16xi32>
          %broadcast_in_dim3A_398 = vector.shape_cast %broadcast_in_dim3A_381 : vector<16xi32> to vector<16x1xi32>
          %gather3A_399 = vector.shape_cast %broadcast_in_dim3A_398 : vector<16x1xi32> to vector<16xi32>
          %gather3A_400 = tpu.dynamic_gather %get3A_390[%gather3A_399] in [0] : vector<16xf32>, vector<16xi32> -> vector<16xf32>
          %mul3A_401 = arith.constant 128 : i32
          %mul3A_402 = vector.broadcast %mul3A_401 : i32 to vector<16xi32>
          %mul3A_403 = arith.muli %select_n3A_397, %mul3A_402 : vector<16xi32>
          %add3A_404 = arith.addi %mul3A_403, %iota3A : vector<16xi32>
          %add3A_405 = arith.addi %mul3A_141, %add3A_376 : i32
          %add3A_406 = arith.constant 0 : i32
          %add3A_407 = vector.broadcast %add3A_406 : i32 to vector<16xi32>
          %add3A_408 = arith.addi %add3A_404, %add3A_407 : vector<16xi32>
          %add3A_409 = arith.constant 16 : i32
          %add3A_410 = vector.broadcast %add3A_409 : i32 to vector<16xi32>
          %add3A_411 = arith.addi %add3A_404, %add3A_410 : vector<16xi32>
          %add3A_412 = arith.constant 32 : i32
          %add3A_413 = vector.broadcast %add3A_412 : i32 to vector<16xi32>
          %add3A_414 = arith.addi %add3A_404, %add3A_413 : vector<16xi32>
          %add3A_415 = arith.constant 48 : i32
          %add3A_416 = vector.broadcast %add3A_415 : i32 to vector<16xi32>
          %add3A_417 = arith.addi %add3A_404, %add3A_416 : vector<16xi32>
          %add3A_418 = arith.constant 64 : i32
          %add3A_419 = vector.broadcast %add3A_418 : i32 to vector<16xi32>
          %add3A_420 = arith.addi %add3A_404, %add3A_419 : vector<16xi32>
          %add3A_421 = arith.constant 80 : i32
          %add3A_422 = vector.broadcast %add3A_421 : i32 to vector<16xi32>
          %add3A_423 = arith.addi %add3A_404, %add3A_422 : vector<16xi32>
          %add3A_424 = arith.constant 96 : i32
          %add3A_425 = vector.broadcast %add3A_424 : i32 to vector<16xi32>
          %add3A_426 = arith.addi %add3A_404, %add3A_425 : vector<16xi32>
          %add3A_427 = arith.constant 112 : i32
          %add3A_428 = vector.broadcast %add3A_427 : i32 to vector<16xi32>
          %add3A_429 = arith.addi %add3A_404, %add3A_428 : vector<16xi32>
          %get3A_430 = arith.index_cast %add3A_405 : i32 to index
          %get3A_431 = arith.constant 0 : index
          %get3A_432 = tpu.vector_load %arg22[%get3A_430, %get3A_431] {strides = array<i32>} : memref<64x256xf32, #tpu.memory_space<vmem>>, vector<16xf32>,
          %get3A_433 = arith.index_cast %add3A_405 : i32 to index
          %get3A_434 = arith.constant 16 : index
          %get3A_435 = tpu.vector_load %arg22[%get3A_433, %get3A_434] {strides = array<i32>} : memref<64x256xf32, #tpu.memory_space<vmem>>, vector<16xf32>,
          %get3A_436 = arith.index_cast %add3A_405 : i32 to index
          %get3A_437 = arith.constant 32 : index
          %get3A_438 = tpu.vector_load %arg22[%get3A_436, %get3A_437] {strides = array<i32>} : memref<64x256xf32, #tpu.memory_space<vmem>>, vector<16xf32>,
          %get3A_439 = arith.index_cast %add3A_405 : i32 to index
          %get3A_440 = arith.constant 48 : index
          %get3A_441 = tpu.vector_load %arg22[%get3A_439, %get3A_440] {strides = array<i32>} : memref<64x256xf32, #tpu.memory_space<vmem>>, vector<16xf32>,
          %get3A_442 = arith.index_cast %add3A_405 : i32 to index
          %get3A_443 = arith.constant 64 : index
          %get3A_444 = tpu.vector_load %arg22[%get3A_442, %get3A_443] {strides = array<i32>} : memref<64x256xf32, #tpu.memory_space<vmem>>, vector<16xf32>,
          %get3A_445 = arith.index_cast %add3A_405 : i32 to index
          %get3A_446 = arith.constant 80 : index
          %get3A_447 = tpu.vector_load %arg22[%get3A_445, %get3A_446] {strides = array<i32>} : memref<64x256xf32, #tpu.memory_space<vmem>>, vector<16xf32>,
          %get3A_448 = arith.index_cast %add3A_405 : i32 to index
          %get3A_449 = arith.constant 96 : index
          %get3A_450 = tpu.vector_load %arg22[%get3A_448, %get3A_449] {strides = array<i32>} : memref<64x256xf32, #tpu.memory_space<vmem>>, vector<16xf32>,
          %get3A_451 = arith.index_cast %add3A_405 : i32 to index
          %get3A_452 = arith.constant 112 : index
          %get3A_453 = tpu.vector_load %arg22[%get3A_451, %get3A_452] {strides = array<i32>} : memref<64x256xf32, #tpu.memory_space<vmem>>, vector<16xf32>,
          %gather3A_454 = tpu.vector_load_idx %arg14[%add3A_408] : memref<41088xf32, #tpu.memory_space<vmem>>[vector<16xi32>], vector<16xf32>,
          %gather3A_455 = tpu.vector_load_idx %arg14[%add3A_411] : memref<41088xf32, #tpu.memory_space<vmem>>[vector<16xi32>], vector<16xf32>,
          %gather3A_456 = tpu.vector_load_idx %arg14[%add3A_414] : memref<41088xf32, #tpu.memory_space<vmem>>[vector<16xi32>], vector<16xf32>,
          %gather3A_457 = tpu.vector_load_idx %arg14[%add3A_417] : memref<41088xf32, #tpu.memory_space<vmem>>[vector<16xi32>], vector<16xf32>,
          %gather3A_458 = tpu.vector_load_idx %arg14[%add3A_420] : memref<41088xf32, #tpu.memory_space<vmem>>[vector<16xi32>], vector<16xf32>,
          %gather3A_459 = tpu.vector_load_idx %arg14[%add3A_423] : memref<41088xf32, #tpu.memory_space<vmem>>[vector<16xi32>], vector<16xf32>,
          %gather3A_460 = tpu.vector_load_idx %arg14[%add3A_426] : memref<41088xf32, #tpu.memory_space<vmem>>[vector<16xi32>], vector<16xf32>,
          %gather3A_461 = tpu.vector_load_idx %arg14[%add3A_429] : memref<41088xf32, #tpu.memory_space<vmem>>[vector<16xi32>], vector<16xf32>,
          %max3A_462 = arith.maximumf %gather3A_454, %get3A_432 : vector<16xf32>
          tpu.vector_store_idx %arg14[%add3A_408], %max3A_462 : memref<41088xf32, #tpu.memory_space<vmem>>[vector<16xi32>], vector<16xf32>,
          %max3A_463 = arith.maximumf %gather3A_455, %get3A_435 : vector<16xf32>
          tpu.vector_store_idx %arg14[%add3A_411], %max3A_463 : memref<41088xf32, #tpu.memory_space<vmem>>[vector<16xi32>], vector<16xf32>,
          %max3A_464 = arith.maximumf %gather3A_456, %get3A_438 : vector<16xf32>
          tpu.vector_store_idx %arg14[%add3A_414], %max3A_464 : memref<41088xf32, #tpu.memory_space<vmem>>[vector<16xi32>], vector<16xf32>,
          %max3A_465 = arith.maximumf %gather3A_457, %get3A_441 : vector<16xf32>
          tpu.vector_store_idx %arg14[%add3A_417], %max3A_465 : memref<41088xf32, #tpu.memory_space<vmem>>[vector<16xi32>], vector<16xf32>,
          %max3A_466 = arith.maximumf %gather3A_458, %get3A_444 : vector<16xf32>
          tpu.vector_store_idx %arg14[%add3A_420], %max3A_466 : memref<41088xf32, #tpu.memory_space<vmem>>[vector<16xi32>], vector<16xf32>,
          %max3A_467 = arith.maximumf %gather3A_459, %get3A_447 : vector<16xf32>
          tpu.vector_store_idx %arg14[%add3A_423], %max3A_467 : memref<41088xf32, #tpu.memory_space<vmem>>[vector<16xi32>], vector<16xf32>,
          %max3A_468 = arith.maximumf %gather3A_460, %get3A_450 : vector<16xf32>
          tpu.vector_store_idx %arg14[%add3A_426], %max3A_468 : memref<41088xf32, #tpu.memory_space<vmem>>[vector<16xi32>], vector<16xf32>,
          %max3A_469 = arith.maximumf %gather3A_461, %get3A_453 : vector<16xf32>
          tpu.vector_store_idx %arg14[%add3A_429], %max3A_469 : memref<41088xf32, #tpu.memory_space<vmem>>[vector<16xi32>], vector<16xf32>,
          %get3A_470 = arith.index_cast %add3A_405 : i32 to index
          %get3A_471 = arith.constant 128 : index
          %get3A_472 = tpu.vector_load %arg22[%get3A_470, %get3A_471] {strides = array<i32>} : memref<64x256xf32, #tpu.memory_space<vmem>>, vector<16xf32>,
          %mul3A_473 = arith.mulf %gather3A_400, %get3A_472 : vector<16xf32>
          tpu.vector_store_idx %arg15[%add3A_408], %mul3A_473 {add = true} : memref<41088xf32, #tpu.memory_space<vmem>>[vector<16xi32>], vector<16xf32>,
          %get3A_474 = arith.index_cast %add3A_405 : i32 to index
          %get3A_475 = arith.constant 144 : index
          %get3A_476 = tpu.vector_load %arg22[%get3A_474, %get3A_475] {strides = array<i32>} : memref<64x256xf32, #tpu.memory_space<vmem>>, vector<16xf32>,
          %mul3A_477 = arith.mulf %gather3A_400, %get3A_476 : vector<16xf32>
          tpu.vector_store_idx %arg15[%add3A_411], %mul3A_477 {add = true} : memref<41088xf32, #tpu.memory_space<vmem>>[vector<16xi32>], vector<16xf32>,
          %get3A_478 = arith.index_cast %add3A_405 : i32 to index
          %get3A_479 = arith.constant 160 : index
          %get3A_480 = tpu.vector_load %arg22[%get3A_478, %get3A_479] {strides = array<i32>} : memref<64x256xf32, #tpu.memory_space<vmem>>, vector<16xf32>,
          %mul3A_481 = arith.mulf %gather3A_400, %get3A_480 : vector<16xf32>
          tpu.vector_store_idx %arg15[%add3A_414], %mul3A_481 {add = true} : memref<41088xf32, #tpu.memory_space<vmem>>[vector<16xi32>], vector<16xf32>,
          %get3A_482 = arith.index_cast %add3A_405 : i32 to index
          %get3A_483 = arith.constant 176 : index
          %get3A_484 = tpu.vector_load %arg22[%get3A_482, %get3A_483] {strides = array<i32>} : memref<64x256xf32, #tpu.memory_space<vmem>>, vector<16xf32>,
          %mul3A_485 = arith.mulf %gather3A_400, %get3A_484 : vector<16xf32>
          tpu.vector_store_idx %arg15[%add3A_417], %mul3A_485 {add = true} : memref<41088xf32, #tpu.memory_space<vmem>>[vector<16xi32>], vector<16xf32>,
          %get3A_486 = arith.index_cast %add3A_405 : i32 to index
          %get3A_487 = arith.constant 192 : index
          %get3A_488 = tpu.vector_load %arg22[%get3A_486, %get3A_487] {strides = array<i32>} : memref<64x256xf32, #tpu.memory_space<vmem>>, vector<16xf32>,
          %mul3A_489 = arith.mulf %gather3A_400, %get3A_488 : vector<16xf32>
          tpu.vector_store_idx %arg15[%add3A_420], %mul3A_489 {add = true} : memref<41088xf32, #tpu.memory_space<vmem>>[vector<16xi32>], vector<16xf32>,
          %get3A_490 = arith.index_cast %add3A_405 : i32 to index
          %get3A_491 = arith.constant 208 : index
          %get3A_492 = tpu.vector_load %arg22[%get3A_490, %get3A_491] {strides = array<i32>} : memref<64x256xf32, #tpu.memory_space<vmem>>, vector<16xf32>,
          %mul3A_493 = arith.mulf %gather3A_400, %get3A_492 : vector<16xf32>
          tpu.vector_store_idx %arg15[%add3A_423], %mul3A_493 {add = true} : memref<41088xf32, #tpu.memory_space<vmem>>[vector<16xi32>], vector<16xf32>,
          %get3A_494 = arith.index_cast %add3A_405 : i32 to index
          %get3A_495 = arith.constant 224 : index
          %get3A_496 = tpu.vector_load %arg22[%get3A_494, %get3A_495] {strides = array<i32>} : memref<64x256xf32, #tpu.memory_space<vmem>>, vector<16xf32>,
          %mul3A_497 = arith.mulf %gather3A_400, %get3A_496 : vector<16xf32>
          tpu.vector_store_idx %arg15[%add3A_426], %mul3A_497 {add = true} : memref<41088xf32, #tpu.memory_space<vmem>>[vector<16xi32>], vector<16xf32>,
          %get3A_498 = arith.index_cast %add3A_405 : i32 to index
          %get3A_499 = arith.constant 240 : index
          %get3A_500 = tpu.vector_load %arg22[%get3A_498, %get3A_499] {strides = array<i32>} : memref<64x256xf32, #tpu.memory_space<vmem>>, vector<16xf32>,
          %mul3A_501 = arith.mulf %gather3A_400, %get3A_500 : vector<16xf32>
          tpu.vector_store_idx %arg15[%add3A_429], %mul3A_501 {add = true} : memref<41088xf32, #tpu.memory_space<vmem>>[vector<16xi32>], vector<16xf32>,
          %while3A_502 = arith.constant 0 : i32
          scf.yield %while3A_502 : i32
        }
        %while3A_242 = arith.constant 0 : i32
        scf.yield %while3A_242 : i32
      }
      %while3A_131 = arith.constant 1 : i32
      %while3A_132 = scf.for %while3A_134 = %while3A_128 to %while3A_124 step %while3A_131 iter_args(%while3A_135 = %while3A_130) -> (i32)  : i32 {
        %mul3A_136 = arith.constant 32 : i32
        %mul3A_137 = arith.muli %while3A_134, %mul3A_136 : i32
        %rem3A_138 = arith.constant 2 : i32
        %rem3A_139 = arith.remsi %while3A_134, %rem3A_138 : i32
        %mul3A_140 = arith.constant 32 : i32
        %mul3A_141 = arith.muli %rem3A_139, %mul3A_140 : i32
        %sub3A_142 = arith.subi %reduce_max3A_96, %mul3A_137 : i32
        %min3A = arith.constant 32 : i32
        %min3A_143 = arith.minsi %sub3A_142, %min3A : i32
        %get3A = arith.constant 0 : index
        %get3A_144 = tpu.vector_load %arg13[%get3A] {strides = array<i32>} : memref<16xf32, #tpu.memory_space<vmem>>, vector<16xf32>,
        %add3A_145 = arith.constant 0 : i32
        %add3A_146 = arith.addi %mul3A_137, %add3A_145 : i32
        %get3A_147 = arith.index_cast %add3A_146 : i32 to index
        %get3A_148 = tpu.vector_load %arg19[%get3A_147] {strides = array<i32>} : memref<3216xi32, #tpu.memory_space<vmem>>, vector<16xi32>,
        %get3A_149 = arith.index_cast %add3A_146 : i32 to index
        %get3A_150 = tpu.vector_load %arg20[%get3A_149] {strides = array<i32>} : memref<3216xi32, #tpu.memory_space<vmem>>, vector<16xi32>,
        %gather3A = tpu.vector_load_idx %arg11[%get3A_148] : memref<10240xf32, #tpu.memory_space<vmem>>[vector<16xi32>], vector<16xf32>,
        %gather3A_151 = tpu.vector_load_idx %arg12[%get3A_150] : memref<320xf32, #tpu.memory_space<vmem>>[vector<16xi32>], vector<16xf32>,
        %add3A_152 = arith.addf %gather3A, %gather3A_151 : vector<16xf32>
        %gt3A_153 = arith.constant 0.000000e+00 : f32
        %gt3A_154 = vector.broadcast %gt3A_153 : f32 to vector<16xf32>
        %gt3A_155 = arith.cmpf ogt, %add3A_152, %gt3A_154 : vector<16xf32>
        %mul3A_156 = arith.constant 2.000000e-01 : f32
        %mul3A_157 = vector.broadcast %mul3A_156 : f32 to vector<16xf32>
        %mul3A_158 = arith.mulf %mul3A_157, %add3A_152 : vector<16xf32>
        %select_n3A_159 = arith.select %gt3A_155, %add3A_152, %mul3A_158 : vector<16xi1>, vector<16xf32>
        %sub3A_160 = arith.subf %select_n3A_159, %get3A_144 : vector<16xf32>
        %exp3A = math.exp %sub3A_160 : vector<16xf32>
        %add3A_161 = arith.constant 0 : i32
        %add3A_162 = vector.broadcast %add3A_161 : i32 to vector<16xi32>
        %add3A_163 = arith.addi %iota3A, %add3A_162 : vector<16xi32>
        %lt3A_164 = vector.broadcast %min3A_143 : i32 to vector<16xi32>
        %lt3A_165 = arith.cmpi slt, %add3A_163, %lt3A_164 : vector<16xi32>
        tpu.vector_store_idx %arg16[%get3A_150], %exp3A masked %lt3A_165 {add = true} : memref<320xf32, #tpu.memory_space<vmem>>[vector<16xi32>], vector<16xf32>, vector<16xi1>
        %swap3A = arith.constant 0 : index
        %swap3A_166 = tpu.vector_load %arg21[%swap3A] {strides = array<i32>} : memref<32xf32, #tpu.memory_space<vmem>>, vector<16xf32>,
        tpu.vector_store %arg21[%swap3A], %exp3A {strides = array<i32>} : memref<32xf32, #tpu.memory_space<vmem>>, vector<16xf32>,
        %add3A_167 = arith.constant 16 : i32
        %add3A_168 = arith.addi %mul3A_137, %add3A_167 : i32
        %get3A_169 = arith.index_cast %add3A_168 : i32 to index
        %get3A_170 = tpu.vector_load %arg19[%get3A_169] {strides = array<i32>} : memref<3216xi32, #tpu.memory_space<vmem>>, vector<16xi32>,
        %get3A_171 = arith.index_cast %add3A_168 : i32 to index
        %get3A_172 = tpu.vector_load %arg20[%get3A_171] {strides = array<i32>} : memref<3216xi32, #tpu.memory_space<vmem>>, vector<16xi32>,
        %gather3A_173 = tpu.vector_load_idx %arg11[%get3A_170] : memref<10240xf32, #tpu.memory_space<vmem>>[vector<16xi32>], vector<16xf32>,
        %gather3A_174 = tpu.vector_load_idx %arg12[%get3A_172] : memref<320xf32, #tpu.memory_space<vmem>>[vector<16xi32>], vector<16xf32>,
        %add3A_175 = arith.addf %gather3A_173, %gather3A_174 : vector<16xf32>
        %gt3A_176 = arith.constant 0.000000e+00 : f32
        %gt3A_177 = vector.broadcast %gt3A_176 : f32 to vector<16xf32>
        %gt3A_178 = arith.cmpf ogt, %add3A_175, %gt3A_177 : vector<16xf32>
        %mul3A_179 = arith.constant 2.000000e-01 : f32
        %mul3A_180 = vector.broadcast %mul3A_179 : f32 to vector<16xf32>
        %mul3A_181 = arith.mulf %mul3A_180, %add3A_175 : vector<16xf32>
        %select_n3A_182 = arith.select %gt3A_178, %add3A_175, %mul3A_181 : vector<16xi1>, vector<16xf32>
        %sub3A_183 = arith.subf %select_n3A_182, %get3A_144 : vector<16xf32>
        %exp3A_184 = math.exp %sub3A_183 : vector<16xf32>
        %add3A_185 = arith.constant 16 : i32
        %add3A_186 = vector.broadcast %add3A_185 : i32 to vector<16xi32>
        %add3A_187 = arith.addi %iota3A, %add3A_186 : vector<16xi32>
        %lt3A_188 = vector.broadcast %min3A_143 : i32 to vector<16xi32>
        %lt3A_189 = arith.cmpi slt, %add3A_187, %lt3A_188 : vector<16xi32>
        tpu.vector_store_idx %arg16[%get3A_172], %exp3A_184 masked %lt3A_189 {add = true} : memref<320xf32, #tpu.memory_space<vmem>>[vector<16xi32>], vector<16xf32>, vector<16xi1>
        %swap3A_190 = arith.constant 16 : index
        %swap3A_191 = tpu.vector_load %arg21[%swap3A_190] {strides = array<i32>} : memref<32xf32, #tpu.memory_space<vmem>>, vector<16xf32>,
        tpu.vector_store %arg21[%swap3A_190], %exp3A_184 {strides = array<i32>} : memref<32xf32, #tpu.memory_space<vmem>>, vector<16xf32>,
        %dma_wait3A_192 = arith.constant 0 : i32
        %dma_wait3A_193 = tpu.memref_slice %arg22[%mul3A_141, %dma_wait3A_192] : memref<64x256xf32, #tpu.memory_space<vmem>> -> memref<32x256xf32, #tpu.memory_space<vmem>>
        %dma_wait3A_194 = tpu.memref_slice %arg19[%mul3A_137] : memref<3216xi32, #tpu.memory_space<vmem>> -> memref<32xi32, #tpu.memory_space<vmem>>
        %dma_wait3A_195 = arith.constant 0 : i32
        %dma_wait3A_196 = arith.constant 0 : i32
        %dma_wait3A_197 = tpu.memref_slice %arg6[%dma_wait3A_195, %dma_wait3A_196] : memref<10000x256xf32, #tpu.memory_space<hbm>> -> memref<10000x256xf32, #tpu.memory_space<hbm>>
        tpu.wait_indirect_dma semaphore(%arg23 : memref<!tpu.dma_semaphore, #tpu.memory_space<semaphore_mem>>) src(%dma_wait3A_197 : memref<10000x256xf32, #tpu.memory_space<hbm>>) dst(%dma_wait3A_193 : memref<32x256xf32, #tpu.memory_space<vmem>>)
        %add3A_198 = arith.constant 1 : i32
        %add3A_199 = arith.addi %while3A_134, %add3A_198 : i32
        %lt3A_200 = arith.cmpi slt, %add3A_199, %select_n3A : i32
        %convert_element_type3A_201 = arith.extui %lt3A_200 : i1 to i32
        %cond3A_202 = arith.constant 0 : i32
        %cond3A_203 = arith.cmpi ne, %convert_element_type3A_201, %cond3A_202 : i32
        scf.if %cond3A_203 {
          %add3A_243 = arith.constant 32 : i32
          %add3A_244 = arith.addi %mul3A_137, %add3A_243 : i32
          %add3A_245 = arith.constant 1 : i32
          %add3A_246 = arith.addi %while3A_134, %add3A_245 : i32
          %rem3A_247 = arith.constant 2 : i32
          %rem3A_248 = arith.remsi %add3A_246, %rem3A_247 : i32
          %mul3A_249 = arith.constant 32 : i32
          %mul3A_250 = arith.muli %rem3A_248, %mul3A_249 : i32
          %dma_start3A_251 = arith.constant 0 : i32
          %dma_start3A_252 = tpu.memref_slice %arg22[%mul3A_250, %dma_start3A_251] : memref<64x256xf32, #tpu.memory_space<vmem>> -> memref<32x256xf32, #tpu.memory_space<vmem>>
          %dma_start3A_253 = tpu.memref_slice %arg19[%add3A_244] : memref<3216xi32, #tpu.memory_space<vmem>> -> memref<32xi32, #tpu.memory_space<vmem>>
          %dma_start3A_254 = arith.constant 0 : i32
          %dma_start3A_255 = arith.constant 0 : i32
          %dma_start3A_256 = tpu.memref_slice %arg6[%dma_start3A_254, %dma_start3A_255] : memref<10000x256xf32, #tpu.memory_space<hbm>> -> memref<10000x256xf32, #tpu.memory_space<hbm>>
          tpu.enqueue_indirect_dma source(%dma_start3A_256 : memref<10000x256xf32, #tpu.memory_space<hbm>>) target(%dma_start3A_252 : memref<32x256xf32, #tpu.memory_space<vmem>>) offsets(%dma_start3A_253 : memref<32xi32, #tpu.memory_space<vmem>>) semaphore(%arg23 : memref<!tpu.dma_semaphore, #tpu.memory_space<semaphore_mem>>)
        } else {
        }
        %add3A_204 = arith.constant 1 : i32
        %add3A_205 = arith.addi %min3A_143, %add3A_204 : i32
        %jit3A_206 = arith.constant 2 : i32
        %div3A_207 = arith.divsi %add3A_205, %jit3A_206 : i32
        %sign3A_208 = arith.constant 0 : i32
        %sign3A_209 = arith.cmpi sgt, %add3A_205, %sign3A_208 : i32
        %sign3A_210 = arith.extui %sign3A_209 : i1 to i32
        %sign3A_211 = arith.constant 0 : i32
        %sign3A_212 = arith.cmpi slt, %add3A_205, %sign3A_211 : i32
        %sign3A_213 = arith.extui %sign3A_212 : i1 to i32
        %sign3A_214 = arith.subi %sign3A_210, %sign3A_213 : i32
        %sign3A_215 = arith.constant 0 : i32
        %sign3A_216 = arith.cmpi sgt, %jit3A_206, %sign3A_215 : i32
        %sign3A_217 = arith.extui %sign3A_216 : i1 to i32
        %sign3A_218 = arith.constant 0 : i32
        %sign3A_219 = arith.cmpi slt, %jit3A_206, %sign3A_218 : i32
        %sign3A_220 = arith.extui %sign3A_219 : i1 to i32
        %sign3A_221 = arith.subi %sign3A_217, %sign3A_220 : i32
        %ne3A_222 = arith.cmpi ne, %sign3A_214, %sign3A_221 : i32
        %rem3A_223 = arith.remsi %add3A_205, %jit3A_206 : i32
        %ne3A_224 = arith.constant 0 : i32
        %ne3A_225 = arith.cmpi ne, %rem3A_223, %ne3A_224 : i32
        %and3A_226 = arith.andi %ne3A_222, %ne3A_225 : i1
        %sub3A_227 = arith.constant 1 : i32
        %sub3A_228 = arith.subi %div3A_207, %sub3A_227 : i32
        %select_n3A_229 = arith.select %and3A_226, %sub3A_228, %div3A_207 : i32
        %while3A_230 = arith.constant 0 : i32
        %while3A_231 = arith.constant 0 : i32
        %while3A_232 = arith.subi %select_n3A_229, %while3A_230 : i32
        %while3A_233 = arith.addi %while3A_230, %while3A_232 : i32
        %while3A_234 = arith.constant 1 : i32
        %while3A_235 = arith.divsi %while3A_232, %while3A_234 : i32
        %while3A_236 = arith.muli %while3A_235, %while3A_234 : i32
        %while3A_237 = arith.addi %while3A_230, %while3A_236 : i32
        %while3A_238 = arith.constant 1 : i32
        %while3A_239 = scf.for %while3A_243 = %while3A_230 to %while3A_237 step %while3A_238 iter_args(%while3A_244 = %while3A_231) -> (i32)  : i32 {
          %mul3A_245 = arith.constant 2 : i32
          %mul3A_246 = arith.muli %while3A_243, %mul3A_245 : i32
          %add3A_247 = arith.constant 0 : i32
          %add3A_248 = arith.addi %mul3A_246, %add3A_247 : i32
          %rem3A_249 = arith.constant 16 : i32
          %rem3A_250 = arith.remsi %add3A_248, %rem3A_249 : i32
          %div3A_251 = arith.constant 16 : i32
          %div3A_252 = arith.divsi %add3A_248, %div3A_251 : i32
          %broadcast_in_dim3A_253 = vector.broadcast %rem3A_250 : i32 to vector<16xi32>
          %mul3A_254 = arith.constant 16 : i32
          %mul3A_255 = arith.muli %div3A_252, %mul3A_254 : i32
          %add3A_256 = arith.addi %mul3A_137, %mul3A_255 : i32
          %get3A_257 = arith.index_cast %add3A_256 : i32 to index
          %get3A_258 = tpu.vector_load %arg20[%get3A_257] {strides = array<i32>} : memref<3216xi32, #tpu.memory_space<vmem>>, vector<16xi32>,
          %mul3A_259 = arith.constant 16 : i32
          %mul3A_260 = arith.muli %div3A_252, %mul3A_259 : i32
          %get3A_261 = arith.index_cast %mul3A_260 : i32 to index
          %get3A_262 = tpu.vector_load %arg21[%get3A_261] {strides = array<i32>} : memref<32xf32, #tpu.memory_space<vmem>>, vector<16xf32>,
          %broadcast_in_dim3A_263 = vector.shape_cast %broadcast_in_dim3A_253 : vector<16xi32> to vector<16x1xi32>
          %gather3A_264 = vector.shape_cast %broadcast_in_dim3A_263 : vector<16x1xi32> to vector<16xi32>
          %gather3A_265 = tpu.dynamic_gather %get3A_258[%gather3A_264] in [0] : vector<16xi32>, vector<16xi32> -> vector<16xi32>
          %lt3A_266 = arith.cmpi slt, %add3A_248, %min3A_143 : i32
          %jit3A_267 = arith.constant 320 : i32
          %broadcast_in_dim3A_268 = vector.broadcast %jit3A_267 : i32 to vector<16xi32>
          %select_n3A_269 = arith.select %lt3A_266, %gather3A_265, %broadcast_in_dim3A_268 : vector<16xi32>
          %broadcast_in_dim3A_270 = vector.shape_cast %broadcast_in_dim3A_253 : vector<16xi32> to vector<16x1xi32>
          %gather3A_271 = vector.shape_cast %broadcast_in_dim3A_270 : vector<16x1xi32> to vector<16xi32>
          %gather3A_272 = tpu.dynamic_gather %get3A_262[%gather3A_271] in [0] : vector<16xf32>, vector<16xi32> -> vector<16xf32>
          %mul3A_273 = arith.constant 128 : i32
          %mul3A_274 = vector.broadcast %mul3A_273 : i32 to vector<16xi32>
          %mul3A_275 = arith.muli %select_n3A_269, %mul3A_274 : vector<16xi32>
          %add3A_276 = arith.addi %mul3A_275, %iota3A : vector<16xi32>
          %add3A_277 = arith.addi %mul3A_141, %add3A_248 : i32
          %add3A_278 = arith.constant 0 : i32
          %add3A_279 = vector.broadcast %add3A_278 : i32 to vector<16xi32>
          %add3A_280 = arith.addi %add3A_276, %add3A_279 : vector<16xi32>
          %add3A_281 = arith.constant 16 : i32
          %add3A_282 = vector.broadcast %add3A_281 : i32 to vector<16xi32>
          %add3A_283 = arith.addi %add3A_276, %add3A_282 : vector<16xi32>
          %add3A_284 = arith.constant 32 : i32
          %add3A_285 = vector.broadcast %add3A_284 : i32 to vector<16xi32>
          %add3A_286 = arith.addi %add3A_276, %add3A_285 : vector<16xi32>
          %add3A_287 = arith.constant 48 : i32
          %add3A_288 = vector.broadcast %add3A_287 : i32 to vector<16xi32>
          %add3A_289 = arith.addi %add3A_276, %add3A_288 : vector<16xi32>
          %add3A_290 = arith.constant 64 : i32
          %add3A_291 = vector.broadcast %add3A_290 : i32 to vector<16xi32>
          %add3A_292 = arith.addi %add3A_276, %add3A_291 : vector<16xi32>
          %add3A_293 = arith.constant 80 : i32
          %add3A_294 = vector.broadcast %add3A_293 : i32 to vector<16xi32>
          %add3A_295 = arith.addi %add3A_276, %add3A_294 : vector<16xi32>
          %add3A_296 = arith.constant 96 : i32
          %add3A_297 = vector.broadcast %add3A_296 : i32 to vector<16xi32>
          %add3A_298 = arith.addi %add3A_276, %add3A_297 : vector<16xi32>
          %add3A_299 = arith.constant 112 : i32
          %add3A_300 = vector.broadcast %add3A_299 : i32 to vector<16xi32>
          %add3A_301 = arith.addi %add3A_276, %add3A_300 : vector<16xi32>
          %get3A_302 = arith.index_cast %add3A_277 : i32 to index
          %get3A_303 = arith.constant 0 : index
          %get3A_304 = tpu.vector_load %arg22[%get3A_302, %get3A_303] {strides = array<i32>} : memref<64x256xf32, #tpu.memory_space<vmem>>, vector<16xf32>,
          %get3A_305 = arith.index_cast %add3A_277 : i32 to index
          %get3A_306 = arith.constant 16 : index
          %get3A_307 = tpu.vector_load %arg22[%get3A_305, %get3A_306] {strides = array<i32>} : memref<64x256xf32, #tpu.memory_space<vmem>>, vector<16xf32>,
          %get3A_308 = arith.index_cast %add3A_277 : i32 to index
          %get3A_309 = arith.constant 32 : index
          %get3A_310 = tpu.vector_load %arg22[%get3A_308, %get3A_309] {strides = array<i32>} : memref<64x256xf32, #tpu.memory_space<vmem>>, vector<16xf32>,
          %get3A_311 = arith.index_cast %add3A_277 : i32 to index
          %get3A_312 = arith.constant 48 : index
          %get3A_313 = tpu.vector_load %arg22[%get3A_311, %get3A_312] {strides = array<i32>} : memref<64x256xf32, #tpu.memory_space<vmem>>, vector<16xf32>,
          %get3A_314 = arith.index_cast %add3A_277 : i32 to index
          %get3A_315 = arith.constant 64 : index
          %get3A_316 = tpu.vector_load %arg22[%get3A_314, %get3A_315] {strides = array<i32>} : memref<64x256xf32, #tpu.memory_space<vmem>>, vector<16xf32>,
          %get3A_317 = arith.index_cast %add3A_277 : i32 to index
          %get3A_318 = arith.constant 80 : index
          %get3A_319 = tpu.vector_load %arg22[%get3A_317, %get3A_318] {strides = array<i32>} : memref<64x256xf32, #tpu.memory_space<vmem>>, vector<16xf32>,
          %get3A_320 = arith.index_cast %add3A_277 : i32 to index
          %get3A_321 = arith.constant 96 : index
          %get3A_322 = tpu.vector_load %arg22[%get3A_320, %get3A_321] {strides = array<i32>} : memref<64x256xf32, #tpu.memory_space<vmem>>, vector<16xf32>,
          %get3A_323 = arith.index_cast %add3A_277 : i32 to index
          %get3A_324 = arith.constant 112 : index
          %get3A_325 = tpu.vector_load %arg22[%get3A_323, %get3A_324] {strides = array<i32>} : memref<64x256xf32, #tpu.memory_space<vmem>>, vector<16xf32>,
          %gather3A_326 = tpu.vector_load_idx %arg14[%add3A_280] : memref<41088xf32, #tpu.memory_space<vmem>>[vector<16xi32>], vector<16xf32>,
          %gather3A_327 = tpu.vector_load_idx %arg14[%add3A_283] : memref<41088xf32, #tpu.memory_space<vmem>>[vector<16xi32>], vector<16xf32>,
          %gather3A_328 = tpu.vector_load_idx %arg14[%add3A_286] : memref<41088xf32, #tpu.memory_space<vmem>>[vector<16xi32>], vector<16xf32>,
          %gather3A_329 = tpu.vector_load_idx %arg14[%add3A_289] : memref<41088xf32, #tpu.memory_space<vmem>>[vector<16xi32>], vector<16xf32>,
          %gather3A_330 = tpu.vector_load_idx %arg14[%add3A_292] : memref<41088xf32, #tpu.memory_space<vmem>>[vector<16xi32>], vector<16xf32>,
          %gather3A_331 = tpu.vector_load_idx %arg14[%add3A_295] : memref<41088xf32, #tpu.memory_space<vmem>>[vector<16xi32>], vector<16xf32>,
          %gather3A_332 = tpu.vector_load_idx %arg14[%add3A_298] : memref<41088xf32, #tpu.memory_space<vmem>>[vector<16xi32>], vector<16xf32>,
          %gather3A_333 = tpu.vector_load_idx %arg14[%add3A_301] : memref<41088xf32, #tpu.memory_space<vmem>>[vector<16xi32>], vector<16xf32>,
          %max3A = arith.maximumf %gather3A_326, %get3A_304 : vector<16xf32>
          tpu.vector_store_idx %arg14[%add3A_280], %max3A : memref<41088xf32, #tpu.memory_space<vmem>>[vector<16xi32>], vector<16xf32>,
          %max3A_334 = arith.maximumf %gather3A_327, %get3A_307 : vector<16xf32>
          tpu.vector_store_idx %arg14[%add3A_283], %max3A_334 : memref<41088xf32, #tpu.memory_space<vmem>>[vector<16xi32>], vector<16xf32>,
          %max3A_335 = arith.maximumf %gather3A_328, %get3A_310 : vector<16xf32>
          tpu.vector_store_idx %arg14[%add3A_286], %max3A_335 : memref<41088xf32, #tpu.memory_space<vmem>>[vector<16xi32>], vector<16xf32>,
          %max3A_336 = arith.maximumf %gather3A_329, %get3A_313 : vector<16xf32>
          tpu.vector_store_idx %arg14[%add3A_289], %max3A_336 : memref<41088xf32, #tpu.memory_space<vmem>>[vector<16xi32>], vector<16xf32>,
          %max3A_337 = arith.maximumf %gather3A_330, %get3A_316 : vector<16xf32>
          tpu.vector_store_idx %arg14[%add3A_292], %max3A_337 : memref<41088xf32, #tpu.memory_space<vmem>>[vector<16xi32>], vector<16xf32>,
          %max3A_338 = arith.maximumf %gather3A_331, %get3A_319 : vector<16xf32>
          tpu.vector_store_idx %arg14[%add3A_295], %max3A_338 : memref<41088xf32, #tpu.memory_space<vmem>>[vector<16xi32>], vector<16xf32>,
          %max3A_339 = arith.maximumf %gather3A_332, %get3A_322 : vector<16xf32>
          tpu.vector_store_idx %arg14[%add3A_298], %max3A_339 : memref<41088xf32, #tpu.memory_space<vmem>>[vector<16xi32>], vector<16xf32>,
          %max3A_340 = arith.maximumf %gather3A_333, %get3A_325 : vector<16xf32>
          tpu.vector_store_idx %arg14[%add3A_301], %max3A_340 : memref<41088xf32, #tpu.memory_space<vmem>>[vector<16xi32>], vector<16xf32>,
          %get3A_341 = arith.index_cast %add3A_277 : i32 to index
          %get3A_342 = arith.constant 128 : index
          %get3A_343 = tpu.vector_load %arg22[%get3A_341, %get3A_342] {strides = array<i32>} : memref<64x256xf32, #tpu.memory_space<vmem>>, vector<16xf32>,
          %mul3A_344 = arith.mulf %gather3A_272, %get3A_343 : vector<16xf32>
          tpu.vector_store_idx %arg15[%add3A_280], %mul3A_344 {add = true} : memref<41088xf32, #tpu.memory_space<vmem>>[vector<16xi32>], vector<16xf32>,
          %get3A_345 = arith.index_cast %add3A_277 : i32 to index
          %get3A_346 = arith.constant 144 : index
          %get3A_347 = tpu.vector_load %arg22[%get3A_345, %get3A_346] {strides = array<i32>} : memref<64x256xf32, #tpu.memory_space<vmem>>, vector<16xf32>,
          %mul3A_348 = arith.mulf %gather3A_272, %get3A_347 : vector<16xf32>
          tpu.vector_store_idx %arg15[%add3A_283], %mul3A_348 {add = true} : memref<41088xf32, #tpu.memory_space<vmem>>[vector<16xi32>], vector<16xf32>,
          %get3A_349 = arith.index_cast %add3A_277 : i32 to index
          %get3A_350 = arith.constant 160 : index
          %get3A_351 = tpu.vector_load %arg22[%get3A_349, %get3A_350] {strides = array<i32>} : memref<64x256xf32, #tpu.memory_space<vmem>>, vector<16xf32>,
          %mul3A_352 = arith.mulf %gather3A_272, %get3A_351 : vector<16xf32>
          tpu.vector_store_idx %arg15[%add3A_286], %mul3A_352 {add = true} : memref<41088xf32, #tpu.memory_space<vmem>>[vector<16xi32>], vector<16xf32>,
          %get3A_353 = arith.index_cast %add3A_277 : i32 to index
          %get3A_354 = arith.constant 176 : index
          %get3A_355 = tpu.vector_load %arg22[%get3A_353, %get3A_354] {strides = array<i32>} : memref<64x256xf32, #tpu.memory_space<vmem>>, vector<16xf32>,
          %mul3A_356 = arith.mulf %gather3A_272, %get3A_355 : vector<16xf32>
          tpu.vector_store_idx %arg15[%add3A_289], %mul3A_356 {add = true} : memref<41088xf32, #tpu.memory_space<vmem>>[vector<16xi32>], vector<16xf32>,
          %get3A_357 = arith.index_cast %add3A_277 : i32 to index
          %get3A_358 = arith.constant 192 : index
          %get3A_359 = tpu.vector_load %arg22[%get3A_357, %get3A_358] {strides = array<i32>} : memref<64x256xf32, #tpu.memory_space<vmem>>, vector<16xf32>,
          %mul3A_360 = arith.mulf %gather3A_272, %get3A_359 : vector<16xf32>
          tpu.vector_store_idx %arg15[%add3A_292], %mul3A_360 {add = true} : memref<41088xf32, #tpu.memory_space<vmem>>[vector<16xi32>], vector<16xf32>,
          %get3A_361 = arith.index_cast %add3A_277 : i32 to index
          %get3A_362 = arith.constant 208 : index
          %get3A_363 = tpu.vector_load %arg22[%get3A_361, %get3A_362] {strides = array<i32>} : memref<64x256xf32, #tpu.memory_space<vmem>>, vector<16xf32>,
          %mul3A_364 = arith.mulf %gather3A_272, %get3A_363 : vector<16xf32>
          tpu.vector_store_idx %arg15[%add3A_295], %mul3A_364 {add = true} : memref<41088xf32, #tpu.memory_space<vmem>>[vector<16xi32>], vector<16xf32>,
          %get3A_365 = arith.index_cast %add3A_277 : i32 to index
          %get3A_366 = arith.constant 224 : index
          %get3A_367 = tpu.vector_load %arg22[%get3A_365, %get3A_366] {strides = array<i32>} : memref<64x256xf32, #tpu.memory_space<vmem>>, vector<16xf32>,
          %mul3A_368 = arith.mulf %gather3A_272, %get3A_367 : vector<16xf32>
          tpu.vector_store_idx %arg15[%add3A_298], %mul3A_368 {add = true} : memref<41088xf32, #tpu.memory_space<vmem>>[vector<16xi32>], vector<16xf32>,
          %get3A_369 = arith.index_cast %add3A_277 : i32 to index
          %get3A_370 = arith.constant 240 : index
          %get3A_371 = tpu.vector_load %arg22[%get3A_369, %get3A_370] {strides = array<i32>} : memref<64x256xf32, #tpu.memory_space<vmem>>, vector<16xf32>,
          %mul3A_372 = arith.mulf %gather3A_272, %get3A_371 : vector<16xf32>
          tpu.vector_store_idx %arg15[%add3A_301], %mul3A_372 {add = true} : memref<41088xf32, #tpu.memory_space<vmem>>[vector<16xi32>], vector<16xf32>,
          %mul3A_373 = arith.constant 2 : i32
          %mul3A_374 = arith.muli %while3A_243, %mul3A_373 : i32
          %add3A_375 = arith.constant 1 : i32
          %add3A_376 = arith.addi %mul3A_374, %add3A_375 : i32
          %rem3A_377 = arith.constant 16 : i32
          %rem3A_378 = arith.remsi %add3A_376, %rem3A_377 : i32
          %div3A_379 = arith.constant 16 : i32
          %div3A_380 = arith.divsi %add3A_376, %div3A_379 : i32
          %broadcast_in_dim3A_381 = vector.broadcast %rem3A_378 : i32 to vector<16xi32>
          %mul3A_382 = arith.constant 16 : i32
          %mul3A_383 = arith.muli %div3A_380, %mul3A_382 : i32
          %add3A_384 = arith.addi %mul3A_137, %mul3A_383 : i32
          %get3A_385 = arith.index_cast %add3A_384 : i32 to index
          %get3A_386 = tpu.vector_load %arg20[%get3A_385] {strides = array<i32>} : memref<3216xi32, #tpu.memory_space<vmem>>, vector<16xi32>,
          %mul3A_387 = arith.constant 16 : i32
          %mul3A_388 = arith.muli %div3A_380, %mul3A_387 : i32
          %get3A_389 = arith.index_cast %mul3A_388 : i32 to index
          %get3A_390 = tpu.vector_load %arg21[%get3A_389] {strides = array<i32>} : memref<32xf32, #tpu.memory_space<vmem>>, vector<16xf32>,
          %broadcast_in_dim3A_391 = vector.shape_cast %broadcast_in_dim3A_381 : vector<16xi32> to vector<16x1xi32>
          %gather3A_392 = vector.shape_cast %broadcast_in_dim3A_391 : vector<16x1xi32> to vector<16xi32>
          %gather3A_393 = tpu.dynamic_gather %get3A_386[%gather3A_392] in [0] : vector<16xi32>, vector<16xi32> -> vector<16xi32>
          %lt3A_394 = arith.cmpi slt, %add3A_376, %min3A_143 : i32
          %jit3A_395 = arith.constant 320 : i32
          %broadcast_in_dim3A_396 = vector.broadcast %jit3A_395 : i32 to vector<16xi32>
          %select_n3A_397 = arith.select %lt3A_394, %gather3A_393, %broadcast_in_dim3A_396 : vector<16xi32>
          %broadcast_in_dim3A_398 = vector.shape_cast %broadcast_in_dim3A_381 : vector<16xi32> to vector<16x1xi32>
          %gather3A_399 = vector.shape_cast %broadcast_in_dim3A_398 : vector<16x1xi32> to vector<16xi32>
          %gather3A_400 = tpu.dynamic_gather %get3A_390[%gather3A_399] in [0] : vector<16xf32>, vector<16xi32> -> vector<16xf32>
          %mul3A_401 = arith.constant 128 : i32
          %mul3A_402 = vector.broadcast %mul3A_401 : i32 to vector<16xi32>
          %mul3A_403 = arith.muli %select_n3A_397, %mul3A_402 : vector<16xi32>
          %add3A_404 = arith.addi %mul3A_403, %iota3A : vector<16xi32>
          %add3A_405 = arith.addi %mul3A_141, %add3A_376 : i32
          %add3A_406 = arith.constant 0 : i32
          %add3A_407 = vector.broadcast %add3A_406 : i32 to vector<16xi32>
          %add3A_408 = arith.addi %add3A_404, %add3A_407 : vector<16xi32>
          %add3A_409 = arith.constant 16 : i32
          %add3A_410 = vector.broadcast %add3A_409 : i32 to vector<16xi32>
          %add3A_411 = arith.addi %add3A_404, %add3A_410 : vector<16xi32>
          %add3A_412 = arith.constant 32 : i32
          %add3A_413 = vector.broadcast %add3A_412 : i32 to vector<16xi32>
          %add3A_414 = arith.addi %add3A_404, %add3A_413 : vector<16xi32>
          %add3A_415 = arith.constant 48 : i32
          %add3A_416 = vector.broadcast %add3A_415 : i32 to vector<16xi32>
          %add3A_417 = arith.addi %add3A_404, %add3A_416 : vector<16xi32>
          %add3A_418 = arith.constant 64 : i32
          %add3A_419 = vector.broadcast %add3A_418 : i32 to vector<16xi32>
          %add3A_420 = arith.addi %add3A_404, %add3A_419 : vector<16xi32>
          %add3A_421 = arith.constant 80 : i32
          %add3A_422 = vector.broadcast %add3A_421 : i32 to vector<16xi32>
          %add3A_423 = arith.addi %add3A_404, %add3A_422 : vector<16xi32>
          %add3A_424 = arith.constant 96 : i32
          %add3A_425 = vector.broadcast %add3A_424 : i32 to vector<16xi32>
          %add3A_426 = arith.addi %add3A_404, %add3A_425 : vector<16xi32>
          %add3A_427 = arith.constant 112 : i32
          %add3A_428 = vector.broadcast %add3A_427 : i32 to vector<16xi32>
          %add3A_429 = arith.addi %add3A_404, %add3A_428 : vector<16xi32>
          %get3A_430 = arith.index_cast %add3A_405 : i32 to index
          %get3A_431 = arith.constant 0 : index
          %get3A_432 = tpu.vector_load %arg22[%get3A_430, %get3A_431] {strides = array<i32>} : memref<64x256xf32, #tpu.memory_space<vmem>>, vector<16xf32>,
          %get3A_433 = arith.index_cast %add3A_405 : i32 to index
          %get3A_434 = arith.constant 16 : index
          %get3A_435 = tpu.vector_load %arg22[%get3A_433, %get3A_434] {strides = array<i32>} : memref<64x256xf32, #tpu.memory_space<vmem>>, vector<16xf32>,
          %get3A_436 = arith.index_cast %add3A_405 : i32 to index
          %get3A_437 = arith.constant 32 : index
          %get3A_438 = tpu.vector_load %arg22[%get3A_436, %get3A_437] {strides = array<i32>} : memref<64x256xf32, #tpu.memory_space<vmem>>, vector<16xf32>,
          %get3A_439 = arith.index_cast %add3A_405 : i32 to index
          %get3A_440 = arith.constant 48 : index
          %get3A_441 = tpu.vector_load %arg22[%get3A_439, %get3A_440] {strides = array<i32>} : memref<64x256xf32, #tpu.memory_space<vmem>>, vector<16xf32>,
          %get3A_442 = arith.index_cast %add3A_405 : i32 to index
          %get3A_443 = arith.constant 64 : index
          %get3A_444 = tpu.vector_load %arg22[%get3A_442, %get3A_443] {strides = array<i32>} : memref<64x256xf32, #tpu.memory_space<vmem>>, vector<16xf32>,
          %get3A_445 = arith.index_cast %add3A_405 : i32 to index
          %get3A_446 = arith.constant 80 : index
          %get3A_447 = tpu.vector_load %arg22[%get3A_445, %get3A_446] {strides = array<i32>} : memref<64x256xf32, #tpu.memory_space<vmem>>, vector<16xf32>,
          %get3A_448 = arith.index_cast %add3A_405 : i32 to index
          %get3A_449 = arith.constant 96 : index
          %get3A_450 = tpu.vector_load %arg22[%get3A_448, %get3A_449] {strides = array<i32>} : memref<64x256xf32, #tpu.memory_space<vmem>>, vector<16xf32>,
          %get3A_451 = arith.index_cast %add3A_405 : i32 to index
          %get3A_452 = arith.constant 112 : index
          %get3A_453 = tpu.vector_load %arg22[%get3A_451, %get3A_452] {strides = array<i32>} : memref<64x256xf32, #tpu.memory_space<vmem>>, vector<16xf32>,
          %gather3A_454 = tpu.vector_load_idx %arg14[%add3A_408] : memref<41088xf32, #tpu.memory_space<vmem>>[vector<16xi32>], vector<16xf32>,
          %gather3A_455 = tpu.vector_load_idx %arg14[%add3A_411] : memref<41088xf32, #tpu.memory_space<vmem>>[vector<16xi32>], vector<16xf32>,
          %gather3A_456 = tpu.vector_load_idx %arg14[%add3A_414] : memref<41088xf32, #tpu.memory_space<vmem>>[vector<16xi32>], vector<16xf32>,
          %gather3A_457 = tpu.vector_load_idx %arg14[%add3A_417] : memref<41088xf32, #tpu.memory_space<vmem>>[vector<16xi32>], vector<16xf32>,
          %gather3A_458 = tpu.vector_load_idx %arg14[%add3A_420] : memref<41088xf32, #tpu.memory_space<vmem>>[vector<16xi32>], vector<16xf32>,
          %gather3A_459 = tpu.vector_load_idx %arg14[%add3A_423] : memref<41088xf32, #tpu.memory_space<vmem>>[vector<16xi32>], vector<16xf32>,
          %gather3A_460 = tpu.vector_load_idx %arg14[%add3A_426] : memref<41088xf32, #tpu.memory_space<vmem>>[vector<16xi32>], vector<16xf32>,
          %gather3A_461 = tpu.vector_load_idx %arg14[%add3A_429] : memref<41088xf32, #tpu.memory_space<vmem>>[vector<16xi32>], vector<16xf32>,
          %max3A_462 = arith.maximumf %gather3A_454, %get3A_432 : vector<16xf32>
          tpu.vector_store_idx %arg14[%add3A_408], %max3A_462 : memref<41088xf32, #tpu.memory_space<vmem>>[vector<16xi32>], vector<16xf32>,
          %max3A_463 = arith.maximumf %gather3A_455, %get3A_435 : vector<16xf32>
          tpu.vector_store_idx %arg14[%add3A_411], %max3A_463 : memref<41088xf32, #tpu.memory_space<vmem>>[vector<16xi32>], vector<16xf32>,
          %max3A_464 = arith.maximumf %gather3A_456, %get3A_438 : vector<16xf32>
          tpu.vector_store_idx %arg14[%add3A_414], %max3A_464 : memref<41088xf32, #tpu.memory_space<vmem>>[vector<16xi32>], vector<16xf32>,
          %max3A_465 = arith.maximumf %gather3A_457, %get3A_441 : vector<16xf32>
          tpu.vector_store_idx %arg14[%add3A_417], %max3A_465 : memref<41088xf32, #tpu.memory_space<vmem>>[vector<16xi32>], vector<16xf32>,
          %max3A_466 = arith.maximumf %gather3A_458, %get3A_444 : vector<16xf32>
          tpu.vector_store_idx %arg14[%add3A_420], %max3A_466 : memref<41088xf32, #tpu.memory_space<vmem>>[vector<16xi32>], vector<16xf32>,
          %max3A_467 = arith.maximumf %gather3A_459, %get3A_447 : vector<16xf32>
          tpu.vector_store_idx %arg14[%add3A_423], %max3A_467 : memref<41088xf32, #tpu.memory_space<vmem>>[vector<16xi32>], vector<16xf32>,
          %max3A_468 = arith.maximumf %gather3A_460, %get3A_450 : vector<16xf32>
          tpu.vector_store_idx %arg14[%add3A_426], %max3A_468 : memref<41088xf32, #tpu.memory_space<vmem>>[vector<16xi32>], vector<16xf32>,
          %max3A_469 = arith.maximumf %gather3A_461, %get3A_453 : vector<16xf32>
          tpu.vector_store_idx %arg14[%add3A_429], %max3A_469 : memref<41088xf32, #tpu.memory_space<vmem>>[vector<16xi32>], vector<16xf32>,
          %get3A_470 = arith.index_cast %add3A_405 : i32 to index
          %get3A_471 = arith.constant 128 : index
          %get3A_472 = tpu.vector_load %arg22[%get3A_470, %get3A_471] {strides = array<i32>} : memref<64x256xf32, #tpu.memory_space<vmem>>, vector<16xf32>,
          %mul3A_473 = arith.mulf %gather3A_400, %get3A_472 : vector<16xf32>
          tpu.vector_store_idx %arg15[%add3A_408], %mul3A_473 {add = true} : memref<41088xf32, #tpu.memory_space<vmem>>[vector<16xi32>], vector<16xf32>,
          %get3A_474 = arith.index_cast %add3A_405 : i32 to index
          %get3A_475 = arith.constant 144 : index
          %get3A_476 = tpu.vector_load %arg22[%get3A_474, %get3A_475] {strides = array<i32>} : memref<64x256xf32, #tpu.memory_space<vmem>>, vector<16xf32>,
          %mul3A_477 = arith.mulf %gather3A_400, %get3A_476 : vector<16xf32>
          tpu.vector_store_idx %arg15[%add3A_411], %mul3A_477 {add = true} : memref<41088xf32, #tpu.memory_space<vmem>>[vector<16xi32>], vector<16xf32>,
          %get3A_478 = arith.index_cast %add3A_405 : i32 to index
          %get3A_479 = arith.constant 160 : index
          %get3A_480 = tpu.vector_load %arg22[%get3A_478, %get3A_479] {strides = array<i32>} : memref<64x256xf32, #tpu.memory_space<vmem>>, vector<16xf32>,
          %mul3A_481 = arith.mulf %gather3A_400, %get3A_480 : vector<16xf32>
          tpu.vector_store_idx %arg15[%add3A_414], %mul3A_481 {add = true} : memref<41088xf32, #tpu.memory_space<vmem>>[vector<16xi32>], vector<16xf32>,
          %get3A_482 = arith.index_cast %add3A_405 : i32 to index
          %get3A_483 = arith.constant 176 : index
          %get3A_484 = tpu.vector_load %arg22[%get3A_482, %get3A_483] {strides = array<i32>} : memref<64x256xf32, #tpu.memory_space<vmem>>, vector<16xf32>,
          %mul3A_485 = arith.mulf %gather3A_400, %get3A_484 : vector<16xf32>
          tpu.vector_store_idx %arg15[%add3A_417], %mul3A_485 {add = true} : memref<41088xf32, #tpu.memory_space<vmem>>[vector<16xi32>], vector<16xf32>,
          %get3A_486 = arith.index_cast %add3A_405 : i32 to index
          %get3A_487 = arith.constant 192 : index
          %get3A_488 = tpu.vector_load %arg22[%get3A_486, %get3A_487] {strides = array<i32>} : memref<64x256xf32, #tpu.memory_space<vmem>>, vector<16xf32>,
          %mul3A_489 = arith.mulf %gather3A_400, %get3A_488 : vector<16xf32>
          tpu.vector_store_idx %arg15[%add3A_420], %mul3A_489 {add = true} : memref<41088xf32, #tpu.memory_space<vmem>>[vector<16xi32>], vector<16xf32>,
          %get3A_490 = arith.index_cast %add3A_405 : i32 to index
          %get3A_491 = arith.constant 208 : index
          %get3A_492 = tpu.vector_load %arg22[%get3A_490, %get3A_491] {strides = array<i32>} : memref<64x256xf32, #tpu.memory_space<vmem>>, vector<16xf32>,
          %mul3A_493 = arith.mulf %gather3A_400, %get3A_492 : vector<16xf32>
          tpu.vector_store_idx %arg15[%add3A_423], %mul3A_493 {add = true} : memref<41088xf32, #tpu.memory_space<vmem>>[vector<16xi32>], vector<16xf32>,
          %get3A_494 = arith.index_cast %add3A_405 : i32 to index
          %get3A_495 = arith.constant 224 : index
          %get3A_496 = tpu.vector_load %arg22[%get3A_494, %get3A_495] {strides = array<i32>} : memref<64x256xf32, #tpu.memory_space<vmem>>, vector<16xf32>,
          %mul3A_497 = arith.mulf %gather3A_400, %get3A_496 : vector<16xf32>
          tpu.vector_store_idx %arg15[%add3A_426], %mul3A_497 {add = true} : memref<41088xf32, #tpu.memory_space<vmem>>[vector<16xi32>], vector<16xf32>,
          %get3A_498 = arith.index_cast %add3A_405 : i32 to index
          %get3A_499 = arith.constant 240 : index
          %get3A_500 = tpu.vector_load %arg22[%get3A_498, %get3A_499] {strides = array<i32>} : memref<64x256xf32, #tpu.memory_space<vmem>>, vector<16xf32>,
          %mul3A_501 = arith.mulf %gather3A_400, %get3A_500 : vector<16xf32>
          tpu.vector_store_idx %arg15[%add3A_429], %mul3A_501 {add = true} : memref<41088xf32, #tpu.memory_space<vmem>>[vector<16xi32>], vector<16xf32>,
          %while3A_502 = arith.constant 0 : i32
          scf.yield %while3A_502 : i32
        }
        %while3A_240 = arith.constant 1 : i32
        %while3A_241 = scf.for %while3A_243 = %while3A_237 to %while3A_233 step %while3A_240 iter_args(%while3A_244 = %while3A_239) -> (i32)  : i32 {
          %mul3A_245 = arith.constant 2 : i32
          %mul3A_246 = arith.muli %while3A_243, %mul3A_245 : i32
          %add3A_247 = arith.constant 0 : i32
          %add3A_248 = arith.addi %mul3A_246, %add3A_247 : i32
          %rem3A_249 = arith.constant 16 : i32
          %rem3A_250 = arith.remsi %add3A_248, %rem3A_249 : i32
          %div3A_251 = arith.constant 16 : i32
          %div3A_252 = arith.divsi %add3A_248, %div3A_251 : i32
          %broadcast_in_dim3A_253 = vector.broadcast %rem3A_250 : i32 to vector<16xi32>
          %mul3A_254 = arith.constant 16 : i32
          %mul3A_255 = arith.muli %div3A_252, %mul3A_254 : i32
          %add3A_256 = arith.addi %mul3A_137, %mul3A_255 : i32
          %get3A_257 = arith.index_cast %add3A_256 : i32 to index
          %get3A_258 = tpu.vector_load %arg20[%get3A_257] {strides = array<i32>} : memref<3216xi32, #tpu.memory_space<vmem>>, vector<16xi32>,
          %mul3A_259 = arith.constant 16 : i32
          %mul3A_260 = arith.muli %div3A_252, %mul3A_259 : i32
          %get3A_261 = arith.index_cast %mul3A_260 : i32 to index
          %get3A_262 = tpu.vector_load %arg21[%get3A_261] {strides = array<i32>} : memref<32xf32, #tpu.memory_space<vmem>>, vector<16xf32>,
          %broadcast_in_dim3A_263 = vector.shape_cast %broadcast_in_dim3A_253 : vector<16xi32> to vector<16x1xi32>
          %gather3A_264 = vector.shape_cast %broadcast_in_dim3A_263 : vector<16x1xi32> to vector<16xi32>
          %gather3A_265 = tpu.dynamic_gather %get3A_258[%gather3A_264] in [0] : vector<16xi32>, vector<16xi32> -> vector<16xi32>
          %lt3A_266 = arith.cmpi slt, %add3A_248, %min3A_143 : i32
          %jit3A_267 = arith.constant 320 : i32
          %broadcast_in_dim3A_268 = vector.broadcast %jit3A_267 : i32 to vector<16xi32>
          %select_n3A_269 = arith.select %lt3A_266, %gather3A_265, %broadcast_in_dim3A_268 : vector<16xi32>
          %broadcast_in_dim3A_270 = vector.shape_cast %broadcast_in_dim3A_253 : vector<16xi32> to vector<16x1xi32>
          %gather3A_271 = vector.shape_cast %broadcast_in_dim3A_270 : vector<16x1xi32> to vector<16xi32>
          %gather3A_272 = tpu.dynamic_gather %get3A_262[%gather3A_271] in [0] : vector<16xf32>, vector<16xi32> -> vector<16xf32>
          %mul3A_273 = arith.constant 128 : i32
          %mul3A_274 = vector.broadcast %mul3A_273 : i32 to vector<16xi32>
          %mul3A_275 = arith.muli %select_n3A_269, %mul3A_274 : vector<16xi32>
          %add3A_276 = arith.addi %mul3A_275, %iota3A : vector<16xi32>
          %add3A_277 = arith.addi %mul3A_141, %add3A_248 : i32
          %add3A_278 = arith.constant 0 : i32
          %add3A_279 = vector.broadcast %add3A_278 : i32 to vector<16xi32>
          %add3A_280 = arith.addi %add3A_276, %add3A_279 : vector<16xi32>
          %add3A_281 = arith.constant 16 : i32
          %add3A_282 = vector.broadcast %add3A_281 : i32 to vector<16xi32>
          %add3A_283 = arith.addi %add3A_276, %add3A_282 : vector<16xi32>
          %add3A_284 = arith.constant 32 : i32
          %add3A_285 = vector.broadcast %add3A_284 : i32 to vector<16xi32>
          %add3A_286 = arith.addi %add3A_276, %add3A_285 : vector<16xi32>
          %add3A_287 = arith.constant 48 : i32
          %add3A_288 = vector.broadcast %add3A_287 : i32 to vector<16xi32>
          %add3A_289 = arith.addi %add3A_276, %add3A_288 : vector<16xi32>
          %add3A_290 = arith.constant 64 : i32
          %add3A_291 = vector.broadcast %add3A_290 : i32 to vector<16xi32>
          %add3A_292 = arith.addi %add3A_276, %add3A_291 : vector<16xi32>
          %add3A_293 = arith.constant 80 : i32
          %add3A_294 = vector.broadcast %add3A_293 : i32 to vector<16xi32>
          %add3A_295 = arith.addi %add3A_276, %add3A_294 : vector<16xi32>
          %add3A_296 = arith.constant 96 : i32
          %add3A_297 = vector.broadcast %add3A_296 : i32 to vector<16xi32>
          %add3A_298 = arith.addi %add3A_276, %add3A_297 : vector<16xi32>
          %add3A_299 = arith.constant 112 : i32
          %add3A_300 = vector.broadcast %add3A_299 : i32 to vector<16xi32>
          %add3A_301 = arith.addi %add3A_276, %add3A_300 : vector<16xi32>
          %get3A_302 = arith.index_cast %add3A_277 : i32 to index
          %get3A_303 = arith.constant 0 : index
          %get3A_304 = tpu.vector_load %arg22[%get3A_302, %get3A_303] {strides = array<i32>} : memref<64x256xf32, #tpu.memory_space<vmem>>, vector<16xf32>,
          %get3A_305 = arith.index_cast %add3A_277 : i32 to index
          %get3A_306 = arith.constant 16 : index
          %get3A_307 = tpu.vector_load %arg22[%get3A_305, %get3A_306] {strides = array<i32>} : memref<64x256xf32, #tpu.memory_space<vmem>>, vector<16xf32>,
          %get3A_308 = arith.index_cast %add3A_277 : i32 to index
          %get3A_309 = arith.constant 32 : index
          %get3A_310 = tpu.vector_load %arg22[%get3A_308, %get3A_309] {strides = array<i32>} : memref<64x256xf32, #tpu.memory_space<vmem>>, vector<16xf32>,
          %get3A_311 = arith.index_cast %add3A_277 : i32 to index
          %get3A_312 = arith.constant 48 : index
          %get3A_313 = tpu.vector_load %arg22[%get3A_311, %get3A_312] {strides = array<i32>} : memref<64x256xf32, #tpu.memory_space<vmem>>, vector<16xf32>,
          %get3A_314 = arith.index_cast %add3A_277 : i32 to index
          %get3A_315 = arith.constant 64 : index
          %get3A_316 = tpu.vector_load %arg22[%get3A_314, %get3A_315] {strides = array<i32>} : memref<64x256xf32, #tpu.memory_space<vmem>>, vector<16xf32>,
          %get3A_317 = arith.index_cast %add3A_277 : i32 to index
          %get3A_318 = arith.constant 80 : index
          %get3A_319 = tpu.vector_load %arg22[%get3A_317, %get3A_318] {strides = array<i32>} : memref<64x256xf32, #tpu.memory_space<vmem>>, vector<16xf32>,
          %get3A_320 = arith.index_cast %add3A_277 : i32 to index
          %get3A_321 = arith.constant 96 : index
          %get3A_322 = tpu.vector_load %arg22[%get3A_320, %get3A_321] {strides = array<i32>} : memref<64x256xf32, #tpu.memory_space<vmem>>, vector<16xf32>,
          %get3A_323 = arith.index_cast %add3A_277 : i32 to index
          %get3A_324 = arith.constant 112 : index
          %get3A_325 = tpu.vector_load %arg22[%get3A_323, %get3A_324] {strides = array<i32>} : memref<64x256xf32, #tpu.memory_space<vmem>>, vector<16xf32>,
          %gather3A_326 = tpu.vector_load_idx %arg14[%add3A_280] : memref<41088xf32, #tpu.memory_space<vmem>>[vector<16xi32>], vector<16xf32>,
          %gather3A_327 = tpu.vector_load_idx %arg14[%add3A_283] : memref<41088xf32, #tpu.memory_space<vmem>>[vector<16xi32>], vector<16xf32>,
          %gather3A_328 = tpu.vector_load_idx %arg14[%add3A_286] : memref<41088xf32, #tpu.memory_space<vmem>>[vector<16xi32>], vector<16xf32>,
          %gather3A_329 = tpu.vector_load_idx %arg14[%add3A_289] : memref<41088xf32, #tpu.memory_space<vmem>>[vector<16xi32>], vector<16xf32>,
          %gather3A_330 = tpu.vector_load_idx %arg14[%add3A_292] : memref<41088xf32, #tpu.memory_space<vmem>>[vector<16xi32>], vector<16xf32>,
          %gather3A_331 = tpu.vector_load_idx %arg14[%add3A_295] : memref<41088xf32, #tpu.memory_space<vmem>>[vector<16xi32>], vector<16xf32>,
          %gather3A_332 = tpu.vector_load_idx %arg14[%add3A_298] : memref<41088xf32, #tpu.memory_space<vmem>>[vector<16xi32>], vector<16xf32>,
          %gather3A_333 = tpu.vector_load_idx %arg14[%add3A_301] : memref<41088xf32, #tpu.memory_space<vmem>>[vector<16xi32>], vector<16xf32>,
          %max3A = arith.maximumf %gather3A_326, %get3A_304 : vector<16xf32>
          tpu.vector_store_idx %arg14[%add3A_280], %max3A : memref<41088xf32, #tpu.memory_space<vmem>>[vector<16xi32>], vector<16xf32>,
          %max3A_334 = arith.maximumf %gather3A_327, %get3A_307 : vector<16xf32>
          tpu.vector_store_idx %arg14[%add3A_283], %max3A_334 : memref<41088xf32, #tpu.memory_space<vmem>>[vector<16xi32>], vector<16xf32>,
          %max3A_335 = arith.maximumf %gather3A_328, %get3A_310 : vector<16xf32>
          tpu.vector_store_idx %arg14[%add3A_286], %max3A_335 : memref<41088xf32, #tpu.memory_space<vmem>>[vector<16xi32>], vector<16xf32>,
          %max3A_336 = arith.maximumf %gather3A_329, %get3A_313 : vector<16xf32>
          tpu.vector_store_idx %arg14[%add3A_289], %max3A_336 : memref<41088xf32, #tpu.memory_space<vmem>>[vector<16xi32>], vector<16xf32>,
          %max3A_337 = arith.maximumf %gather3A_330, %get3A_316 : vector<16xf32>
          tpu.vector_store_idx %arg14[%add3A_292], %max3A_337 : memref<41088xf32, #tpu.memory_space<vmem>>[vector<16xi32>], vector<16xf32>,
          %max3A_338 = arith.maximumf %gather3A_331, %get3A_319 : vector<16xf32>
          tpu.vector_store_idx %arg14[%add3A_295], %max3A_338 : memref<41088xf32, #tpu.memory_space<vmem>>[vector<16xi32>], vector<16xf32>,
          %max3A_339 = arith.maximumf %gather3A_332, %get3A_322 : vector<16xf32>
          tpu.vector_store_idx %arg14[%add3A_298], %max3A_339 : memref<41088xf32, #tpu.memory_space<vmem>>[vector<16xi32>], vector<16xf32>,
          %max3A_340 = arith.maximumf %gather3A_333, %get3A_325 : vector<16xf32>
          tpu.vector_store_idx %arg14[%add3A_301], %max3A_340 : memref<41088xf32, #tpu.memory_space<vmem>>[vector<16xi32>], vector<16xf32>,
          %get3A_341 = arith.index_cast %add3A_277 : i32 to index
          %get3A_342 = arith.constant 128 : index
          %get3A_343 = tpu.vector_load %arg22[%get3A_341, %get3A_342] {strides = array<i32>} : memref<64x256xf32, #tpu.memory_space<vmem>>, vector<16xf32>,
          %mul3A_344 = arith.mulf %gather3A_272, %get3A_343 : vector<16xf32>
          tpu.vector_store_idx %arg15[%add3A_280], %mul3A_344 {add = true} : memref<41088xf32, #tpu.memory_space<vmem>>[vector<16xi32>], vector<16xf32>,
          %get3A_345 = arith.index_cast %add3A_277 : i32 to index
          %get3A_346 = arith.constant 144 : index
          %get3A_347 = tpu.vector_load %arg22[%get3A_345, %get3A_346] {strides = array<i32>} : memref<64x256xf32, #tpu.memory_space<vmem>>, vector<16xf32>,
          %mul3A_348 = arith.mulf %gather3A_272, %get3A_347 : vector<16xf32>
          tpu.vector_store_idx %arg15[%add3A_283], %mul3A_348 {add = true} : memref<41088xf32, #tpu.memory_space<vmem>>[vector<16xi32>], vector<16xf32>,
          %get3A_349 = arith.index_cast %add3A_277 : i32 to index
          %get3A_350 = arith.constant 160 : index
          %get3A_351 = tpu.vector_load %arg22[%get3A_349, %get3A_350] {strides = array<i32>} : memref<64x256xf32, #tpu.memory_space<vmem>>, vector<16xf32>,
          %mul3A_352 = arith.mulf %gather3A_272, %get3A_351 : vector<16xf32>
          tpu.vector_store_idx %arg15[%add3A_286], %mul3A_352 {add = true} : memref<41088xf32, #tpu.memory_space<vmem>>[vector<16xi32>], vector<16xf32>,
          %get3A_353 = arith.index_cast %add3A_277 : i32 to index
          %get3A_354 = arith.constant 176 : index
          %get3A_355 = tpu.vector_load %arg22[%get3A_353, %get3A_354] {strides = array<i32>} : memref<64x256xf32, #tpu.memory_space<vmem>>, vector<16xf32>,
          %mul3A_356 = arith.mulf %gather3A_272, %get3A_355 : vector<16xf32>
          tpu.vector_store_idx %arg15[%add3A_289], %mul3A_356 {add = true} : memref<41088xf32, #tpu.memory_space<vmem>>[vector<16xi32>], vector<16xf32>,
          %get3A_357 = arith.index_cast %add3A_277 : i32 to index
          %get3A_358 = arith.constant 192 : index
          %get3A_359 = tpu.vector_load %arg22[%get3A_357, %get3A_358] {strides = array<i32>} : memref<64x256xf32, #tpu.memory_space<vmem>>, vector<16xf32>,
          %mul3A_360 = arith.mulf %gather3A_272, %get3A_359 : vector<16xf32>
          tpu.vector_store_idx %arg15[%add3A_292], %mul3A_360 {add = true} : memref<41088xf32, #tpu.memory_space<vmem>>[vector<16xi32>], vector<16xf32>,
          %get3A_361 = arith.index_cast %add3A_277 : i32 to index
          %get3A_362 = arith.constant 208 : index
          %get3A_363 = tpu.vector_load %arg22[%get3A_361, %get3A_362] {strides = array<i32>} : memref<64x256xf32, #tpu.memory_space<vmem>>, vector<16xf32>,
          %mul3A_364 = arith.mulf %gather3A_272, %get3A_363 : vector<16xf32>
          tpu.vector_store_idx %arg15[%add3A_295], %mul3A_364 {add = true} : memref<41088xf32, #tpu.memory_space<vmem>>[vector<16xi32>], vector<16xf32>,
          %get3A_365 = arith.index_cast %add3A_277 : i32 to index
          %get3A_366 = arith.constant 224 : index
          %get3A_367 = tpu.vector_load %arg22[%get3A_365, %get3A_366] {strides = array<i32>} : memref<64x256xf32, #tpu.memory_space<vmem>>, vector<16xf32>,
          %mul3A_368 = arith.mulf %gather3A_272, %get3A_367 : vector<16xf32>
          tpu.vector_store_idx %arg15[%add3A_298], %mul3A_368 {add = true} : memref<41088xf32, #tpu.memory_space<vmem>>[vector<16xi32>], vector<16xf32>,
          %get3A_369 = arith.index_cast %add3A_277 : i32 to index
          %get3A_370 = arith.constant 240 : index
          %get3A_371 = tpu.vector_load %arg22[%get3A_369, %get3A_370] {strides = array<i32>} : memref<64x256xf32, #tpu.memory_space<vmem>>, vector<16xf32>,
          %mul3A_372 = arith.mulf %gather3A_272, %get3A_371 : vector<16xf32>
          tpu.vector_store_idx %arg15[%add3A_301], %mul3A_372 {add = true} : memref<41088xf32, #tpu.memory_space<vmem>>[vector<16xi32>], vector<16xf32>,
          %mul3A_373 = arith.constant 2 : i32
          %mul3A_374 = arith.muli %while3A_243, %mul3A_373 : i32
          %add3A_375 = arith.constant 1 : i32
          %add3A_376 = arith.addi %mul3A_374, %add3A_375 : i32
          %rem3A_377 = arith.constant 16 : i32
          %rem3A_378 = arith.remsi %add3A_376, %rem3A_377 : i32
          %div3A_379 = arith.constant 16 : i32
          %div3A_380 = arith.divsi %add3A_376, %div3A_379 : i32
          %broadcast_in_dim3A_381 = vector.broadcast %rem3A_378 : i32 to vector<16xi32>
          %mul3A_382 = arith.constant 16 : i32
          %mul3A_383 = arith.muli %div3A_380, %mul3A_382 : i32
          %add3A_384 = arith.addi %mul3A_137, %mul3A_383 : i32
          %get3A_385 = arith.index_cast %add3A_384 : i32 to index
          %get3A_386 = tpu.vector_load %arg20[%get3A_385] {strides = array<i32>} : memref<3216xi32, #tpu.memory_space<vmem>>, vector<16xi32>,
          %mul3A_387 = arith.constant 16 : i32
          %mul3A_388 = arith.muli %div3A_380, %mul3A_387 : i32
          %get3A_389 = arith.index_cast %mul3A_388 : i32 to index
          %get3A_390 = tpu.vector_load %arg21[%get3A_389] {strides = array<i32>} : memref<32xf32, #tpu.memory_space<vmem>>, vector<16xf32>,
          %broadcast_in_dim3A_391 = vector.shape_cast %broadcast_in_dim3A_381 : vector<16xi32> to vector<16x1xi32>
          %gather3A_392 = vector.shape_cast %broadcast_in_dim3A_391 : vector<16x1xi32> to vector<16xi32>
          %gather3A_393 = tpu.dynamic_gather %get3A_386[%gather3A_392] in [0] : vector<16xi32>, vector<16xi32> -> vector<16xi32>
          %lt3A_394 = arith.cmpi slt, %add3A_376, %min3A_143 : i32
          %jit3A_395 = arith.constant 320 : i32
          %broadcast_in_dim3A_396 = vector.broadcast %jit3A_395 : i32 to vector<16xi32>
          %select_n3A_397 = arith.select %lt3A_394, %gather3A_393, %broadcast_in_dim3A_396 : vector<16xi32>
          %broadcast_in_dim3A_398 = vector.shape_cast %broadcast_in_dim3A_381 : vector<16xi32> to vector<16x1xi32>
          %gather3A_399 = vector.shape_cast %broadcast_in_dim3A_398 : vector<16x1xi32> to vector<16xi32>
          %gather3A_400 = tpu.dynamic_gather %get3A_390[%gather3A_399] in [0] : vector<16xf32>, vector<16xi32> -> vector<16xf32>
          %mul3A_401 = arith.constant 128 : i32
          %mul3A_402 = vector.broadcast %mul3A_401 : i32 to vector<16xi32>
          %mul3A_403 = arith.muli %select_n3A_397, %mul3A_402 : vector<16xi32>
          %add3A_404 = arith.addi %mul3A_403, %iota3A : vector<16xi32>
          %add3A_405 = arith.addi %mul3A_141, %add3A_376 : i32
          %add3A_406 = arith.constant 0 : i32
          %add3A_407 = vector.broadcast %add3A_406 : i32 to vector<16xi32>
          %add3A_408 = arith.addi %add3A_404, %add3A_407 : vector<16xi32>
          %add3A_409 = arith.constant 16 : i32
          %add3A_410 = vector.broadcast %add3A_409 : i32 to vector<16xi32>
          %add3A_411 = arith.addi %add3A_404, %add3A_410 : vector<16xi32>
          %add3A_412 = arith.constant 32 : i32
          %add3A_413 = vector.broadcast %add3A_412 : i32 to vector<16xi32>
          %add3A_414 = arith.addi %add3A_404, %add3A_413 : vector<16xi32>
          %add3A_415 = arith.constant 48 : i32
          %add3A_416 = vector.broadcast %add3A_415 : i32 to vector<16xi32>
          %add3A_417 = arith.addi %add3A_404, %add3A_416 : vector<16xi32>
          %add3A_418 = arith.constant 64 : i32
          %add3A_419 = vector.broadcast %add3A_418 : i32 to vector<16xi32>
          %add3A_420 = arith.addi %add3A_404, %add3A_419 : vector<16xi32>
          %add3A_421 = arith.constant 80 : i32
          %add3A_422 = vector.broadcast %add3A_421 : i32 to vector<16xi32>
          %add3A_423 = arith.addi %add3A_404, %add3A_422 : vector<16xi32>
          %add3A_424 = arith.constant 96 : i32
          %add3A_425 = vector.broadcast %add3A_424 : i32 to vector<16xi32>
          %add3A_426 = arith.addi %add3A_404, %add3A_425 : vector<16xi32>
          %add3A_427 = arith.constant 112 : i32
          %add3A_428 = vector.broadcast %add3A_427 : i32 to vector<16xi32>
          %add3A_429 = arith.addi %add3A_404, %add3A_428 : vector<16xi32>
          %get3A_430 = arith.index_cast %add3A_405 : i32 to index
          %get3A_431 = arith.constant 0 : index
          %get3A_432 = tpu.vector_load %arg22[%get3A_430, %get3A_431] {strides = array<i32>} : memref<64x256xf32, #tpu.memory_space<vmem>>, vector<16xf32>,
          %get3A_433 = arith.index_cast %add3A_405 : i32 to index
          %get3A_434 = arith.constant 16 : index
          %get3A_435 = tpu.vector_load %arg22[%get3A_433, %get3A_434] {strides = array<i32>} : memref<64x256xf32, #tpu.memory_space<vmem>>, vector<16xf32>,
          %get3A_436 = arith.index_cast %add3A_405 : i32 to index
          %get3A_437 = arith.constant 32 : index
          %get3A_438 = tpu.vector_load %arg22[%get3A_436, %get3A_437] {strides = array<i32>} : memref<64x256xf32, #tpu.memory_space<vmem>>, vector<16xf32>,
          %get3A_439 = arith.index_cast %add3A_405 : i32 to index
          %get3A_440 = arith.constant 48 : index
          %get3A_441 = tpu.vector_load %arg22[%get3A_439, %get3A_440] {strides = array<i32>} : memref<64x256xf32, #tpu.memory_space<vmem>>, vector<16xf32>,
          %get3A_442 = arith.index_cast %add3A_405 : i32 to index
          %get3A_443 = arith.constant 64 : index
          %get3A_444 = tpu.vector_load %arg22[%get3A_442, %get3A_443] {strides = array<i32>} : memref<64x256xf32, #tpu.memory_space<vmem>>, vector<16xf32>,
          %get3A_445 = arith.index_cast %add3A_405 : i32 to index
          %get3A_446 = arith.constant 80 : index
          %get3A_447 = tpu.vector_load %arg22[%get3A_445, %get3A_446] {strides = array<i32>} : memref<64x256xf32, #tpu.memory_space<vmem>>, vector<16xf32>,
          %get3A_448 = arith.index_cast %add3A_405 : i32 to index
          %get3A_449 = arith.constant 96 : index
          %get3A_450 = tpu.vector_load %arg22[%get3A_448, %get3A_449] {strides = array<i32>} : memref<64x256xf32, #tpu.memory_space<vmem>>, vector<16xf32>,
          %get3A_451 = arith.index_cast %add3A_405 : i32 to index
          %get3A_452 = arith.constant 112 : index
          %get3A_453 = tpu.vector_load %arg22[%get3A_451, %get3A_452] {strides = array<i32>} : memref<64x256xf32, #tpu.memory_space<vmem>>, vector<16xf32>,
          %gather3A_454 = tpu.vector_load_idx %arg14[%add3A_408] : memref<41088xf32, #tpu.memory_space<vmem>>[vector<16xi32>], vector<16xf32>,
          %gather3A_455 = tpu.vector_load_idx %arg14[%add3A_411] : memref<41088xf32, #tpu.memory_space<vmem>>[vector<16xi32>], vector<16xf32>,
          %gather3A_456 = tpu.vector_load_idx %arg14[%add3A_414] : memref<41088xf32, #tpu.memory_space<vmem>>[vector<16xi32>], vector<16xf32>,
          %gather3A_457 = tpu.vector_load_idx %arg14[%add3A_417] : memref<41088xf32, #tpu.memory_space<vmem>>[vector<16xi32>], vector<16xf32>,
          %gather3A_458 = tpu.vector_load_idx %arg14[%add3A_420] : memref<41088xf32, #tpu.memory_space<vmem>>[vector<16xi32>], vector<16xf32>,
          %gather3A_459 = tpu.vector_load_idx %arg14[%add3A_423] : memref<41088xf32, #tpu.memory_space<vmem>>[vector<16xi32>], vector<16xf32>,
          %gather3A_460 = tpu.vector_load_idx %arg14[%add3A_426] : memref<41088xf32, #tpu.memory_space<vmem>>[vector<16xi32>], vector<16xf32>,
          %gather3A_461 = tpu.vector_load_idx %arg14[%add3A_429] : memref<41088xf32, #tpu.memory_space<vmem>>[vector<16xi32>], vector<16xf32>,
          %max3A_462 = arith.maximumf %gather3A_454, %get3A_432 : vector<16xf32>
          tpu.vector_store_idx %arg14[%add3A_408], %max3A_462 : memref<41088xf32, #tpu.memory_space<vmem>>[vector<16xi32>], vector<16xf32>,
          %max3A_463 = arith.maximumf %gather3A_455, %get3A_435 : vector<16xf32>
          tpu.vector_store_idx %arg14[%add3A_411], %max3A_463 : memref<41088xf32, #tpu.memory_space<vmem>>[vector<16xi32>], vector<16xf32>,
          %max3A_464 = arith.maximumf %gather3A_456, %get3A_438 : vector<16xf32>
          tpu.vector_store_idx %arg14[%add3A_414], %max3A_464 : memref<41088xf32, #tpu.memory_space<vmem>>[vector<16xi32>], vector<16xf32>,
          %max3A_465 = arith.maximumf %gather3A_457, %get3A_441 : vector<16xf32>
          tpu.vector_store_idx %arg14[%add3A_417], %max3A_465 : memref<41088xf32, #tpu.memory_space<vmem>>[vector<16xi32>], vector<16xf32>,
          %max3A_466 = arith.maximumf %gather3A_458, %get3A_444 : vector<16xf32>
          tpu.vector_store_idx %arg14[%add3A_420], %max3A_466 : memref<41088xf32, #tpu.memory_space<vmem>>[vector<16xi32>], vector<16xf32>,
          %max3A_467 = arith.maximumf %gather3A_459, %get3A_447 : vector<16xf32>
          tpu.vector_store_idx %arg14[%add3A_423], %max3A_467 : memref<41088xf32, #tpu.memory_space<vmem>>[vector<16xi32>], vector<16xf32>,
          %max3A_468 = arith.maximumf %gather3A_460, %get3A_450 : vector<16xf32>
          tpu.vector_store_idx %arg14[%add3A_426], %max3A_468 : memref<41088xf32, #tpu.memory_space<vmem>>[vector<16xi32>], vector<16xf32>,
          %max3A_469 = arith.maximumf %gather3A_461, %get3A_453 : vector<16xf32>
          tpu.vector_store_idx %arg14[%add3A_429], %max3A_469 : memref<41088xf32, #tpu.memory_space<vmem>>[vector<16xi32>], vector<16xf32>,
          %get3A_470 = arith.index_cast %add3A_405 : i32 to index
          %get3A_471 = arith.constant 128 : index
          %get3A_472 = tpu.vector_load %arg22[%get3A_470, %get3A_471] {strides = array<i32>} : memref<64x256xf32, #tpu.memory_space<vmem>>, vector<16xf32>,
          %mul3A_473 = arith.mulf %gather3A_400, %get3A_472 : vector<16xf32>
          tpu.vector_store_idx %arg15[%add3A_408], %mul3A_473 {add = true} : memref<41088xf32, #tpu.memory_space<vmem>>[vector<16xi32>], vector<16xf32>,
          %get3A_474 = arith.index_cast %add3A_405 : i32 to index
          %get3A_475 = arith.constant 144 : index
          %get3A_476 = tpu.vector_load %arg22[%get3A_474, %get3A_475] {strides = array<i32>} : memref<64x256xf32, #tpu.memory_space<vmem>>, vector<16xf32>,
          %mul3A_477 = arith.mulf %gather3A_400, %get3A_476 : vector<16xf32>
          tpu.vector_store_idx %arg15[%add3A_411], %mul3A_477 {add = true} : memref<41088xf32, #tpu.memory_space<vmem>>[vector<16xi32>], vector<16xf32>,
          %get3A_478 = arith.index_cast %add3A_405 : i32 to index
          %get3A_479 = arith.constant 160 : index
          %get3A_480 = tpu.vector_load %arg22[%get3A_478, %get3A_479] {strides = array<i32>} : memref<64x256xf32, #tpu.memory_space<vmem>>, vector<16xf32>,
          %mul3A_481 = arith.mulf %gather3A_400, %get3A_480 : vector<16xf32>
          tpu.vector_store_idx %arg15[%add3A_414], %mul3A_481 {add = true} : memref<41088xf32, #tpu.memory_space<vmem>>[vector<16xi32>], vector<16xf32>,
          %get3A_482 = arith.index_cast %add3A_405 : i32 to index
          %get3A_483 = arith.constant 176 : index
          %get3A_484 = tpu.vector_load %arg22[%get3A_482, %get3A_483] {strides = array<i32>} : memref<64x256xf32, #tpu.memory_space<vmem>>, vector<16xf32>,
          %mul3A_485 = arith.mulf %gather3A_400, %get3A_484 : vector<16xf32>
          tpu.vector_store_idx %arg15[%add3A_417], %mul3A_485 {add = true} : memref<41088xf32, #tpu.memory_space<vmem>>[vector<16xi32>], vector<16xf32>,
          %get3A_486 = arith.index_cast %add3A_405 : i32 to index
          %get3A_487 = arith.constant 192 : index
          %get3A_488 = tpu.vector_load %arg22[%get3A_486, %get3A_487] {strides = array<i32>} : memref<64x256xf32, #tpu.memory_space<vmem>>, vector<16xf32>,
          %mul3A_489 = arith.mulf %gather3A_400, %get3A_488 : vector<16xf32>
          tpu.vector_store_idx %arg15[%add3A_420], %mul3A_489 {add = true} : memref<41088xf32, #tpu.memory_space<vmem>>[vector<16xi32>], vector<16xf32>,
          %get3A_490 = arith.index_cast %add3A_405 : i32 to index
          %get3A_491 = arith.constant 208 : index
          %get3A_492 = tpu.vector_load %arg22[%get3A_490, %get3A_491] {strides = array<i32>} : memref<64x256xf32, #tpu.memory_space<vmem>>, vector<16xf32>,
          %mul3A_493 = arith.mulf %gather3A_400, %get3A_492 : vector<16xf32>
          tpu.vector_store_idx %arg15[%add3A_423], %mul3A_493 {add = true} : memref<41088xf32, #tpu.memory_space<vmem>>[vector<16xi32>], vector<16xf32>,
          %get3A_494 = arith.index_cast %add3A_405 : i32 to index
          %get3A_495 = arith.constant 224 : index
          %get3A_496 = tpu.vector_load %arg22[%get3A_494, %get3A_495] {strides = array<i32>} : memref<64x256xf32, #tpu.memory_space<vmem>>, vector<16xf32>,
          %mul3A_497 = arith.mulf %gather3A_400, %get3A_496 : vector<16xf32>
          tpu.vector_store_idx %arg15[%add3A_426], %mul3A_497 {add = true} : memref<41088xf32, #tpu.memory_space<vmem>>[vector<16xi32>], vector<16xf32>,
          %get3A_498 = arith.index_cast %add3A_405 : i32 to index
          %get3A_499 = arith.constant 240 : index
          %get3A_500 = tpu.vector_load %arg22[%get3A_498, %get3A_499] {strides = array<i32>} : memref<64x256xf32, #tpu.memory_space<vmem>>, vector<16xf32>,
          %mul3A_501 = arith.mulf %gather3A_400, %get3A_500 : vector<16xf32>
          tpu.vector_store_idx %arg15[%add3A_429], %mul3A_501 {add = true} : memref<41088xf32, #tpu.memory_space<vmem>>[vector<16xi32>], vector<16xf32>,
          %while3A_502 = arith.constant 0 : i32
          scf.yield %while3A_502 : i32
        }
        %while3A_242 = arith.constant 0 : i32
        scf.yield %while3A_242 : i32
      }
      %scan3A_133 = arith.constant 0 : i32
      scf.yield %scan3A_133 : i32
    }
    %scan3A_55 = arith.constant 100 : i32
    %mul3A_56 = arith.constant 128 : i32
    %mul3A_57 = arith.muli %mul3A_2, %mul3A_56 : i32
    "tpu.region"() ({
      %run_scoped3A = tpu.sem_alloc : memref<!tpu.dma_semaphore, #tpu.memory_space<semaphore_mem>>
      %dma_start3A_60 = arith.constant 0 : i32
      %dma_start3A_61 = tpu.memref_slice %arg14[%dma_start3A_60] : memref<41088xf32, #tpu.memory_space<vmem>> -> memref<40960xf32, #tpu.memory_space<vmem>>
      %dma_start3A_62 = tpu.memref_slice %arg8[%mul3A_57] : memref<1310720xf32, #tpu.memory_space<hbm>> -> memref<40960xf32, #tpu.memory_space<hbm>>
      %dma_start3A_63 = tpu.memref_slice %arg8[%mul3A_57] : memref<1310720xf32, #tpu.memory_space<hbm>> -> memref<40960xf32, #tpu.memory_space<hbm>>
      %dma_start3A_64 = arith.constant 0 : i32
      %dma_start3A_65 = tpu.memref_slice %arg14[%dma_start3A_64] : memref<41088xf32, #tpu.memory_space<vmem>> -> memref<40960xf32, #tpu.memory_space<vmem>>
      tpu.enqueue_dma source(%dma_start3A_65 : memref<40960xf32, #tpu.memory_space<vmem>>) target(%dma_start3A_63 : memref<40960xf32, #tpu.memory_space<hbm>>) target_semaphore(%run_scoped3A : memref<!tpu.dma_semaphore, #tpu.memory_space<semaphore_mem>>)
      %dma_wait3A = arith.constant 0 : i32
      %dma_wait3A_66 = tpu.memref_slice %arg14[%dma_wait3A] : memref<41088xf32, #tpu.memory_space<vmem>> -> memref<40960xf32, #tpu.memory_space<vmem>>
      %dma_wait3A_67 = tpu.memref_slice %arg8[%mul3A_57] : memref<1310720xf32, #tpu.memory_space<hbm>> -> memref<40960xf32, #tpu.memory_space<hbm>>
      %dma_wait3A_68 = tpu.memref_slice %arg8[%mul3A_57] : memref<1310720xf32, #tpu.memory_space<hbm>> -> memref<40960xf32, #tpu.memory_space<hbm>>
      %dma_wait3A_69 = arith.constant 0 : i32
      %dma_wait3A_70 = tpu.memref_slice %arg14[%dma_wait3A_69] : memref<41088xf32, #tpu.memory_space<vmem>> -> memref<40960xf32, #tpu.memory_space<vmem>>
      tpu.wait_dma2 semaphore(%run_scoped3A : memref<!tpu.dma_semaphore, #tpu.memory_space<semaphore_mem>>) src(%dma_wait3A_70 : memref<40960xf32, #tpu.memory_space<vmem>>) dst(%dma_wait3A_68 : memref<40960xf32, #tpu.memory_space<hbm>>)
      tpu.yield
    }) : () -> ()
    %mul3A_58 = arith.constant 128 : i32
    %mul3A_59 = arith.muli %mul3A_2, %mul3A_58 : i32
    "tpu.region"() ({
      %run_scoped3A = tpu.sem_alloc : memref<!tpu.dma_semaphore, #tpu.memory_space<semaphore_mem>>
      %dma_start3A_60 = arith.constant 0 : i32
      %dma_start3A_61 = tpu.memref_slice %arg15[%dma_start3A_60] : memref<41088xf32, #tpu.memory_space<vmem>> -> memref<40960xf32, #tpu.memory_space<vmem>>
      %dma_start3A_62 = tpu.memref_slice %arg9[%mul3A_59] : memref<1310720xf32, #tpu.memory_space<hbm>> -> memref<40960xf32, #tpu.memory_space<hbm>>
      %dma_start3A_63 = tpu.memref_slice %arg9[%mul3A_59] : memref<1310720xf32, #tpu.memory_space<hbm>> -> memref<40960xf32, #tpu.memory_space<hbm>>
      %dma_start3A_64 = arith.constant 0 : i32
      %dma_start3A_65 = tpu.memref_slice %arg15[%dma_start3A_64] : memref<41088xf32, #tpu.memory_space<vmem>> -> memref<40960xf32, #tpu.memory_space<vmem>>
      tpu.enqueue_dma source(%dma_start3A_65 : memref<40960xf32, #tpu.memory_space<vmem>>) target(%dma_start3A_63 : memref<40960xf32, #tpu.memory_space<hbm>>) target_semaphore(%run_scoped3A : memref<!tpu.dma_semaphore, #tpu.memory_space<semaphore_mem>>)
      %dma_wait3A = arith.constant 0 : i32
      %dma_wait3A_66 = tpu.memref_slice %arg15[%dma_wait3A] : memref<41088xf32, #tpu.memory_space<vmem>> -> memref<40960xf32, #tpu.memory_space<vmem>>
      %dma_wait3A_67 = tpu.memref_slice %arg9[%mul3A_59] : memref<1310720xf32, #tpu.memory_space<hbm>> -> memref<40960xf32, #tpu.memory_space<hbm>>
      %dma_wait3A_68 = tpu.memref_slice %arg9[%mul3A_59] : memref<1310720xf32, #tpu.memory_space<hbm>> -> memref<40960xf32, #tpu.memory_space<hbm>>
      %dma_wait3A_69 = arith.constant 0 : i32
      %dma_wait3A_70 = tpu.memref_slice %arg15[%dma_wait3A_69] : memref<41088xf32, #tpu.memory_space<vmem>> -> memref<40960xf32, #tpu.memory_space<vmem>>
      tpu.wait_dma2 semaphore(%run_scoped3A : memref<!tpu.dma_semaphore, #tpu.memory_space<semaphore_mem>>) src(%dma_wait3A_70 : memref<40960xf32, #tpu.memory_space<vmem>>) dst(%dma_wait3A_68 : memref<40960xf32, #tpu.memory_space<hbm>>)
      tpu.yield
    }) : () -> ()
    "tpu.region"() ({
      %run_scoped3A = tpu.sem_alloc : memref<!tpu.dma_semaphore, #tpu.memory_space<semaphore_mem>>
      %dma_start3A_60 = tpu.memref_slice %arg10[%mul3A_2] : memref<10240xf32, #tpu.memory_space<hbm>> -> memref<320xf32, #tpu.memory_space<hbm>>
      %dma_start3A_61 = tpu.memref_slice %arg10[%mul3A_2] : memref<10240xf32, #tpu.memory_space<hbm>> -> memref<320xf32, #tpu.memory_space<hbm>>
      tpu.enqueue_dma source(%arg16 : memref<320xf32, #tpu.memory_space<vmem>>) target(%dma_start3A_61 : memref<320xf32, #tpu.memory_space<hbm>>) target_semaphore(%run_scoped3A : memref<!tpu.dma_semaphore, #tpu.memory_space<semaphore_mem>>)
      %dma_wait3A = tpu.memref_slice %arg10[%mul3A_2] : memref<10240xf32, #tpu.memory_space<hbm>> -> memref<320xf32, #tpu.memory_space<hbm>>
      %dma_wait3A_62 = tpu.memref_slice %arg10[%mul3A_2] : memref<10240xf32, #tpu.memory_space<hbm>> -> memref<320xf32, #tpu.memory_space<hbm>>
      tpu.wait_dma2 semaphore(%run_scoped3A : memref<!tpu.dma_semaphore, #tpu.memory_space<semaphore_mem>>) src(%arg16 : memref<320xf32, #tpu.memory_space<vmem>>) dst(%dma_wait3A_62 : memref<320xf32, #tpu.memory_space<hbm>>)
      tpu.yield
    }) : () -> ()
    return
  }
}

module attributes {stable_mosaic.version = 14 : i64} {
  func.func @_pro_body(%arg0: i32, %arg1: memref<1000x128xf32, #tpu.memory_space<vmem>>, %arg2: memref<128x128xf32, #tpu.memory_space<vmem>>, %arg3: memref<128x128xf32, #tpu.memory_space<vmem>>, %arg4: memref<128x128xf32, #tpu.memory_space<vmem>>, %arg5: memref<128x128xf32, #tpu.memory_space<vmem>>, %arg6: memref<128x1xf32, #tpu.memory_space<vmem>>, %arg7: memref<128x1xf32, #tpu.memory_space<vmem>>, %arg8: memref<1000x256xf32, #tpu.memory_space<vmem>>, %arg9: memref<1000x128xf32, #tpu.memory_space<vmem>>, %arg10: memref<1000x1xf32, #tpu.memory_space<vmem>>, %arg11: memref<1000x1xf32, #tpu.memory_space<vmem>>, %arg12: memref<1x1xf32, #tpu.memory_space<vmem>>, %arg13: memref<1x1xf32, #tpu.memory_space<vmem>>) attributes {dimension_semantics = [#tpu.dimension_semantics<arbitrary>], iteration_bounds = array<i64: 10>, scalar_prefetch = 0 : i64, scratch_operands = 0 : i64, tpu.core_type = #tpu.core_type<tc>, window_params = [{transform_indices = @transform_0, window_bounds = array<i64: 1000, 128>}, {pipeline_mode = #tpu.pipeline_mode<synchronous>, transform_indices = @transform_1, window_bounds = array<i64: 128, 128>}, {pipeline_mode = #tpu.pipeline_mode<synchronous>, transform_indices = @transform_2, window_bounds = array<i64: 128, 128>}, {pipeline_mode = #tpu.pipeline_mode<synchronous>, transform_indices = @transform_3, window_bounds = array<i64: 128, 128>}, {pipeline_mode = #tpu.pipeline_mode<synchronous>, transform_indices = @transform_4, window_bounds = array<i64: 128, 128>}, {pipeline_mode = #tpu.pipeline_mode<synchronous>, transform_indices = @transform_5, window_bounds = array<i64: 128, 1>}, {pipeline_mode = #tpu.pipeline_mode<synchronous>, transform_indices = @transform_6, window_bounds = array<i64: 128, 1>}, {transform_indices = @transform_7, window_bounds = array<i64: 1000, 256>}, {transform_indices = @transform_8, window_bounds = array<i64: 1000, 128>}, {transform_indices = @transform_9, window_bounds = array<i64: 1000, 1>}, {transform_indices = @transform_10, window_bounds = array<i64: 1000, 1>}, {pipeline_mode = #tpu.pipeline_mode<synchronous>, transform_indices = @transform_11, window_bounds = array<i64: 1, 1>}, {pipeline_mode = #tpu.pipeline_mode<synchronous>, transform_indices = @transform_12, window_bounds = array<i64: 1, 1>}]} {
    %get3A = arith.constant 0 : index
    %get3A_0 = arith.constant 0 : index
    %get3A_1 = vector.load %arg1[%get3A, %get3A_0] : memref<1000x128xf32, #tpu.memory_space<vmem>>, vector<1000x128xf32>
    %get3A_2 = arith.constant 0 : index
    %get3A_3 = arith.constant 0 : index
    %get3A_4 = vector.load %arg2[%get3A_2, %get3A_3] : memref<128x128xf32, #tpu.memory_space<vmem>>, vector<128x128xf32>
    %dot_general3A = arith.constant dense<0.000000e+00> : vector<1000x128xf32>
    %dot_general3A_5 = tpu.matmul %get3A_1, %get3A_4, %dot_general3A {dimension_numbers = #tpu.dot_dimension_numbers<[1], [0], [0], [1], [0, 0, 1, 1], [], []>, transpose_lhs_hint = false} : vector<1000x128xf32>, vector<128x128xf32>, vector<1000x128xf32> -> vector<1000x128xf32>
    %get3A_6 = arith.constant 0 : index
    %get3A_7 = arith.constant 0 : index
    %get3A_8 = vector.load %arg3[%get3A_6, %get3A_7] : memref<128x128xf32, #tpu.memory_space<vmem>>, vector<128x128xf32>
    %dot_general3A_9 = arith.constant dense<0.000000e+00> : vector<1000x128xf32>
    %dot_general3A_10 = tpu.matmul %get3A_1, %get3A_8, %dot_general3A_9 {dimension_numbers = #tpu.dot_dimension_numbers<[1], [0], [0], [1], [0, 0, 1, 1], [], []>, transpose_lhs_hint = false} : vector<1000x128xf32>, vector<128x128xf32>, vector<1000x128xf32> -> vector<1000x128xf32>
    %get3A_11 = arith.constant 0 : index
    %get3A_12 = arith.constant 0 : index
    %get3A_13 = vector.load %arg4[%get3A_11, %get3A_12] : memref<128x128xf32, #tpu.memory_space<vmem>>, vector<128x128xf32>
    %dot_general3A_14 = arith.constant dense<0.000000e+00> : vector<1000x128xf32>
    %dot_general3A_15 = tpu.matmul %get3A_1, %get3A_13, %dot_general3A_14 {dimension_numbers = #tpu.dot_dimension_numbers<[1], [0], [0], [1], [0, 0, 1, 1], [], []>, transpose_lhs_hint = false} : vector<1000x128xf32>, vector<128x128xf32>, vector<1000x128xf32> -> vector<1000x128xf32>
    %concatenate3A = tpu.concatenate %dot_general3A_5, %dot_general3A_10 in 1 : vector<1000x128xf32>, vector<1000x128xf32> -> vector<1000x256xf32>
    %swap3A = arith.constant 0 : index
    %swap3A_16 = arith.constant 0 : index
    %swap3A_17 = vector.load %arg8[%swap3A, %swap3A_16] : memref<1000x256xf32, #tpu.memory_space<vmem>>, vector<1000x256xf32>
    tpu.vector_store %arg8[%swap3A, %swap3A_16], %concatenate3A {strides = array<i32>} : memref<1000x256xf32, #tpu.memory_space<vmem>>, vector<1000x256xf32>,
    %swap3A_18 = arith.constant 0 : index
    %swap3A_19 = arith.constant 0 : index
    %swap3A_20 = vector.load %arg9[%swap3A_18, %swap3A_19] : memref<1000x128xf32, #tpu.memory_space<vmem>>, vector<1000x128xf32>
    tpu.vector_store %arg9[%swap3A_18, %swap3A_19], %dot_general3A_15 {strides = array<i32>} : memref<1000x128xf32, #tpu.memory_space<vmem>>, vector<1000x128xf32>,
    %get3A_21 = arith.constant 0 : index
    %get3A_22 = arith.constant 0 : index
    %get3A_23 = vector.load %arg6[%get3A_21, %get3A_22] : memref<128x1xf32, #tpu.memory_space<vmem>>, vector<128x1xf32>
    %dot_general3A_24 = arith.constant dense<0.000000e+00> : vector<1000x1xf32>
    %dot_general3A_25 = tpu.matmul %dot_general3A_10, %get3A_23, %dot_general3A_24 {dimension_numbers = #tpu.dot_dimension_numbers<[1], [0], [0], [1], [0, 0, 1, 1], [], []>, transpose_lhs_hint = false} : vector<1000x128xf32>, vector<128x1xf32>, vector<1000x1xf32> -> vector<1000x1xf32>
    %get3A_26 = arith.constant 0 : index
    %get3A_27 = arith.constant 0 : index
    %get3A_28 = vector.load %arg5[%get3A_26, %get3A_27] : memref<128x128xf32, #tpu.memory_space<vmem>>, vector<128x128xf32>
    %get3A_29 = arith.constant 0 : index
    %get3A_30 = arith.constant 0 : index
    %get3A_31 = vector.load %arg7[%get3A_29, %get3A_30] : memref<128x1xf32, #tpu.memory_space<vmem>>, vector<128x1xf32>
    %dot_general3A_32 = arith.constant dense<0.000000e+00> : vector<128x1xf32>
    %dot_general3A_33 = tpu.matmul %get3A_28, %get3A_31, %dot_general3A_32 {dimension_numbers = #tpu.dot_dimension_numbers<[1], [0], [0], [1], [0, 0, 1, 1], [], []>, transpose_lhs_hint = false} : vector<128x128xf32>, vector<128x1xf32>, vector<128x1xf32> -> vector<128x1xf32>
    %dot_general3A_34 = arith.constant dense<0.000000e+00> : vector<1000x1xf32>
    %dot_general3A_35 = tpu.matmul %get3A_1, %dot_general3A_33, %dot_general3A_34 {dimension_numbers = #tpu.dot_dimension_numbers<[1], [0], [0], [1], [0, 0, 1, 1], [], []>, transpose_lhs_hint = false} : vector<1000x128xf32>, vector<128x1xf32>, vector<1000x1xf32> -> vector<1000x1xf32>
    %swap3A_36 = arith.constant 0 : index
    %swap3A_37 = arith.constant 0 : index
    %swap3A_38 = vector.load %arg10[%swap3A_36, %swap3A_37] : memref<1000x1xf32, #tpu.memory_space<vmem>>, vector<1000x1xf32>
    tpu.vector_store %arg10[%swap3A_36, %swap3A_37], %dot_general3A_25 {strides = array<i32>} : memref<1000x1xf32, #tpu.memory_space<vmem>>, vector<1000x1xf32>,
    %swap3A_39 = arith.constant 0 : index
    %swap3A_40 = arith.constant 0 : index
    %swap3A_41 = vector.load %arg11[%swap3A_39, %swap3A_40] : memref<1000x1xf32, #tpu.memory_space<vmem>>, vector<1000x1xf32>
    tpu.vector_store %arg11[%swap3A_39, %swap3A_40], %dot_general3A_35 {strides = array<i32>} : memref<1000x1xf32, #tpu.memory_space<vmem>>, vector<1000x1xf32>,
    %eq3A = arith.constant 0 : i32
    %eq3A_42 = arith.cmpi eq, %arg0, %eq3A : i32
    %convert_element_type3A = arith.extui %eq3A_42 : i1 to i32
    %cond3A = arith.constant 0 : i32
    %cond3A_43 = arith.cmpi ne, %convert_element_type3A, %cond3A : i32
    scf.if %cond3A_43 {
      %broadcast_in_dim3A_67 = arith.constant 0xFF800000 : f32
      %broadcast_in_dim3A_68 = vector.broadcast %broadcast_in_dim3A_67 : f32 to vector<1x1xf32>
      %swap3A_69 = arith.constant 0 : index
      %swap3A_70 = arith.constant 0 : index
      %swap3A_71 = vector.load %arg12[%swap3A_69, %swap3A_70] : memref<1x1xf32, #tpu.memory_space<vmem>>, vector<1x1xf32>
      tpu.vector_store %arg12[%swap3A_69, %swap3A_70], %broadcast_in_dim3A_68 {strides = array<i32>} : memref<1x1xf32, #tpu.memory_space<vmem>>, vector<1x1xf32>,
      %broadcast_in_dim3A_72 = arith.constant 0xFF800000 : f32
      %broadcast_in_dim3A_73 = vector.broadcast %broadcast_in_dim3A_72 : f32 to vector<1x1xf32>
      %swap3A_74 = arith.constant 0 : index
      %swap3A_75 = arith.constant 0 : index
      %swap3A_76 = vector.load %arg13[%swap3A_74, %swap3A_75] : memref<1x1xf32, #tpu.memory_space<vmem>>, vector<1x1xf32>
      tpu.vector_store %arg13[%swap3A_74, %swap3A_75], %broadcast_in_dim3A_73 {strides = array<i32>} : memref<1x1xf32, #tpu.memory_space<vmem>>, vector<1x1xf32>,
    } else {
    }
    %get3A_44 = arith.constant 0 : index
    %get3A_45 = arith.constant 0 : index
    %get3A_46 = vector.load %arg12[%get3A_44, %get3A_45] : memref<1x1xf32, #tpu.memory_space<vmem>>, vector<1x1xf32>
    %reduce_max3A = vector.shape_cast %dot_general3A_25 : vector<1000x1xf32> to vector<1x1000x1xf32>
    %reduce_max3A_47 = arith.constant dense<0xFF800000> : vector<1xf32>
    %reduce_max3A_48 = vector.multi_reduction <maximumf>, %reduce_max3A, %reduce_max3A_47 [1, 2] : vector<1x1000x1xf32> to vector<1xf32>
    %reduce_max3A_49 = vector.shape_cast %reduce_max3A_48 : vector<1xf32> to vector<1x1x1xf32>
    %reduce_max3A_50 = vector.extract %reduce_max3A_49[0, 0, 0] : f32 from vector<1x1x1xf32>
    %broadcast_in_dim3A = vector.broadcast %reduce_max3A_50 : f32 to vector<1x1xf32>
    %max3A = arith.maximumf %get3A_46, %broadcast_in_dim3A : vector<1x1xf32>
    %swap3A_51 = arith.constant 0 : index
    %swap3A_52 = arith.constant 0 : index
    %swap3A_53 = vector.load %arg12[%swap3A_51, %swap3A_52] : memref<1x1xf32, #tpu.memory_space<vmem>>, vector<1x1xf32>
    tpu.vector_store %arg12[%swap3A_51, %swap3A_52], %max3A {strides = array<i32>} : memref<1x1xf32, #tpu.memory_space<vmem>>, vector<1x1xf32>,
    %get3A_54 = arith.constant 0 : index
    %get3A_55 = arith.constant 0 : index
    %get3A_56 = vector.load %arg13[%get3A_54, %get3A_55] : memref<1x1xf32, #tpu.memory_space<vmem>>, vector<1x1xf32>
    %reduce_max3A_57 = vector.shape_cast %dot_general3A_35 : vector<1000x1xf32> to vector<1x1000x1xf32>
    %reduce_max3A_58 = arith.constant dense<0xFF800000> : vector<1xf32>
    %reduce_max3A_59 = vector.multi_reduction <maximumf>, %reduce_max3A_57, %reduce_max3A_58 [1, 2] : vector<1x1000x1xf32> to vector<1xf32>
    %reduce_max3A_60 = vector.shape_cast %reduce_max3A_59 : vector<1xf32> to vector<1x1x1xf32>
    %reduce_max3A_61 = vector.extract %reduce_max3A_60[0, 0, 0] : f32 from vector<1x1x1xf32>
    %broadcast_in_dim3A_62 = vector.broadcast %reduce_max3A_61 : f32 to vector<1x1xf32>
    %max3A_63 = arith.maximumf %get3A_56, %broadcast_in_dim3A_62 : vector<1x1xf32>
    %swap3A_64 = arith.constant 0 : index
    %swap3A_65 = arith.constant 0 : index
    %swap3A_66 = vector.load %arg13[%swap3A_64, %swap3A_65] : memref<1x1xf32, #tpu.memory_space<vmem>>, vector<1x1xf32>
    tpu.vector_store %arg13[%swap3A_64, %swap3A_65], %max3A_63 {strides = array<i32>} : memref<1x1xf32, #tpu.memory_space<vmem>>, vector<1x1xf32>,
    return
  }
  func.func @transform_0(%arg0: i32) -> (i32, i32) {
    %c0_i32 = arith.constant 0 : i32
    %c0_i32_0 = arith.constant 0 : i32
    return %arg0, %c0_i32 : i32, i32
  }
  func.func @transform_1(%arg0: i32) -> (i32, i32) {
    %c0_i32 = arith.constant 0 : i32
    %c0_i32_0 = arith.constant 0 : i32
    %c0_i32_1 = arith.constant 0 : i32
    return %c0_i32, %c0_i32_0 : i32, i32
  }
  func.func @transform_2(%arg0: i32) -> (i32, i32) {
    %c0_i32 = arith.constant 0 : i32
    %c0_i32_0 = arith.constant 0 : i32
    %c0_i32_1 = arith.constant 0 : i32
    return %c0_i32, %c0_i32_0 : i32, i32
  }
  func.func @transform_3(%arg0: i32) -> (i32, i32) {
    %c0_i32 = arith.constant 0 : i32
    %c0_i32_0 = arith.constant 0 : i32
    %c0_i32_1 = arith.constant 0 : i32
    return %c0_i32, %c0_i32_0 : i32, i32
  }
  func.func @transform_4(%arg0: i32) -> (i32, i32) {
    %c0_i32 = arith.constant 0 : i32
    %c0_i32_0 = arith.constant 0 : i32
    %c0_i32_1 = arith.constant 0 : i32
    return %c0_i32, %c0_i32_0 : i32, i32
  }
  func.func @transform_5(%arg0: i32) -> (i32, i32) {
    %c0_i32 = arith.constant 0 : i32
    %c0_i32_0 = arith.constant 0 : i32
    %c0_i32_1 = arith.constant 0 : i32
    return %c0_i32, %c0_i32_0 : i32, i32
  }
  func.func @transform_6(%arg0: i32) -> (i32, i32) {
    %c0_i32 = arith.constant 0 : i32
    %c0_i32_0 = arith.constant 0 : i32
    %c0_i32_1 = arith.constant 0 : i32
    return %c0_i32, %c0_i32_0 : i32, i32
  }
  func.func @transform_7(%arg0: i32) -> (i32, i32) {
    %c0_i32 = arith.constant 0 : i32
    %c0_i32_0 = arith.constant 0 : i32
    return %arg0, %c0_i32 : i32, i32
  }
  func.func @transform_8(%arg0: i32) -> (i32, i32) {
    %c0_i32 = arith.constant 0 : i32
    %c0_i32_0 = arith.constant 0 : i32
    return %arg0, %c0_i32 : i32, i32
  }
  func.func @transform_9(%arg0: i32) -> (i32, i32) {
    %c0_i32 = arith.constant 0 : i32
    %c0_i32_0 = arith.constant 0 : i32
    return %arg0, %c0_i32 : i32, i32
  }
  func.func @transform_10(%arg0: i32) -> (i32, i32) {
    %c0_i32 = arith.constant 0 : i32
    %c0_i32_0 = arith.constant 0 : i32
    return %arg0, %c0_i32 : i32, i32
  }
  func.func @transform_11(%arg0: i32) -> (i32, i32) {
    %c0_i32 = arith.constant 0 : i32
    %c0_i32_0 = arith.constant 0 : i32
    %c0_i32_1 = arith.constant 0 : i32
    return %c0_i32, %c0_i32_0 : i32, i32
  }
  func.func @transform_12(%arg0: i32) -> (i32, i32) {
    %c0_i32 = arith.constant 0 : i32
    %c0_i32_0 = arith.constant 0 : i32
    %c0_i32_1 = arith.constant 0 : i32
    return %c0_i32, %c0_i32_0 : i32, i32
  }
}

module attributes {stable_mosaic.version = 14 : i64} {
  func.func @_epi_body(%arg0: i32, %arg1: memref<1000x128xf32, #tpu.memory_space<vmem>>, %arg2: memref<1000x128xf32, #tpu.memory_space<vmem>>, %arg3: memref<1000x128xf32, #tpu.memory_space<vmem>>, %arg4: memref<1000x1xf32, #tpu.memory_space<vmem>>, %arg5: memref<128x128xf32, #tpu.memory_space<vmem>>, %arg6: memref<1x128xf32, #tpu.memory_space<vmem>>, %arg7: memref<1000x128xf32, #tpu.memory_space<vmem>>) attributes {dimension_semantics = [#tpu.dimension_semantics<arbitrary>], iteration_bounds = array<i64: 10>, scalar_prefetch = 0 : i64, scratch_operands = 0 : i64, tpu.core_type = #tpu.core_type<tc>, window_params = [{transform_indices = @transform_0, window_bounds = array<i64: 1000, 128>}, {transform_indices = @transform_1, window_bounds = array<i64: 1000, 128>}, {transform_indices = @transform_2, window_bounds = array<i64: 1000, 128>}, {transform_indices = @transform_3, window_bounds = array<i64: 1000, 1>}, {pipeline_mode = #tpu.pipeline_mode<synchronous>, transform_indices = @transform_4, window_bounds = array<i64: 128, 128>}, {pipeline_mode = #tpu.pipeline_mode<synchronous>, transform_indices = @transform_5, window_bounds = array<i64: 1, 128>}, {transform_indices = @transform_6, window_bounds = array<i64: 1000, 128>}]} {
    %get3A = arith.constant 0 : index
    %get3A_0 = arith.constant 0 : index
    %get3A_1 = vector.load %arg4[%get3A, %get3A_0] : memref<1000x1xf32, #tpu.memory_space<vmem>>, vector<1000x1xf32>
    %gt3A = arith.constant 0.000000e+00 : f32
    %gt3A_2 = vector.broadcast %gt3A : f32 to vector<1000x1xf32>
    %gt3A_3 = arith.cmpf ogt, %get3A_1, %gt3A_2 : vector<1000x1xf32>
    %get3A_4 = arith.constant 0 : index
    %get3A_5 = arith.constant 0 : index
    %get3A_6 = vector.load %arg2[%get3A_4, %get3A_5] : memref<1000x128xf32, #tpu.memory_space<vmem>>, vector<1000x128xf32>
    %jit3A = arith.constant 0.000000e+00 : f32
    %broadcast_in_dim3A = vector.shape_cast %gt3A_3 : vector<1000x1xi1> to vector<1000x1xi1>
    %broadcast_in_dim3A_7 = vector.broadcast %broadcast_in_dim3A : vector<1000x1xi1> to vector<1000x128xi1>
    %broadcast_in_dim3A_8 = vector.broadcast %jit3A : f32 to vector<1000x128xf32>
    %select_n3A = arith.select %broadcast_in_dim3A_7, %get3A_6, %broadcast_in_dim3A_8 : vector<1000x128xi1>, vector<1000x128xf32>
    %max3A = arith.constant 9.99999996E-13 : f32
    %max3A_9 = vector.broadcast %max3A : f32 to vector<1000x1xf32>
    %max3A_10 = arith.maximumf %get3A_1, %max3A_9 : vector<1000x1xf32>
    %div3A = arith.constant 1.000000e+00 : f32
    %div3A_11 = vector.broadcast %div3A : f32 to vector<1000x1xf32>
    %div3A_12 = arith.divf %div3A_11, %max3A_10 : vector<1000x1xf32>
    %get3A_13 = arith.constant 0 : index
    %get3A_14 = arith.constant 0 : index
    %get3A_15 = vector.load %arg1[%get3A_13, %get3A_14] : memref<1000x128xf32, #tpu.memory_space<vmem>>, vector<1000x128xf32>
    %add3A = arith.addf %get3A_15, %select_n3A : vector<1000x128xf32>
    %get3A_16 = arith.constant 0 : index
    %get3A_17 = arith.constant 0 : index
    %get3A_18 = vector.load %arg3[%get3A_16, %get3A_17] : memref<1000x128xf32, #tpu.memory_space<vmem>>, vector<1000x128xf32>
    %mul3A = vector.broadcast %div3A_12 : vector<1000x1xf32> to vector<1000x128xf32>
    %mul3A_19 = arith.mulf %get3A_18, %mul3A : vector<1000x128xf32>
    %add3A_20 = arith.addf %add3A, %mul3A_19 : vector<1000x128xf32>
    %get3A_21 = arith.constant 0 : index
    %get3A_22 = arith.constant 0 : index
    %get3A_23 = vector.load %arg5[%get3A_21, %get3A_22] : memref<128x128xf32, #tpu.memory_space<vmem>>, vector<128x128xf32>
    %dot_general3A = arith.constant dense<0.000000e+00> : vector<1000x128xf32>
    %dot_general3A_24 = tpu.matmul %add3A_20, %get3A_23, %dot_general3A {dimension_numbers = #tpu.dot_dimension_numbers<[1], [0], [0], [1], [0, 0, 1, 1], [], []>, transpose_lhs_hint = false} : vector<1000x128xf32>, vector<128x128xf32>, vector<1000x128xf32> -> vector<1000x128xf32>
    %get3A_25 = arith.constant 0 : index
    %get3A_26 = arith.constant 0 : index
    %get3A_27 = vector.load %arg6[%get3A_25, %get3A_26] : memref<1x128xf32, #tpu.memory_space<vmem>>, vector<1x128xf32>
    %add3A_28 = vector.broadcast %get3A_27 : vector<1x128xf32> to vector<1000x128xf32>
    %add3A_29 = arith.addf %dot_general3A_24, %add3A_28 : vector<1000x128xf32>
    %swap3A = arith.constant 0 : index
    %swap3A_30 = arith.constant 0 : index
    %swap3A_31 = vector.load %arg7[%swap3A, %swap3A_30] : memref<1000x128xf32, #tpu.memory_space<vmem>>, vector<1000x128xf32>
    tpu.vector_store %arg7[%swap3A, %swap3A_30], %add3A_29 {strides = array<i32>} : memref<1000x128xf32, #tpu.memory_space<vmem>>, vector<1000x128xf32>,
    return
  }
  func.func @transform_0(%arg0: i32) -> (i32, i32) {
    %c0_i32 = arith.constant 0 : i32
    %c0_i32_0 = arith.constant 0 : i32
    return %arg0, %c0_i32 : i32, i32
  }
  func.func @transform_1(%arg0: i32) -> (i32, i32) {
    %c0_i32 = arith.constant 0 : i32
    %c0_i32_0 = arith.constant 0 : i32
    return %arg0, %c0_i32 : i32, i32
  }
  func.func @transform_2(%arg0: i32) -> (i32, i32) {
    %c0_i32 = arith.constant 0 : i32
    %c0_i32_0 = arith.constant 0 : i32
    return %arg0, %c0_i32 : i32, i32
  }
  func.func @transform_3(%arg0: i32) -> (i32, i32) {
    %c0_i32 = arith.constant 0 : i32
    %c0_i32_0 = arith.constant 0 : i32
    return %arg0, %c0_i32 : i32, i32
  }
  func.func @transform_4(%arg0: i32) -> (i32, i32) {
    %c0_i32 = arith.constant 0 : i32
    %c0_i32_0 = arith.constant 0 : i32
    %c0_i32_1 = arith.constant 0 : i32
    return %c0_i32, %c0_i32_0 : i32, i32
  }
  func.func @transform_5(%arg0: i32) -> (i32, i32) {
    %c0_i32 = arith.constant 0 : i32
    %c0_i32_0 = arith.constant 0 : i32
    %c0_i32_1 = arith.constant 0 : i32
    return %c0_i32, %c0_i32_0 : i32, i32
  }
  func.func @transform_6(%arg0: i32) -> (i32, i32) {
    %c0_i32 = arith.constant 0 : i32
    %c0_i32_0 = arith.constant 0 : i32
    return %arg0, %c0_i32 : i32, i32
  }
}

</mosaic_0001>

<sc_bundles>
// kernel: kernel.5.cloned.1.call-start
scs
__scs_entry_jumppad:
0x0: {  	(pc) =	sbr.rel $0x88, $3  }
0x1: {  	(tag) =	ssettag $0x0;
	lr =	simm.s32 $0x1  }
0x2: {  	[smem:$0x3F97] =	sst lr;
	_ =	strace $0xD0000000  }
0x3: {  	_ = 	snop  }
0x4: {  	_ = 	snop  }
0x5: {  	_ = 	snop  }
0x6: {  	_ = 	snop  }
0x7: {  	_ = 	snop  }
__scs_overlays_trampoline_lowered:
0x8: {  	[smem:$0x3FA6] =	sst s0  }
0x9: {  	[smem:$0x3FA7] =	sst s1  }
0xa: {  	[smem:$0x3FA8] =	sst s2  }
0xb: {  	[smem:$0x3FA9] =	sst s3  }
0xc: {  	[smem:$0x3FAA] =	sst s4  }
0xd: {  	[smem:$0x3FAB] =	sst s5  }
0xe: {  	[smem:$0x3FAC] =	sst s6  }
0xf: {  	[smem:$0x3FAD] =	sst s7  }
0x10: {  	[smem:$0x3FAE] =	sst s8  }
0x11: {  	[smem:$0x3FAF] =	sst s9;
	s0 =	simm.s32 @!p0 $0x0  }
0x12: {  	s1 =	sld [smem:$0x3F95];
	s0 =	simm.s32 @p0 $0x1  }
0x13: {  	[smem:$0x3FB0] =	sst s0;
	s0 =	simm.s32 @!p1 $0x0  }
0x14: {  	s2 =	sld [smem:$0x3F94];
	s0 =	simm.s32 @p1 $0x1  }
0x15: {  	[smem:$0x3FB1] =	sst s0;
	s0 =	simm.s32 @!p2 $0x0  }
0x16: {  	s3 =	sld [smem:$0x3FDB];
	s0 =	simm.s32 @p2 $0x1  }
0x17: {  	s4 =	simm.s32 $0x1BF5;
	[smem:$0x3FB3] =	sst s0  }
0x18: {  	s0 =	sld [smem:$0x3F96];
	_ =	swait.ge [sflag:s4], $0x0  }
0x19: {  	s7 =	sld [smem:$0x3F97]  }
0x1a: {  	s8 =	sadd.s32 $0xFFFFE003, lr  }
0x1b: {  	s9 =	sadd.s32 $0xFFFFFEF7, lr;
	s5 =	simm.s32 $0xFFFFFFFF;
	p2 =	slt.u32 s8, $0xFFFFF086  }
0x1c: {  	p1 =	slt.u32 s9, $0xF7A;
	s5 =	simm.s32 @!p2 $0x0  }
0x1d: {  	s5 =	simm.s32 @p1 $0x1;
	p0 =	seq.s32 s7, s2  }
0x1e: {  	s7 =	smul.u32 @!p0 $0xF7A, s2;
	p2 =	seq.s32 @!p0 s5, $0x0  }
0x1f: {  	s9 =	smul.u32 $0xF7A, s1;
	s8 =	simm.s32 @!p0 $0x1BF5;
	p2 =	por !p2, p0  }
0x20: {  	[sflag:s8] =	ssyncset.s32 @!p0 $0xFFFFF086;
	s6 =	sadd.s32 @!p0 s3, s7;
	s7 =	simm.s32 @!p0 $0x108  }
0x21: {  	s3 =	sadd.s32 s3, s9;
	s6 =	sadd.s32 @!p0 $0x88, s6;
	s7 =	simm.s32 @p2 $0x1082  }
0x22: {  	[simem:s7], [sflag:s8] =	dma.local @!p0 [hbm:s6], $0xF7A  }
0x23: {  	s9 =	sor.u32 $0xD0000000, s2;
	s6 =	simm.s32 $0x108;
	_ =	swait.ge @!p0 [sflag:s8], $0x0  }
0x24: {  	s3 =	sadd.s32 $0x88, s3;
	s6 =	simm.s32 @!p1 $0x1082;
	[sflag:s4] =	ssyncset.s32 $0xFFFFF086  }
0x25: {  	[simem:s6], [sflag:s4] =	dma.local [hbm:s3], $0xF7A  }
0x26: {  	[smem:$0x3F97] =	sst s1;
	(tag) =	ssettag s2;
	_ =	strace s9  }
0x27: {  	s1 =	sld [smem:$0x3FA7]  }
0x28: {  	s2 =	sld [smem:$0x3FA8]  }
0x29: {  	s4 =	sld [smem:$0x3FAA]  }
0x2a: {  	p0 =	seq.s32 s5, $0x0;
	s5 =	sld [smem:$0x3FAB]  }
0x2b: {  	s6 =	sld [smem:$0x3FAC]  }
0x2c: {  	s7 =	sld [smem:$0x3FAD]  }
0x2d: {  	s3 =	simm.s32 $0x108;
	s8 =	sld [smem:$0x3FAE]  }
0x2e: {  	s3 =	simm.s32 @!p0 $0x1082;
	s9 =	sld [smem:$0x3FAF]  }
0x2f: {  	lr =	sadd.s32 s0, s3;
	s0 =	sld [smem:$0x3FA6]  }
0x30: {  	s3 =	sld [smem:$0x3FA9]  }
0x31: {  	[smem:$0x3FB2] =	sst s10  }
0x32: {  	s10 =	sld [smem:$0x3FB0];
	_ =	sdelay $0x3  }
0x33: {  	p0 =	seq.s32 s10, $0x1;
	s10 =	sld [smem:$0x3FB2];
	_ =	sdelay $0x3  }
0x34: {  	[smem:$0x3FB2] =	sst s10  }
0x35: {  	s10 =	sld [smem:$0x3FB1];
	_ =	sdelay $0x3  }
0x36: {  	p1 =	seq.s32 s10, $0x1;
	s10 =	sld [smem:$0x3FB2];
	_ =	sdelay $0x3  }
0x37: {  	[smem:$0x3FB2] =	sst s10  }
0x38: {  	s10 =	sld [smem:$0x3FB3]  }
0x39: {  	_ = 	snop;
	(pc) =	sbr.ind lr, $3  }
0x3a: {  	_ = 	snop  }
0x3b: {  	_ = 	snop  }
0x3c: {  	p2 =	seq.s32 s10, $0x1;
	s10 =	sld [smem:$0x3FB2]  }
0x3d: {  	_ =	shalt  }
0x3e: {  	_ =	shalt  }
0x3f: {  	_ =	shalt  }
0x40: {  	_ =	shalt  }
0x41: {  	_ =	shalt  }
0x42: {  	_ =	shalt  }
0x43: {  	_ =	shalt  }
0x44: {  	_ =	shalt  }
0x45: {  	_ =	shalt  }
0x46: {  	_ =	shalt  }
0x47: {  	_ =	shalt  }
0x48: {  	_ =	shalt  }
0x49: {  	_ =	shalt  }
0x4a: {  	_ =	shalt  }
0x4b: {  	_ =	shalt  }
0x4c: {  	_ =	shalt  }
0x4d: {  	_ =	shalt  }
0x4e: {  	_ =	shalt  }
0x4f: {  	_ =	shalt  }
0x50: {  	_ =	shalt  }
0x51: {  	_ =	shalt  }
0x52: {  	_ =	shalt  }
0x53: {  	_ =	shalt  }
0x54: {  	_ =	shalt  }
0x55: {  	_ =	shalt  }
0x56: {  	_ =	shalt  }
0x57: {  	_ =	shalt  }
0x58: {  	_ =	shalt  }
0x59: {  	_ =	shalt  }
0x5a: {  	_ =	shalt  }
0x5b: {  	_ =	shalt  }
0x5c: {  	_ =	shalt  }
0x5d: {  	_ =	shalt  }
0x5e: {  	_ =	shalt  }
0x5f: {  	_ =	shalt  }
0x60: {  	_ =	shalt  }
0x61: {  	_ =	shalt  }
0x62: {  	_ =	shalt  }
0x63: {  	_ =	shalt  }
0x64: {  	_ =	shalt  }
0x65: {  	_ =	shalt  }
0x66: {  	_ =	shalt  }
0x67: {  	_ =	shalt  }
0x68: {  	_ =	shalt  }
0x69: {  	_ =	shalt  }
0x6a: {  	_ =	shalt  }
0x6b: {  	_ =	shalt  }
0x6c: {  	_ =	shalt  }
0x6d: {  	_ =	shalt  }
0x6e: {  	_ =	shalt  }
0x6f: {  	_ =	shalt  }
0x70: {  	_ =	shalt  }
0x71: {  	_ =	shalt  }
0x72: {  	_ =	shalt  }
0x73: {  	_ =	shalt  }
0x74: {  	_ =	shalt  }
0x75: {  	_ =	shalt  }
0x76: {  	_ =	shalt  }
0x77: {  	_ =	shalt  }
0x78: {  	_ =	shalt  }
0x79: {  	_ =	shalt  }
0x7a: {  	_ =	shalt  }
0x7b: {  	_ =	shalt  }
0x7c: {  	_ =	shalt  }
0x7d: {  	_ =	shalt  }
0x7e: {  	_ =	shalt  }
0x7f: {  	_ =	shalt  }
0x80: {  	_ =	shalt  }
0x81: {  	_ =	shalt  }
0x82: {  	_ =	shalt  }
0x83: {  	_ =	shalt  }
0x84: {  	_ =	shalt  }
0x85: {  	_ =	shalt  }
0x86: {  	_ =	shalt  }
0x87: {  	_ =	shalt  }
.Lfunc_end0:
.L_simem_size_0:
called_computation_lowered:
.L_overlay_start_0:
0x88: {  	s2 =	sld [smem:$0x3FD9]  }
0x89: {  	s3 =	sld [smem:$0x3FFE];
	_ =	sdelay $0x1  }
0x8a: {  	s1 =	srdreg.scid  }
0x8b: {  	s0 =	sand.u32 $0x1, s1  }
0x8c: {  	s17 =	sshll.u32 s0, $0xA;
	s2 =	sadd.s32 s3, s2  }
0x8d: {  	s2 =	sadd.s32 s2, s17  }
0x8e: {  	[smem:$0x3FBE] =	sst s2  }
0x8f: {  	_ = 	snop  }
0x90: {  	s2 =	sld [smem:$0x3FD0];
	(tm) =	ssettm $0x1  }
0x91: {  	s18 =	sld [smem:$0x3FFB];
	_ =	sdelay $0x3  }
0x92: {  	_ =	strace s18  }
0x93: {  	s3 =	sld [smem:$0x3FFC];
	_ =	sdelay $0x3  }
0x94: {  	_ =	strace s3  }
0x95: {  	s3 =	sld [smem:$0x3FFD];
	_ =	sdelay $0x3  }
0x96: {  	_ =	strace s3  }
0x97: {  	_ =	strace $0x8FFFFFFF  }
0x98: {  	s19 =	sld [smem:$0x3FDB];
	_ =	sdelay $0x1  }
0x99: {  	s4 =	simm.s32 $_scs_section_size  }
0x9a: {  	s5 =	simm.s32 $_size__tile_overlayer_lowered;
	s6 =	simm.s32 $_tile_overlayer_lowered  }
0x9b: {  	s22 =	simm.s32 $0x1BFF;
	s21 =	sshll.u32 s6, $0x1;
	s3 =	sadd.s32 s4, s19  }
0x9c: {  	s7 =	simm.s32 $0x0;
	s20 =	sshll.u32 s5, $0x1;
	s5 =	sadd.s32 s21, s3  }
0x9d: {  	[timem:s7], [sflag:s22] =	dma.local [hbm:s5], s20  }
0x9e: {  	_ =	swait.ge [sflag:s22], s20  }
0x9f: {  	s4 =	ssub.s32 $0x0, s20;
	[sflag:s22] =	ssyncset.done $0x0  }
0xa0: {  	[sflag:s22] =	ssyncadd.s32 s4;
	_ =	sdelay $0x1  }
0xa1: {  	s23 =	simm.s32 $0x1B8B  }
0xa2: {  	_ =	swait.ge [sflag:s23], $0x1  }
0xa3: {  	[sflag:s23] =	ssyncset.done $0x0  }
0xa4: {  	s25 =	simm.s32 $0x1B8E;
	s24 =	sld [smem:$0x3FFE];
	[sflag:s23] =	ssyncadd.s32 $0xFFFFFFFF  }
0xa5: {  	s26 =	simm.s32 $execute0_lowered;
	[smem:$0x3FD2] =	sst s25  }
0xa6: {  	s5 =	sshll.u32 s26, $0x1;
	_ =	strace $0x80000046;
	[dreg:$0x1] =	wrdreg $0xFFFFFFFF  }
0xa7: {  	s28 =	simm.s32 $_size_execute0_lowered;
	s3 =	sadd.s32 s3, s5;
	[dreg:$0x0] =	wrdreg $0x0  }
0xa8: {  	s5 =	sshll.u32 s28, $0x1;
	[dreg:$0x2] =	wrdreg s3  }
0xa9: {  	[dreg:$0x3] =	wrdreg s5  }
0xaa: {  	[dreg:$0x4] =	wrdreg $0xC0  }
0xab: {  	_ =	task [dreg:s7], $0x5FFFF  }
0xac: {  	[dreg:$0x1] =	wrdreg $0xFFFFFFFF  }
0xad: {  	[dreg:$0x0] =	wrdreg $0x60  }
0xae: {  	[dreg:$0x2] =	wrdreg s24  }
0xaf: {  	[dreg:$0x3] =	wrdreg s2  }
0xb0: {  	[dreg:$0x4] =	wrdreg $0x9  }
0xb1: {  	_ =	task.clear_ibuf [dreg:s7], $0x5FFFF;
	_ =	strace $0x90000046  }
0xb2: {  	s29 =	simm.s32 $0x9;
	_ =	strace $0x80000048  }
0xb3: {  	_ =	swait.ge [sflag:s29], $0x1  }
0xb4: {  	[sflag:s29] =	ssyncadd.s32 $0xFFFFFFFF  }
0xb5: {  	_ =	strace $0x90000048  }
0xb6: {  	_ =	sfence  }
0xb7: {  	s30 =	sld [smem:$0x0];
	_ =	sdelay $0x2  }
0xb8: {  	s31 =	sshll.u32 s1, $0xD;
	s1 =	sshrl.u32 s1, $0x2  }
0xb9: {  	s3 =	sand.u32 $0x4000, s31;
	s1 =	sadd.s32 s1, s30  }
0xba: {  	s0 =	sor.u32 s3, s0;
	s1 =	sshll.u32 s1, $0x11  }
0xbb: {  	s0 =	sor.u32 s1, s0  }
0xbc: {  	s0 =	sadd.s32 $0x8F2B, s0  }
0xbd: {  	[sflag:s0] =	ssyncadd.remote.s32 $0x1  }
0xbe: {  	_ =	sfence.sel $0xFFFF  }
0xbf: {  	[dreg:$0x0] =	wrdreg $0xFFFFFFFF;
	(pc) =	sbr.abs _section_cstart, $3  }
0xc0: {  	[dreg:$0x1] =	wrdreg $0xFFFFFFFF  }
0xc1: {  	_ =	task.clear_ibuf [dreg:s7], $0x2FFFF;
	_ =	strace $0x9FFFFFFF  }
0xc2: {  	(tm) =	ssettm $0x7FFFFFFF  }
0xc3: {  	_ =	shalt  }
tec
execute0_lowered:
.L_overlay_start_1:
0x0: {  	(tag) =	ssettag $0x1  }
0x1: {  	s0 =	rddreg [dreg:$0x0]  }
0x2: {  	s2 =	rddreg [dreg:$0x1];
	s3 =	simm.s32 $0x0;
	s1 =	srdreg.scid  }
0x3: {  	s4 =	stileid.u32;
	s14 =	simm.s32 $0x2800;
	s16 =	simm.s32 $0x1  }
0x4: {  	s17 =	simm.s32 $0x2;
	s18 =	simm.s32 $0x3;
	s19 =	simm.s32 $0x19E80  }
0x5: {  	s20 =	simm.s32 $0x1AB80;
	s22 =	simm.s32 $0x1C100;
	s23 =	simm.s32 $0x1C900  }
0x6: {  	s24 =	simm.s32 $0x1D100;
	s25 =	simm.s32 $0x16B00;
	[smem:$0x7FF] =	sst s3  }
0x7: {  	s1 =	sand.u32 $0x1, s1;
	s4 =	sshll.u32 s4, $0x1;
	s6 =	sadd.s32 $0x59000, s0  }
0x8: {  	s8 =	sadd.s32 $0xA600, s0;
	_ =	strace $0x80000047;
	s5 =	sor.u32 s1, s4  }
0x9: {  	s4 =	sadd.s32 $0x600, s0;
	s1 =	ssub.s32 $0x2, s1;
	s7 =	smul.u32 $0x140, s5  }
0xa: {  	[dreg:$0x3] =	wrdreg s6;
	s5 =	smul.u32 $0x1400, s5;
	s9 =	sshrl.u32 s1, $0x1  }
0xb: {  	s6 =	sadd.s32 $0xA800, s0;
	[dreg:$0x4] =	wrdreg s8;
	s1 =	ssub.s32 s1, s9  }
0xc: {  	s29 =	sshrl.u32 s7, $0x3;
	s5 =	sadd.s32 s5, s0;
	s31 =	smax.u32 s1, $0x1  }
.Ltmp0:
0xd: {  	s30 =	sadd.s32 $0x59C00, s5;
	[dreg:$0x9] =	wrdreg s31;
	(pc) =	sbr.rel .LBB2_1-.Ltmp0, $4  }
0xe: {  	v1 =	vimm.f32 $-3.399999950e+38;
	v2 =	vlaneseq.u32;
	v3 =	vimm.f32 $0.0e+00;
	s0 =	sadd.s32 s29, s0;
	s5 =	sadd.s32 $0x81C00, s5;
	[dreg:$0x6] =	wrdreg s30  }
0xf: {  	v4 =	vimm.s32 $0x0;
	vm0 =	vmmov $0xffff;
	s26 =	simm.s32 $0x2A00;
	v6 =	vshrl.u32 v2, $0x3;
	s8 =	sadd.s32 $0x58A00, s0;
	[dreg:$0x7] =	wrdreg s5  }
0x10: {  	s28 =	simm.s32 $0xCA80;
	v5 =	vand.u32 $0x7, v2;
	v7 =	vor.u32 $0x8, v2;
	v8 =	vor.u32 $0x10, v2;
	s0 =	sadd.s32 $0x59600, s0;
	[dreg:$0x5] =	wrdreg s8  }
0x11: {  	v9 =	vor.u32 $0xA000, v2;
	v6 =	vmul.u32 $0x8, v6;
	s1 =	simm.s32 $0x4;
	v0 =	vmov s7;
	s5 =	simm.s32 $0x0;
	[dreg:$0x8] =	wrdreg s0  }
.LBB2_25:
0x12: {  	s0 =	rddreg [dreg:$0x6];
	s1 =	simm.s32 $0x4  }
0x13: {  	[hbm4b:s0+s3] =	stream.linear.scatter [tilespmem:s26], [sflag:$0x4], $0xA000, $0x38;
	[tilespmem:$0x1F900] =	vst v63  }
0x14: {  	_ =	swait.ge [sflag:s1], $0xA000  }
0x15: {  	[sflag:s1] =	ssyncset.done $0x0  }
0x16: {  	s29 =	rddreg [dreg:$0x7];
	[sflag:s1] =	ssyncadd.s32 $0xFFFF6000  }
0x17: {  	[hbm4b:s29+s3] =	stream.linear.scatter [tilespmem:s28], [sflag:$0x4], $0xA000, $0x38;
	[tilespmem:$0x1F900] =	vst v63  }
0x18: {  	_ =	swait.ge [sflag:s1], $0xA000  }
0x19: {  	[sflag:s1] =	ssyncset.done $0x0  }
0x1a: {  	s30 =	rddreg [dreg:$0x8];
	[sflag:s1] =	ssyncadd.s32 $0xFFFF6000  }
0x1b: {  	[hbm4b:s30+s3] =	stream.linear.scatter [tilespmem:s25], [sflag:$0x4], $0x140, $0x38;
	[tilespmem:$0x1F900] =	vst v63  }
0x1c: {  	_ =	swait.ge [sflag:s1], $0x140  }
0x1d: {  	s5 =	rddreg [dreg:$0xa]  }
0x1e: {  	s31 =	rddreg [dreg:$0x9];
	s5 =	sadd.s32 $0x1, s5  }
0x1f: {  	p0 =	sne.s32 s5, s31  }
.Ltmp1:
0x20: {  	_ = 	snop;
	(pc) =	sbr.rel @!p0 .LBB2_26-.Ltmp1, $3  }
0x21: {  	_ =	sdelay $0x1  }
0x22: {  	[sflag:s1] =	ssyncset.done $0x0  }
0x23: {  	[sflag:s1] =	ssyncadd.s32 $0xFFFFFEC0  }
.LBB2_1:
0x24: {  	[dreg:$0xa] =	wrdreg s5  }
0x25: {  	s0 =	rddreg [dreg:$0x3]  }
0x26: {  	[tilespmem:s3], [sflag:$0x4] =	stream.linear.gather [hbm4b:s0+s3], $0x2800, $0x38;
	[tilespmem:$0x1F900] =	vst v63  }
0x27: {  	_ =	swait.ge [sflag:s1], $0x2800  }
0x28: {  	[sflag:s1] =	ssyncset.done $0x0  }
0x29: {  	s29 =	rddreg [dreg:$0x5];
	[sflag:s1] =	ssyncadd.s32 $0xFFFFD800  }
0x2a: {  	[tilespmem:s14], [sflag:$0x4] =	stream.linear.gather [hbm4b:s29+s3], $0x140, $0x38;
	[tilespmem:$0x1F900] =	vst v63  }
0x2b: {  	_ =	swait.ge [sflag:s1], $0x140  }
0x2c: {  	[sflag:s1] =	ssyncset.done $0x0  }
0x2d: {  	s31 =	simm.s32 $0x2980;
	s30 =	rddreg [dreg:$0x4];
	[sflag:s1] =	ssyncadd.s32 $0xFFFFFEC0  }
0x2e: {  	[tilespmem:s31], [sflag:$0x4] =	stream.linear.gather [hbm4b:s30+s3], $0x80, $0x38;
	[tilespmem:$0x1F900] =	vst v63  }
0x2f: {  	_ =	swait.ge [sflag:s1], $0x80  }
0x30: {  	[sflag:s1] =	ssyncset.done $0x0  }
0x31: {  	s0 =	simm.s32 $0x40;
	[sflag:s1] =	ssyncadd.s32 $0xFFFFFF80;
	s1 =	simm.s32 $0x0  }
.LBB2_2:
0x32: {  	p0 =	sne.s32 s0, $0x281C0;
	[tilespmem:s1+$0x2A00] =	vst v1;
	s5 =	smov.u32 s0;
	s0 =	sadd.s32 $0x40, s0  }
.Ltmp2:
0x33: {  	[tilespmem:s1+$0xCA80] =	vst v3;
	(pc) =	sbr.rel @p0 .LBB2_2-.Ltmp2, $2  }
0x34: {  	_ =	sdelay $0x2  }
0x35: {  	s1 =	sshra.s32 s5, $0x2  }
0x36: {  	[tilespmem:s1+$0x2A00] =	vst v1  }
0x37: {  	[tilespmem:s1+$0xCA80] =	vst v3  }
0x38: {  	[tilespmem:$0x16B00] =	vst v3  }
0x39: {  	[tilespmem:$0x16B10] =	vst v3  }
0x3a: {  	[tilespmem:$0x16B20] =	vst v3  }
0x3b: {  	[tilespmem:$0x16B30] =	vst v3  }
0x3c: {  	[tilespmem:$0x16B40] =	vst v3  }
0x3d: {  	[tilespmem:$0x16B50] =	vst v3  }
0x3e: {  	[tilespmem:$0x16B60] =	vst v3  }
0x3f: {  	[tilespmem:$0x16B70] =	vst v3  }
0x40: {  	[tilespmem:$0x16B80] =	vst v3  }
0x41: {  	[tilespmem:$0x16B90] =	vst v3  }
0x42: {  	[tilespmem:$0x16BA0] =	vst v3  }
0x43: {  	[tilespmem:$0x16BB0] =	vst v3  }
0x44: {  	[tilespmem:$0x16BC0] =	vst v3  }
0x45: {  	[tilespmem:$0x16BD0] =	vst v3  }
0x46: {  	[tilespmem:$0x16BE0] =	vst v3  }
0x47: {  	[tilespmem:$0x16BF0] =	vst v3  }
0x48: {  	[tilespmem:$0x16C00] =	vst v3  }
0x49: {  	[tilespmem:$0x16C10] =	vst v3  }
0x4a: {  	[tilespmem:$0x16C20] =	vst v3  }
0x4b: {  	s0 =	simm.s32 $0x0;
	s1 =	simm.s32 $0x0;
	[tilespmem:$0x16C30] =	vst v3  }
.LBB2_4:
0x4c: {  	p0 =	sne.s32 s1, $0x3200  }
.Ltmp3:
0x4d: {  	_ = 	snop;
	(pc) =	sbr.rel @p0 .LBB2_4-.Ltmp3, $4  }
0x4e: {  	_ = 	snop  }
0x4f: {  	s5 =	sshra.s32 s1, $0x2  }
0x50: {  	[tilespmem:s5+$0x19E80] =	vst v4  }
0x51: {  	s1 =	sadd.s32 $0x40, s1;
	[tilespmem:s5+$0x1AB80] =	vst v4  }
0x52: {  	s1 =	simm.s32 $0x16C80  }
.LBB2_6:
0x53: {  	p0 =	sne.s32 s0, $0x180  }
.Ltmp4:
0x54: {  	_ = 	snop;
	(pc) =	sbr.rel @p0 .LBB2_6-.Ltmp4, $4  }
0x55: {  	_ = 	snop  }
0x56: {  	s5 =	sadd.s32 s0, s4;
	s30 =	simm.s32 $0x0  }
0x57: {  	[tilespmem:s1], [sflag:$0x2] =	stream.linear.gather [hbm4b:s5+s30], $0x80, $0x38;
	[tilespmem:$0x1F900] =	vst v63  }
0x58: {  	s0 =	sadd.s32 $0x10, s0;
	s1 =	sadd.s32 $0x100, s1  }
0x59: {  	s0 =	simm.s32 $0x18580;
	s1 =	simm.s32 $0x0  }
.LBB2_8:
0x5a: {  	p0 =	seq.s32 s1, $0x180  }
.Ltmp5:
0x5b: {  	_ = 	snop;
	(pc) =	sbr.rel @!p0 .LBB2_8-.Ltmp5, $4  }
0x5c: {  	_ = 	snop  }
0x5d: {  	s5 =	sadd.s32 s1, s2  }
0x5e: {  	[tilespmem:s0], [sflag:$0x3] =	stream.linear.gather [hbm4b:s5+s30], $0x80, $0x38;
	[tilespmem:$0x1F900] =	vst v63  }
0x5f: {  	s1 =	sadd.s32 $0x10, s1;
	s0 =	sadd.s32 $0x100, s0  }
.Ltmp6:
0x60: {  	(pc) =	sbr.rel .LBB2_11-.Ltmp6, $2  }
0x61: {  	_ =	sdelay $0x2  }
0x62: {  	p0 =	por $0x1, $0x1  }
.LBB2_10:
0x63: {  	p1 =	seq.s32 s30, $0x64  }
.Ltmp7:
0x64: {  	_ = 	snop;
	(pc) =	sbr.rel @p1 .LBB2_25-.Ltmp7, $2  }
0x65: {  	_ =	sdelay $0x2  }
0x66: {  	p0 =	por !p0, !p0  }
.LBB2_11:
0x67: {  	_ =	swait.ge [sflag:s17], $0xC80;
	p1 =	seq.s32 s30, $0x63  }
.Ltmp8:
0x68: {  	[sflag:s17] =	ssyncset.done $0x0;
	(pc) =	sbr.rel @p1 .LBB2_17-.Ltmp8, $4  }
0x69: {  	[sflag:s17] =	ssyncadd.s32 $0xFFFFF380  }
0x6a: {  	_ =	swait.ge [sflag:s18], $0xC80  }
0x6b: {  	[sflag:s18] =	ssyncset.done $0x0  }
0x6c: {  	s0 =	smov.u32 s30;
	s30 =	sadd.s32 $0x1, s30;
	[sflag:s18] =	ssyncadd.s32 $0xFFFFF380  }
0x6d: {  	s1 =	simm.s32 $0x1  }
0x6e: {  	s5 =	smul.u32 $0x190, s30;
	s1 =	simm.s32 @!p0 $0x0  }
0x6f: {  	s7 =	sshll.u32 s1, $0x7  }
0x70: {  	s8 =	sadd.s32 s4, s5;
	s1 =	sadd.s32 $0x18580, s7;
	s7 =	sadd.s32 $0x16C80, s7  }
0x71: {  	s9 =	simm.s32 $0x10;
	s11 =	sadd.s32 $0x0, s8;
	s10 =	sadd.s32 $0x100, s7  }
.LBB2_13:
0x72: {  	[tilespmem:s7], [sflag:$0x2] =	stream.linear.gather [hbm4b:s11+s3], $0x80, $0x38;
	[tilespmem:$0x1F900] =	vst v63  }
0x73: {  	s11 =	smov.u32 s9;
	s7 =	smov.u32 s10;
	p1 =	sne.s32 s9, $0x180  }
.Ltmp9:
0x74: {  	s9 =	sadd.s32 $0x10, s9;
	(pc) =	sbr.rel @p1 .LBB2_13-.Ltmp9, $2  }
0x75: {  	_ =	sdelay $0x2  }
0x76: {  	s10 =	sadd.s32 $0x100, s10;
	s11 =	sadd.s32 s11, s8  }
0x77: {  	[tilespmem:s7], [sflag:$0x2] =	stream.linear.gather [hbm4b:s11+s3], $0x80, $0x38;
	[tilespmem:$0x1F900] =	vst v63  }
0x78: {  	s5 =	sadd.s32 s2, s5  }
0x79: {  	s7 =	simm.s32 $0x10;
	s8 =	sadd.s32 $0x100, s1;
	s9 =	sadd.s32 $0x0, s5  }
.LBB2_15:
0x7a: {  	[tilespmem:s1], [sflag:$0x3] =	stream.linear.gather [hbm4b:s9+s3], $0x80, $0x38;
	[tilespmem:$0x1F900] =	vst v63  }
0x7b: {  	s9 =	smov.u32 s7;
	s1 =	smov.u32 s8;
	p1 =	sne.s32 s7, $0x180  }
.Ltmp10:
0x7c: {  	s7 =	sadd.s32 $0x10, s7;
	(pc) =	sbr.rel @p1 .LBB2_15-.Ltmp10, $2  }
0x7d: {  	_ =	sdelay $0x2  }
0x7e: {  	s8 =	sadd.s32 $0x100, s8;
	s9 =	sadd.s32 s9, s5  }
0x7f: {  	[tilespmem:s1], [sflag:$0x3] =	stream.linear.gather [hbm4b:s9+s3], $0x80, $0x38;
	[tilespmem:$0x1F900] =	vst v63  }
.LBB2_17:
0x80: {  	s0 =	sshll.u32 s0, $0x7  }
0x81: {  	s8 =	simm.s32 $0x0;
	s9 =	simm.s32 $0x0;
	s0 =	sand.u32 $0x80, s0  }
0x82: {  	v10 =	vimm.s32 $0x0;
	s1 =	sor.u32 $0x10, s0;
	s5 =	sor.u32 $0x20, s0;
	s7 =	sor.u32 $0x30, s0  }
.LBB2_18:
0x83: {  	s10 =	sand.u32 $0x40, s9  }
0x84: {  	s11 =	sand.u32 $0x1F00, s8;
	s12 =	sor.u32 s0, s10  }
0x85: {  	s12 =	sor.u32 s11, s12  }
0x86: {  	v11 =	vld [tilespmem:s12+$0x18580];
	_ =	sdelay $0x4  }
0x87: {  	v11 =	vsub.s32 v11, v0  }
0x88: {  	vm1 =	vlt.u32 v11, $0x140  }
0x89: {  	v12 =	vsel vm1, $0x1, v4  }
0x8a: {  	(xrf0) =	vadd.scan.msk.s32 $0xffff, v12;
	_ =	sdelay $0x5  }
0x8b: {  	v12, _, _ =	vpop (xrf0)  }
0x8c: {  	v12 =	vadd.s32 v12, v10  }
0x8d: {  	v13 =	vld [tilespmem:s12+$0x16C80];
	v12 =	vadd.s32 $0xFFFFFFFF, v12;
	_ =	sdelay $0x4  }
0x8e: {  	s29 =	sor.u32 s1, s10;
	[tilespmem:v12+s19+$0x0] =	vst.idx.msk vm1, v13  }
0x8f: {  	s12 =	sor.u32 s11, s29;
	[tilespmem:v12+s20+$0x0] =	vst.idx.msk vm1, v11  }
0x90: {  	v11 =	vld [tilespmem:s12+$0x18580];
	_ =	sdelay $0x4  }
0x91: {  	v11 =	vsub.s32 v11, v0  }
0x92: {  	vm2 =	vlt.u32 v11, $0x140  }
0x93: {  	v55 =	vsel vm2, $0x1, v4  }
0x94: {  	(xrf0) =	vadd.scan.msk.s32 $0xffff, v55;
	_ =	sdelay $0x3  }
0x95: {  	v56 =	vmpcnt.ones.xlane vm1;
	_ =	sdelay $0x1  }
0x96: {  	v10 =	vadd.s32 v10, v56;
	v57, _, _ =	vpop (xrf0)  }
0x97: {  	v12 =	vadd.s32 v57, v10  }
0x98: {  	v13 =	vld [tilespmem:s12+$0x16C80];
	v12 =	vadd.s32 $0xFFFFFFFF, v12;
	_ =	sdelay $0x4  }
0x99: {  	s31 =	sor.u32 s5, s10;
	[tilespmem:v12+s19+$0x0] =	vst.idx.msk vm2, v13  }
0x9a: {  	s12 =	sor.u32 s11, s31;
	[tilespmem:v12+s20+$0x0] =	vst.idx.msk vm2, v11  }
0x9b: {  	v11 =	vld [tilespmem:s12+$0x18580];
	_ =	sdelay $0x4  }
0x9c: {  	v11 =	vsub.s32 v11, v0  }
0x9d: {  	vm1 =	vlt.u32 v11, $0x140  }
0x9e: {  	v58 =	vsel vm1, $0x1, v4  }
0x9f: {  	(xrf0) =	vadd.scan.msk.s32 $0xffff, v58;
	_ =	sdelay $0x3  }
0xa0: {  	v59 =	vmpcnt.ones.xlane vm2;
	_ =	sdelay $0x1  }
0xa1: {  	v10 =	vadd.s32 v10, v59;
	v60, _, _ =	vpop (xrf0)  }
0xa2: {  	v12 =	vadd.s32 v60, v10  }
0xa3: {  	v13 =	vld [tilespmem:s12+$0x16C80];
	v12 =	vadd.s32 $0xFFFFFFFF, v12;
	_ =	sdelay $0x4  }
0xa4: {  	s10 =	sor.u32 s7, s10;
	[tilespmem:v12+s19+$0x0] =	vst.idx.msk vm1, v13  }
0xa5: {  	s10 =	sor.u32 s11, s10;
	[tilespmem:v12+s20+$0x0] =	vst.idx.msk vm1, v11  }
0xa6: {  	v11 =	vld [tilespmem:s10+$0x18580];
	_ =	sdelay $0x4  }
0xa7: {  	v11 =	vsub.s32 v11, v0  }
0xa8: {  	vm2 =	vlt.u32 v11, $0x140  }
0xa9: {  	v61 =	vsel vm2, $0x1, v4  }
0xaa: {  	(xrf0) =	vadd.scan.msk.s32 $0xffff, v61;
	_ =	sdelay $0x3  }
0xab: {  	v62 =	vmpcnt.ones.xlane vm1;
	_ =	sdelay $0x1  }
0xac: {  	v10 =	vadd.s32 v10, v62;
	v63, _, _ =	vpop (xrf0)  }
0xad: {  	v12 =	vadd.s32 v63, v10  }
0xae: {  	v13 =	vld [tilespmem:s10+$0x16C80];
	v12 =	vadd.s32 $0xFFFFFFFF, v12  }
0xaf: {  	p1 =	sne.s32 s9, $0xC40  }
.Ltmp11:
0xb0: {  	_ = 	snop;
	(pc) =	sbr.rel @p1 .LBB2_18-.Ltmp11, $4  }
0xb1: {  	_ = 	snop  }
0xb2: {  	v14 =	vmpcnt.ones.xlane vm2  }
0xb3: {  	[tilespmem:v12+s19+$0x0] =	vst.idx.msk vm2, v13  }
0xb4: {  	s8 =	sadd.s32 $0x80, s8;
	s9 =	sadd.s32 $0x40, s9;
	v10 =	vadd.s32 v10, v14;
	[tilespmem:v12+s20+$0x0] =	vst.idx.msk vm2, v11  }
0xb5: {  	v10 =	vxor.u32 $0x80000000, v10  }
0xb6: {  	(xrf0) =	vmax.scan.msk.u32 $0xffff, v10;
	_ =	sdelay $0x5  }
0xb7: {  	v10, _, _ =	vpop (xrf0)  }
0xb8: {  	(v2sf) =	vpush v10, $0xF;
	_ =	sdelay $0xe  }
0xb9: {  	s1 =	spop (v2sf)  }
0xba: {  	s0 =	sadd.s32 $0x8000001F, s1  }
0xbb: {  	s5 =	sand.u32 $0x1F, s0  }
0xbc: {  	s29 =	sshra.s32 s0, $0x1F;
	p2 =	slt.s32 s0, $0x1;
	p1 =	sne.s32 s5, $0x0  }
0xbd: {  	s5 =	sshrl.u32 s29, $0x1B;
	p1 =	por !p2, !p1  }
0xbe: {  	s0 =	sadd.s32 s5, s0;
	s5 =	simm.s32 $0x1;
	p1 =	por !p1, !p1  }
0xbf: {  	s0 =	sshra.s32 s0, $0x5;
	s5 =	simm.s32 @!p1 $0x0  }
0xc0: {  	s31 =	ssub.s32 s0, s5  }
0xc1: {  	p1 =	slt.s32 s31, $0x1  }
.Ltmp12:
0xc2: {  	_ = 	snop;
	(pc) =	sbr.rel @p1 .LBB2_10-.Ltmp12, $1  }
0xc3: {  	_ =	sdelay $0x3  }
0xc4: {  	v10 =	vld [tilespmem:$0x19E80];
	_ =	sdelay $0x4  }
0xc5: {  	v11 =	vshll.u32 v10, $0x1  }
0xc6: {  	v10 =	vand.u32 $0x7, v10;
	v11 =	vand.u32 $0xFFFFFFF0, v11  }
0xc7: {  	v10 =	vor.u32 v10, v11  }
0xc8: {  	v11 =	vperm.xlane v10, v5;
	_ =	sdelay $0x1  }
0xc9: {  	v10 =	vperm.xlane v10, v7;
	v11 =	vadd.s32 v6, v11;
	_ =	sdelay $0x1  }
0xca: {  	v10 =	vadd.s32 v6, v10;
	_ =	sdelay $0x1  }
0xcb: {  	s0 =	simm.s32 $0x0;
	s5 =	simm.s32 $0x1B900  }
0xcc: {  	[tilespmem:s5], [sflag:$0x1] =	stream.indirect_vreg.gather [hbm4b:s6+s0], $0x80, v11, vm0, $0xb8;
	[tilespmem:$0x1F900] =	vst v63  }
0xcd: {  	_ = 	snop  }
0xce: {  	[tilespmem:s22], [sflag:$0x1] =	stream.indirect_vreg.gather [hbm4b:s6+s0], $0x80, v10, vm0, $0xb8;
	[tilespmem:$0x1F900] =	vst v63  }
0xcf: {  	v10 =	vld [tilespmem:$0x19E90];
	_ =	sdelay $0x4  }
0xd0: {  	v11 =	vshll.u32 v10, $0x1  }
0xd1: {  	v10 =	vand.u32 $0x7, v10;
	v11 =	vand.u32 $0xFFFFFFF0, v11  }
0xd2: {  	v10 =	vor.u32 v10, v11  }
0xd3: {  	v11 =	vperm.xlane v10, v5;
	_ =	sdelay $0x1  }
0xd4: {  	v10 =	vperm.xlane v10, v7;
	v11 =	vadd.s32 v6, v11;
	_ =	sdelay $0x1  }
0xd5: {  	v10 =	vadd.s32 v6, v10  }
.Ltmp13:
0xd6: {  	_ = 	snop;
	(pc) =	sbr.rel .LBB2_22-.Ltmp13, $4  }
0xd7: {  	_ = 	snop  }
0xd8: {  	[tilespmem:s23], [sflag:$0x1] =	stream.indirect_vreg.gather [hbm4b:s6+s0], $0x80, v11, vm0, $0xb8;
	[tilespmem:$0x1F900] =	vst v63  }
0xd9: {  	s1 =	sxor.u32 $0x80000000, s1;
	p1 =	por $0x0, $0x0  }
0xda: {  	[tilespmem:s24], [sflag:$0x1] =	stream.indirect_vreg.gather [hbm4b:s6+s0], $0x80, v10, vm0, $0xb8;
	[tilespmem:$0x1F900] =	vst v63  }
.LBB2_21:
0xdb: {  	p2 =	seq.s32 s0, s31  }
.Ltmp14:
0xdc: {  	_ = 	snop;
	(pc) =	sbr.rel @p2 .LBB2_10-.Ltmp14, $2  }
0xdd: {  	_ =	sdelay $0x2  }
0xde: {  	p1 =	por !p1, !p1  }
.LBB2_22:
0xdf: {  	s8 =	sshll.u32 s0, $0x5  }
0xe0: {  	v10 =	vld [tilespmem:s8+$0x19E80]  }
0xe1: {  	v11 =	vld [tilespmem:s8+$0x1AB80];
	_ =	sdelay $0x6  }
0xe2: {  	v10 =	vld.idx.msk [tilespmem:v10+s3+$0x0], $0xffff  }
0xe3: {  	v12 =	vld.idx.msk [tilespmem:v11+s14+$0x0], $0xffff;
	_ =	sdelay $0x4  }
0xe4: {  	v13 =	vld [tilespmem:$0x2980];
	v10 =	vadd.f32 v12, v10;
	_ =	sdelay $0x1  }
0xe5: {  	v12 =	vmul.f32 $2.000000030e-01, v10  }
0xe6: {  	vm1 =	vgt.f32 v10, $0.0e+00  }
0xe7: {  	v10 =	vsel vm1, v10, v12  }
0xe8: {  	v10 =	vsub.f32 v10, v13;
	_ =	sdelay $0x1  }
0xe9: {  	v10 =	vmul.f32 $1.442695020e+00, v10;
	_ =	sdelay $0x1  }
0xea: {  	s5 =	ssub.s32 s1, s8;
	(erf) = vpow2.f32 v10  }
0xeb: {  	p2 =	slt.s32 s5, $0x20;
	s15 =	smov.u32 s5  }
0xec: {  	s15 =	simm.s32 @!p2 $0x20  }
0xed: {  	v10 =	vmov s15  }
0xee: {  	vm1 =	vgt.s32 v10, v2;
	_ =	sdelay $0x4  }
0xef: {  	v63 =	vpop (erf)  }
0xf0: {  	[tilespmem:v11+s25+$0x0] =	vst.idx.add.f32.msk vm1, v63  }
0xf1: {  	[tilespmem:$0x1B880] =	vst v63  }
0xf2: {  	v11 =	vld [tilespmem:s8+$0x19E90]  }
0xf3: {  	v12 =	vld [tilespmem:s8+$0x1AB90];
	_ =	sdelay $0x6  }
0xf4: {  	v11 =	vld.idx.msk [tilespmem:v11+s3+$0x0], $0xffff  }
0xf5: {  	v14 =	vld.idx.msk [tilespmem:v12+s14+$0x0], $0xffff;
	_ =	sdelay $0x4  }
0xf6: {  	v11 =	vadd.f32 v14, v11;
	_ =	sdelay $0x1  }
0xf7: {  	v14 =	vmul.f32 $2.000000030e-01, v11  }
0xf8: {  	vm1 =	vgt.f32 v11, $0.0e+00  }
0xf9: {  	v11 =	vsel vm1, v11, v14  }
0xfa: {  	v11 =	vsub.f32 v11, v13;
	_ =	sdelay $0x1  }
0xfb: {  	v11 =	vmul.f32 $1.442695020e+00, v11;
	_ =	sdelay $0x1  }
0xfc: {  	(erf) = vpow2.f32 v11;
	_ =	sdelay $0x3  }
0xfd: {  	vm1 =	vgt.s32 v10, v8;
	_ =	sdelay $0x4  }
0xfe: {  	v10 =	vpop (erf)  }
0xff: {  	[tilespmem:v12+s25+$0x0] =	vst.idx.add.f32.msk vm1, v10  }
0x100: {  	[tilespmem:$0x1B890] =	vst v10  }
0x101: {  	_ =	swait.ge [sflag:s16], $0x2000  }
0x102: {  	s0 =	sadd.s32 $0x1, s0;
	[sflag:s16] =	ssyncset.done $0x0  }
0x103: {  	p2 =	sge.s32 s0, s31;
	[sflag:s16] =	ssyncadd.s32 $0xFFFFE000  }
0x104: {  	v10 =	vld @!p2 [tilespmem:s8+$0x19EA0];
	_ =	sdelay $0x4  }
0x105: {  	v11 =	vshll.u32 @!p2 v10, $0x1  }
0x106: {  	v12 =	vlaneseq.u32 @!p2;
	v10 =	vand.u32 @!p2 $0x7, v10;
	v11 =	vand.u32 @!p2 $0xFFFFFFF0, v11  }
0x107: {  	v13 =	vshrl.u32 @!p2 v12, $0x3;
	v10 =	vor.u32 @!p2 v10, v11;
	v11 =	vand.u32 @!p2 $0x7, v12  }
0x108: {  	v13 =	vmul.u32 @!p2 $0x8, v13;
	v14 =	vperm.xlane @!p2 v10, v11  }
0x109: {  	v12 =	vor.u32 @!p2 $0x8, v12  }
0x10a: {  	v10 =	vperm.xlane @!p2 v10, v12;
	v14 =	vadd.s32 @!p2 v13, v14;
	_ =	sdelay $0x1  }
0x10b: {  	s7 =	sshll.u32 @!p2 s0, $0xD;
	v10 =	vadd.s32 @!p2 v13, v10  }
0x10c: {  	s7 =	sand.u32 @!p2 $0x2000, s7  }
0x10d: {  	s10 =	simm.s32 @!p2 $0x0;
	s9 =	sadd.s32 @!p2 $0x1B900, s7;
	vm1 =	vmmov @!p2 $0xffff  }
0x10e: {  	[tilespmem:s9], [sflag:$0x1] =	stream.indirect_vreg.gather @!p2 [hbm4b:s6+s10], $0x80, v14, vm1, $0xb8;
	[tilespmem:$0x1F900] =	vst v63  }
0x10f: {  	s9 =	sor.u32 @!p2 $0x1C100, s7  }
0x110: {  	[tilespmem:s9], [sflag:$0x1] =	stream.indirect_vreg.gather @!p2 [hbm4b:s6+s10], $0x80, v10, vm1, $0xb8;
	[tilespmem:$0x1F900] =	vst v63  }
0x111: {  	v10 =	vld @!p2 [tilespmem:s8+$0x19EB0];
	_ =	sdelay $0x4  }
0x112: {  	v14 =	vshll.u32 @!p2 v10, $0x1  }
0x113: {  	v10 =	vand.u32 @!p2 $0x7, v10;
	v14 =	vand.u32 @!p2 $0xFFFFFFF0, v14  }
0x114: {  	v10 =	vor.u32 @!p2 v10, v14  }
0x115: {  	v11 =	vperm.xlane @!p2 v10, v11;
	_ =	sdelay $0x1  }
0x116: {  	v10 =	vperm.xlane @!p2 v10, v12;
	v11 =	vadd.s32 @!p2 v13, v11;
	_ =	sdelay $0x1  }
0x117: {  	v10 =	vadd.s32 @!p2 v13, v10  }
0x118: {  	s13 =	sadd.s32 $0x1, s15  }
0x119: {  	s21 =	sand.u32 $0x1, s13;
	s9 =	sor.u32 @!p2 $0x1C900, s7  }
0x11a: {  	[tilespmem:s9], [sflag:$0x1] =	stream.indirect_vreg.gather @!p2 [hbm4b:s6+s10], $0x80, v11, vm1, $0xb8;
	[tilespmem:$0x1F900] =	vst v63  }
0x11b: {  	p6 =	slt.s32 s5, $0x0;
	p3 =	seq.s32 s21, $0x1;
	s7 =	sor.u32 @!p2 $0x1D100, s7  }
0x11c: {  	[tilespmem:s7], [sflag:$0x1] =	stream.indirect_vreg.gather @!p2 [hbm4b:s6+s10], $0x80, v10, vm1, $0xb8;
	[tilespmem:$0x1F900] =	vst v63  }
0x11d: {  	s29 =	sshrl.u32 s13, $0x1F;
	p2 =	por !p6, !p3  }
0x11e: {  	s5 =	sadd.s32 s29, s13;
	s7 =	simm.s32 $0x1;
	p2 =	por !p2, !p2  }
0x11f: {  	s5 =	sshra.s32 s5, $0x1;
	s7 =	simm.s32 @!p2 $0x0  }
0x120: {  	s5 =	ssub.s32 s5, s7  }
0x121: {  	p2 =	slt.s32 s5, $0x1  }
.Ltmp15:
0x122: {  	_ = 	snop;
	(pc) =	sbr.rel @p2 .LBB2_21-.Ltmp15, $1  }
0x123: {  	_ =	sdelay $0x3  }
0x124: {  	s8 =	sadd.s32 $0x1AB80, s8  }
0x125: {  	v10 =	vmov s8  }
0x126: {  	s7 =	simm.s32 $0x1  }
0x127: {  	s9 =	simm.s32 $0x0;
	s7 =	simm.s32 @!p1 $0x0  }
0x128: {  	s10 =	simm.s32 $0x0;
	s8 =	simm.s32 $0x0;
	s7 =	sshll.u32 s7, $0xD  }
.LBB2_24:
0x129: {  	s11 =	sand.u32 $0x7FFFFFF0, s8  }
0x12a: {  	v11 =	vld.idx.msk [tilespmem:v10+s11+$0x0 ss:$0x1], $0xffff;
	_ =	sdelay $0x2  }
0x12b: {  	s12 =	sand.u32 $0xE, s8;
	s29 =	sand.u32 $0xFFFFF800, s7  }
0x12c: {  	s13 =	sand.u32 $0x300, s9;
	v12 =	vmov s12;
	s12 =	sadd.s32 $0x1B900, s29  }
0x12d: {  	v13 =	vld [tilespmem:s11+$0x1B880];
	s29 =	sadd.s32 s13, s12;
	v11 =	vperm.xlane v11, v12  }
0x12e: {  	v14 =	vld [tilespmem:s29+$0x0]  }
0x12f: {  	v15 =	vld [tilespmem:s29+$0x10];
	v11 =	vshll.u32 v11, $0x7  }
0x130: {  	p2 =	slt.s32 s8, s15;
	v16 =	vld [tilespmem:s29+$0x20];
	v11 =	vor.u32 v2, v11  }
0x131: {  	v17 =	vld [tilespmem:s29+$0x30];
	v11 =	vpsel p2, v11, v9  }
0x132: {  	v18 =	vld [tilespmem:s29+$0x40];
	v19 =	vor.u32 $0x10, v11  }
0x133: {  	v20 =	vld [tilespmem:s29+$0x50];
	v21 =	vor.u32 $0x20, v11  }
0x134: {  	v22 =	vld [tilespmem:s29+$0x60];
	v23 =	vor.u32 $0x30, v11  }
0x135: {  	v24 =	vld [tilespmem:s29+$0x70];
	v25 =	vor.u32 $0x40, v11  }
0x136: {  	v27 =	vor.u32 $0x50, v11;
	v26 =	vld.idx.msk [tilespmem:v11+s26+$0x0], $0xffff  }
0x137: {  	v29 =	vor.u32 $0x60, v11;
	v28 =	vld.idx.msk [tilespmem:v19+s26+$0x0], $0xffff  }
0x138: {  	v31 =	vor.u32 $0x70, v11;
	v30 =	vld.idx.msk [tilespmem:v21+s26+$0x0], $0xffff  }
0x139: {  	v32 =	vld.idx.msk [tilespmem:v23+s26+$0x0], $0xffff  }
0x13a: {  	v33 =	vld.idx.msk [tilespmem:v25+s26+$0x0], $0xffff  }
0x13b: {  	v34 =	vld.idx.msk [tilespmem:v27+s26+$0x0], $0xffff  }
0x13c: {  	v35 =	vld.idx.msk [tilespmem:v29+s26+$0x0], $0xffff;
	v14 =	vmax.f32 v26, v14  }
0x13d: {  	v54 =	vld.idx.msk [tilespmem:v31+s26+$0x0], $0xffff;
	[tilespmem:v11+s26+$0x0] =	vst.idx.msk $0xffff, v14;
	v55 =	vmax.f32 v28, v15  }
0x13e: {  	v56 =	vmax.f32 v30, v16;
	[tilespmem:v19+s26+$0x0] =	vst.idx.msk $0xffff, v55  }
0x13f: {  	v57 =	vmax.f32 v32, v17;
	[tilespmem:v21+s26+$0x0] =	vst.idx.msk $0xffff, v56  }
0x140: {  	v58 =	vmax.f32 v33, v18;
	[tilespmem:v23+s26+$0x0] =	vst.idx.msk $0xffff, v57  }
0x141: {  	v59 =	vmax.f32 v34, v20;
	[tilespmem:v25+s26+$0x0] =	vst.idx.msk $0xffff, v58  }
0x142: {  	v60 =	vmax.f32 v35, v22;
	[tilespmem:v27+s26+$0x0] =	vst.idx.msk $0xffff, v59  }
0x143: {  	v61 =	vmax.f32 v54, v24;
	[tilespmem:v29+s26+$0x0] =	vst.idx.msk $0xffff, v60  }
0x144: {  	[tilespmem:v31+s26+$0x0] =	vst.idx.msk $0xffff, v61  }
0x145: {  	v14 =	vld [tilespmem:s29+$0x400];
	_ =	sdelay $0x2  }
0x146: {  	v12 =	vperm.xlane v13, v12;
	_ =	sdelay $0x1  }
0x147: {  	v13 =	vmul.f32 v14, v12;
	_ =	sdelay $0x1  }
0x148: {  	[tilespmem:v11+s28+$0x0] =	vst.idx.add.f32.msk $0xffff, v13  }
0x149: {  	v11 =	vld [tilespmem:s29+$0x410];
	_ =	sdelay $0x4  }
0x14a: {  	v11 =	vmul.f32 v11, v12;
	_ =	sdelay $0x1  }
0x14b: {  	[tilespmem:v19+s28+$0x0] =	vst.idx.add.f32.msk $0xffff, v11  }
0x14c: {  	v11 =	vld [tilespmem:s29+$0x420];
	_ =	sdelay $0x4  }
0x14d: {  	v11 =	vmul.f32 v11, v12;
	_ =	sdelay $0x1  }
0x14e: {  	[tilespmem:v21+s28+$0x0] =	vst.idx.add.f32.msk $0xffff, v11  }
0x14f: {  	v11 =	vld [tilespmem:s29+$0x430];
	_ =	sdelay $0x4  }
0x150: {  	v11 =	vmul.f32 v11, v12;
	_ =	sdelay $0x1  }
0x151: {  	[tilespmem:v23+s28+$0x0] =	vst.idx.add.f32.msk $0xffff, v11  }
0x152: {  	v11 =	vld [tilespmem:s29+$0x440];
	_ =	sdelay $0x4  }
0x153: {  	v11 =	vmul.f32 v11, v12;
	_ =	sdelay $0x1  }
0x154: {  	[tilespmem:v25+s28+$0x0] =	vst.idx.add.f32.msk $0xffff, v11  }
0x155: {  	v11 =	vld [tilespmem:s29+$0x450];
	_ =	sdelay $0x4  }
0x156: {  	v11 =	vmul.f32 v11, v12;
	_ =	sdelay $0x1  }
0x157: {  	[tilespmem:v27+s28+$0x0] =	vst.idx.add.f32.msk $0xffff, v11  }
0x158: {  	v11 =	vld [tilespmem:s29+$0x460];
	_ =	sdelay $0x4  }
0x159: {  	v11 =	vmul.f32 v11, v12;
	_ =	sdelay $0x1  }
0x15a: {  	[tilespmem:v29+s28+$0x0] =	vst.idx.add.f32.msk $0xffff, v11  }
0x15b: {  	v11 =	vld [tilespmem:s29+$0x470];
	_ =	sdelay $0x4  }
0x15c: {  	v11 =	vmul.f32 v11, v12;
	_ =	sdelay $0x1  }
0x15d: {  	[tilespmem:v31+s28+$0x0] =	vst.idx.add.f32.msk $0xffff, v11  }
0x15e: {  	v11 =	vld.idx.msk [tilespmem:v10+s11+$0x0 ss:$0x1], $0xffff;
	_ =	sdelay $0x1  }
0x15f: {  	s13 =	sadd.s32 $0x1, s8  }
0x160: {  	s21 =	sadd.s32 $0x80, s9;
	s29 =	sand.u32 $0xF, s13  }
0x161: {  	s21 =	sand.u32 $0x380, s21;
	v12 =	vmov s29  }
0x162: {  	s29 =	sadd.s32 s21, s12;
	v13 =	vld [tilespmem:s11+$0x1B880];
	v11 =	vperm.xlane v11, v12  }
0x163: {  	v62 =	vld [tilespmem:s29+$0x0]  }
0x164: {  	v63 =	vld [tilespmem:s29+$0x10];
	v11 =	vshll.u32 v11, $0x7  }
0x165: {  	p6 =	slt.s32 s13, s15;
	v36 =	vld [tilespmem:s29+$0x20];
	v11 =	vor.u32 v2, v11  }
0x166: {  	v37 =	vld [tilespmem:s29+$0x30];
	v11 =	vpsel p6, v11, v9  }
0x167: {  	v38 =	vld [tilespmem:s29+$0x40];
	v39 =	vor.u32 $0x10, v11  }
0x168: {  	v40 =	vld [tilespmem:s29+$0x50];
	v41 =	vor.u32 $0x20, v11  }
0x169: {  	v42 =	vld [tilespmem:s29+$0x60];
	v43 =	vor.u32 $0x30, v11  }
0x16a: {  	v44 =	vld [tilespmem:s29+$0x70];
	v45 =	vor.u32 $0x40, v11  }
0x16b: {  	v47 =	vor.u32 $0x50, v11;
	v46 =	vld.idx.msk [tilespmem:v11+s26+$0x0], $0xffff  }
0x16c: {  	v49 =	vor.u32 $0x60, v11;
	v48 =	vld.idx.msk [tilespmem:v39+s26+$0x0], $0xffff  }
0x16d: {  	v51 =	vor.u32 $0x70, v11;
	v50 =	vld.idx.msk [tilespmem:v41+s26+$0x0], $0xffff  }
0x16e: {  	v52 =	vld.idx.msk [tilespmem:v43+s26+$0x0], $0xffff  }
0x16f: {  	v53 =	vld.idx.msk [tilespmem:v45+s26+$0x0], $0xffff  }
0x170: {  	v54 =	vld.idx.msk [tilespmem:v47+s26+$0x0], $0xffff  }
0x171: {  	v55 =	vld.idx.msk [tilespmem:v49+s26+$0x0], $0xffff;
	v14 =	vmax.f32 v46, v62  }
0x172: {  	v56 =	vld.idx.msk [tilespmem:v51+s26+$0x0], $0xffff;
	[tilespmem:v11+s26+$0x0] =	vst.idx.msk $0xffff, v14;
	v57 =	vmax.f32 v48, v63  }
0x173: {  	v58 =	vmax.f32 v50, v36;
	[tilespmem:v39+s26+$0x0] =	vst.idx.msk $0xffff, v57  }
0x174: {  	v59 =	vmax.f32 v52, v37;
	[tilespmem:v41+s26+$0x0] =	vst.idx.msk $0xffff, v58  }
0x175: {  	v60 =	vmax.f32 v53, v38;
	[tilespmem:v43+s26+$0x0] =	vst.idx.msk $0xffff, v59  }
0x176: {  	v61 =	vmax.f32 v54, v40;
	[tilespmem:v45+s26+$0x0] =	vst.idx.msk $0xffff, v60  }
0x177: {  	v62 =	vmax.f32 v55, v42;
	[tilespmem:v47+s26+$0x0] =	vst.idx.msk $0xffff, v61  }
0x178: {  	v63 =	vmax.f32 v56, v44;
	[tilespmem:v49+s26+$0x0] =	vst.idx.msk $0xffff, v62  }
0x179: {  	[tilespmem:v51+s26+$0x0] =	vst.idx.msk $0xffff, v63  }
0x17a: {  	v14 =	vld [tilespmem:s29+$0x400];
	_ =	sdelay $0x2  }
0x17b: {  	v12 =	vperm.xlane v13, v12;
	_ =	sdelay $0x1  }
0x17c: {  	v13 =	vmul.f32 v14, v12;
	_ =	sdelay $0x1  }
0x17d: {  	[tilespmem:v11+s28+$0x0] =	vst.idx.add.f32.msk $0xffff, v13  }
0x17e: {  	v11 =	vld [tilespmem:s29+$0x410];
	_ =	sdelay $0x4  }
0x17f: {  	v11 =	vmul.f32 v11, v12;
	_ =	sdelay $0x1  }
0x180: {  	[tilespmem:v39+s28+$0x0] =	vst.idx.add.f32.msk $0xffff, v11  }
0x181: {  	v11 =	vld [tilespmem:s29+$0x420];
	_ =	sdelay $0x4  }
0x182: {  	v11 =	vmul.f32 v11, v12;
	_ =	sdelay $0x1  }
0x183: {  	[tilespmem:v41+s28+$0x0] =	vst.idx.add.f32.msk $0xffff, v11  }
0x184: {  	v11 =	vld [tilespmem:s29+$0x430];
	_ =	sdelay $0x4  }
0x185: {  	v11 =	vmul.f32 v11, v12;
	_ =	sdelay $0x1  }
0x186: {  	[tilespmem:v43+s28+$0x0] =	vst.idx.add.f32.msk $0xffff, v11  }
0x187: {  	v11 =	vld [tilespmem:s29+$0x440];
	_ =	sdelay $0x4  }
0x188: {  	v11 =	vmul.f32 v11, v12;
	_ =	sdelay $0x1  }
0x189: {  	[tilespmem:v45+s28+$0x0] =	vst.idx.add.f32.msk $0xffff, v11  }
0x18a: {  	v11 =	vld [tilespmem:s29+$0x450];
	_ =	sdelay $0x4  }
0x18b: {  	v11 =	vmul.f32 v11, v12;
	_ =	sdelay $0x1  }
0x18c: {  	[tilespmem:v47+s28+$0x0] =	vst.idx.add.f32.msk $0xffff, v11  }
0x18d: {  	v11 =	vld [tilespmem:s29+$0x460];
	_ =	sdelay $0x4  }
0x18e: {  	v11 =	vmul.f32 v11, v12;
	_ =	sdelay $0x1  }
0x18f: {  	[tilespmem:v49+s28+$0x0] =	vst.idx.add.f32.msk $0xffff, v11  }
0x190: {  	v11 =	vld [tilespmem:s29+$0x470]  }
0x191: {  	s10 =	sadd.s32 $0x1, s10  }
0x192: {  	p2 =	slt.s32 s10, s5  }
.Ltmp16:
0x193: {  	_ = 	snop;
	(pc) =	sbr.rel @p2 .LBB2_24-.Ltmp16, $3  }
0x194: {  	_ = 	snop  }
0x195: {  	v11 =	vmul.f32 v11, v12;
	_ =	sdelay $0x1  }
0x196: {  	s9 =	sadd.s32 $0x100, s9;
	s7 =	sadd.s32 $0x200, s7;
	s8 =	sadd.s32 $0x2, s8;
	[tilespmem:v51+s28+$0x0] =	vst.idx.add.f32.msk $0xffff, v11  }
.Ltmp17:
0x197: {  	_ = 	snop;
	(pc) =	sbr.rel .LBB2_21-.Ltmp17, $1  }
0x198: {  	_ =	sdelay $0x3  }
.LBB2_26:
0x199: {  	_ =	sfence.sel $0x180000  }
0x19a: {  	[bflag:$0x0] =	sbarrier.arrive $0xFFFF  }
0x19b: {  	_ =	strace $0x90000047  }
0x19c: {  	s0 =	stileid.u32;
	[bflag:$0x2] =	sbarrier.arrive $0xFFFF  }
0x19d: {  	p0 =	sne.s32 s0, $0x0;
	s0 =	rddreg [dreg:$0x2]  }
0x19e: {  	s0 =	sadd.s32 @!p0 $0x100000, s0  }
0x19f: {  	[sflag:s0] =	ssyncadd.tile.s32 @!p0 $0x1;
	_ =	shalt  }
.Lfunc_end2:
_tile_overlayer_lowered:
.L_overlay_start_2:
0x1a0: {  	(tag) =	ssettag $0x2  }
0x1a1: {  	s0 =	rddreg [dreg:$0x0];
	s2 =	stileid.u32  }
0x1a2: {  	s1 =	rddreg [dreg:$0x1];
	p0 =	sne.s32 s2, $0x0  }
0x1a3: {  	s3 =	rddreg [dreg:$0x2];
	[bflag:$0x3] =	sbarrier.arrive $0xFFFF;
	s2 =	simm.s32 @!p0 $0x1C04  }
0x1a4: {  	[timem:s3], [sflag:s2] =	dma.local @!p0 [hbm:s0], s1  }
0x1a5: {  	s0 =	simm.s32 @!p0 $0x4  }
0x1a6: {  	_ =	swait.ge @!p0 [sflag:s0], s1  }
0x1a7: {  	s1 =	ssub.s32 @!p0 $0x0, s1;
	[sflag:s0] =	ssyncset.done @!p0 $0x0  }
0x1a8: {  	[sflag:s0] =	ssyncadd.s32 @!p0 s1  }
0x1a9: {  	[bflag:$0x3] =	sbarrier.arrive $0xFFFF  }
0x1aa: {  	_ =	shalt  }

</sc_bundles>
